<compile_context>
chip_gen: v7x
topology: tpu7x:2x2x1
jax: 0.10.2.dev20260603
libtpu: 0.0.44.dev20260713+nightly
codegen_flags: <defaults>
</compile_context>

<pallas_src>
import jax
import jax.numpy as jnp
from jax import lax
from jax.experimental import pallas as pl
from jax.experimental.pallas import tpu as pltpu
from jax.experimental.pallas import tpu_sc as plsc

N = 10000
E = 320000
D = 128
DH = D // 2

NC = 2
NS = 16
NW = NC * NS

CH = 128
CPT = 160
TOT_CH = NS * CPT
E_PAD = TOT_CH * CH
RPT = 632
N_PAD = RPT * NS

KD = 4
KN = 5

_TC_B = 1000


def _make_sc_pass(with_deg):

  def body(*refs):
    K = KD if with_deg else KN
    if with_deg:
      (y_hbm, src_hbm, dst_hbm, zacc_hbm, out_hbm, degp_hbm) = refs[:6]
      rest = refs[6:]
    else:
      (y_hbm, src_hbm, dst_hbm, zacc_hbm, out_hbm) = refs[:5]
      rest = refs[5:]
    src_pg, dst_pg = rest[0], rest[1]
    rows = rest[2:2 + K]
    if with_deg:
      dloc = rest[2 + K]
      rest = rest[3 + K:]
    else:
      dloc = None
      rest = rest[2 + K:]
    acc = rest[0]
    gsems = rest[1:1 + K]
    ssems = rest[1 + K:1 + 2 * K]
    cid = lax.axis_index("c")
    sid = lax.axis_index("s")

    pltpu.sync_copy(zacc_hbm.at[pl.ds(sid * RPT, RPT)],
                    acc.at[pl.ds(sid * RPT, RPT)])
    if with_deg:
      def zloop(i, c):
        dloc[pl.ds(i * 16, 16)] = jnp.zeros((16,), jnp.float32)
        return c
      lax.fori_loop(0, N_PAD // 16, zloop, 0)

    plsc.subcore_barrier()

    pltpu.sync_copy(src_hbm.at[pl.ds(cid * TOT_CH + sid * CPT, CPT)], src_pg)
    pltpu.sync_copy(dst_hbm.at[pl.ds(sid * CPT, CPT)], dst_pg)

    ones16 = jnp.ones((16,), jnp.float32)

    def gather(j, b):
      pltpu.async_copy(y_hbm.at[src_pg.at[j]], rows[b], gsems[b])

    def gwait(b):
      pltpu.make_async_copy(y_hbm.at[src_pg.at[0]], rows[b], gsems[b]).wait()

    def sstart(j, b):
      pltpu.async_copy(rows[b], acc.at[dst_pg.at[j]], ssems[b], add=True)

    def swait(b):
      pltpu.make_async_copy(rows[b], acc.at[dst_pg.at[0]], ssems[b]).wait()

    def deg(j):
      if not with_deg:
        return
      @pl.when(jnp.logical_xor(cid == 1, j < CPT // 2))
      def _():
        for k in range(CH // 16):
          idx = dst_pg[j, pl.ds(k * 16, 16)]
          plsc.addupdate_scatter(dloc, [idx], ones16)

    for b in range(K):
      gather(b, b)

    def group(g, carry):
      j0 = K * g
      for b in range(K):
        gwait(b)
        sstart(j0 + b, b)
      for b in range(K):
        swait(b)
        gather(j0 + K + b, b)
      for b in range(K):
        deg(j0 + b)
      return carry

    lax.fori_loop(0, CPT // K - 1, group, 0)

    j0 = CPT - K
    for b in range(K):
      gwait(b)
      sstart(j0 + b, b)
    for b in range(K):
      deg(j0 + b)
      swait(b)

    if with_deg:
      pltpu.sync_copy(dloc, degp_hbm.at[pl.ds((cid * NS + sid) * N_PAD,
                                              N_PAD)])

    plsc.subcore_barrier()

    pltpu.sync_copy(acc.at[pl.ds(sid * RPT, RPT)],
                    out_hbm.at[pl.ds(cid * N_PAD + sid * RPT, RPT)])

  def run(y, src2, dst, zacc):
    mesh = plsc.VectorSubcoreMesh(core_axis_name="c", subcore_axis_name="s")
    out_type = (jax.ShapeDtypeStruct((NC * N_PAD, DH), jnp.float32),)
    if with_deg:
      out_type += (jax.ShapeDtypeStruct((NW * N_PAD,), jnp.float32),)
    K = KD if with_deg else KN
    scratch = (
        [pltpu.VMEM((CPT, CH), jnp.int32),
         pltpu.VMEM((CPT, CH), jnp.int32)]
        + [pltpu.VMEM((CH, DH), jnp.float32)] * K
        + ([pltpu.VMEM((N_PAD,), jnp.float32)]
           if with_deg else [])
        + [pltpu.VMEM_SHARED((N_PAD, DH), jnp.float32)]
        + [pltpu.SemaphoreType.DMA] * (2 * K)
    )
    fn = pl.kernel(
        body, out_type, mesh=mesh, scratch_types=scratch,
        compiler_params=pltpu.CompilerParams(
            needs_layout_passes=False, use_tc_tiling_on_sc=False))
    return fn(y, src2, dst, zacc)

  return run


_sc_pass_deg = _make_sc_pass(True)
_sc_pass_nodeg = _make_sc_pass(False)


def _dotT(a, w):
  return lax.dot_general(a, w, (((1,), (1,)), ((), ())),
                         preferred_element_type=jnp.float32)


def _tc_pre_body(x_ref, wl_ref, wr_ref, b_ref, y_ref, z_ref):
  x = x_ref[...]
  y = _dotT(x, wl_ref[...])
  y_ref[0] = y[:, :DH]
  y_ref[1] = y[:, DH:]
  z_ref[...] = _dotT(x, wr_ref[...]) + b_ref[...]


def _tc_mid_body(p_ref, dt_ref, z1_ref, wl_ref, wr_ref, b_ref, y_ref, z_ref):
  s = jnp.concatenate([p_ref[0], p_ref[1]], axis=1)
  d = jnp.maximum(jnp.sum(dt_ref[...], axis=1, keepdims=True), 1.0)
  h = jnp.maximum(s / d + z1_ref[...], 0.0)
  y = _dotT(h, wl_ref[...])
  y_ref[0] = y[:, :DH]
  y_ref[1] = y[:, DH:]
  z_ref[...] = _dotT(h, wr_ref[...]) + b_ref[...]


def _tc_post_body(p_ref, dt_ref, z2_ref, o_ref):
  s = jnp.concatenate([p_ref[0], p_ref[1]], axis=1)
  d = jnp.maximum(jnp.sum(dt_ref[...], axis=1, keepdims=True), 1.0)
  u = s / d + z2_ref[...]
  nrm = jnp.sqrt(jnp.sum(u * u, axis=1, keepdims=True))
  o_ref[...] = u / jnp.maximum(nrm, 1e-12)


def _row_spec(b):
  return pl.BlockSpec((b, D), lambda i: (i, 0))


def _half_spec(b):
  return pl.BlockSpec((NC, b, DH), lambda i: (0, i, 0))


def _full_spec(shape):
  n = len(shape)
  return pl.BlockSpec(shape, lambda i: (0,) * n)


def _tc_pre(x, wl, wr, b):
  return pl.pallas_call(
      _tc_pre_body,
      grid=(N // _TC_B,),
      in_specs=[_row_spec(_TC_B), _full_spec((D, D)), _full_spec((D, D)),
                _full_spec((1, D))],
      out_specs=[_half_spec(_TC_B), _row_spec(_TC_B)],
      out_shape=[jax.ShapeDtypeStruct((NC, N_PAD, DH), jnp.float32),
                 jax.ShapeDtypeStruct((N, D), jnp.float32)],
  )(x, wl, wr, b)


def _tc_mid(p, dt, z1, wl, wr, b):
  return pl.pallas_call(
      _tc_mid_body,
      grid=(N // _TC_B,),
      in_specs=[_half_spec(_TC_B),
                pl.BlockSpec((_TC_B, NW), lambda i: (i, 0)),
                _row_spec(_TC_B), _full_spec((D, D)), _full_spec((D, D)),
                _full_spec((1, D))],
      out_specs=[_half_spec(_TC_B), _row_spec(_TC_B)],
      out_shape=[jax.ShapeDtypeStruct((NC, N_PAD, DH), jnp.float32),
                 jax.ShapeDtypeStruct((N, D), jnp.float32)],
  )(p, dt, z1, wl, wr, b)


def _tc_post(p, dt, z2):
  return pl.pallas_call(
      _tc_post_body,
      grid=(N // _TC_B,),
      in_specs=[_half_spec(_TC_B),
                pl.BlockSpec((_TC_B, NW), lambda i: (i, 0)),
                _row_spec(_TC_B)],
      out_specs=_row_spec(_TC_B),
      out_shape=jax.ShapeDtypeStruct((N, D), jnp.float32),
  )(p, dt, z2)


@jax.jit
def kernel(x, edge_index, W_l1, b_l1, W_r1, W_l2, b_l2, W_r2):
  srcp = jnp.concatenate([edge_index[0], jnp.zeros((E_PAD - E,), jnp.int32)])
  src2 = jnp.concatenate([srcp, srcp + N_PAD]).reshape(NC * TOT_CH, CH)
  dst = jnp.concatenate(
      [edge_index[1], jnp.full((E_PAD - E,), N, jnp.int32)]
  ).reshape(TOT_CH, CH)
  zacc = jnp.zeros((N_PAD, DH), jnp.float32)

  yh1, z1 = _tc_pre(x, W_l1, W_r1, b_l1.reshape(1, D))
  p1, degp = _sc_pass_deg(yh1.reshape(NC * N_PAD, DH), src2, dst, zacc)
  dt = degp.reshape(NW, N_PAD).T[:N]
  yh2, z2 = _tc_mid(p1.reshape(NC, N_PAD, DH), dt, z1, W_l2, W_r2,
                    b_l2.reshape(1, D))
  (p2,) = _sc_pass_nodeg(yh2.reshape(NC * N_PAD, DH), src2, dst, zacc)
  return _tc_post(p2.reshape(NC, N_PAD, DH), dt, z2)

# --- scband reference (transcript-rebuilt; emitter-appended) ---
"""Pipeline reference for scband-graph-sage-42030549959219 (READ-ONLY COPY).

The authoritative reference and input builder live on the scoring server;
editing this copy changes nothing except your own understanding.
"""

import jax, jax.numpy as jnp
import numpy as np

N = 10000
E = 320000
D_IN = 128
D_HID = 128
D_OUT = 128


def sage_conv(x, src, dst, W_l, b_l, W_r):
    # PyG SAGEConv with mean aggregation:
    # out = lin_l(mean_{j in N(i)} x_j) + lin_r(x_i)
    msgs = jnp.take(x, src, axis=0)
    summed = jax.ops.segment_sum(msgs, dst, num_segments=N)
    deg = jax.ops.segment_sum(jnp.ones((src.shape[0],), dtype=x.dtype), dst, num_segments=N)
    agg = summed / jnp.maximum(deg, 1.0)[:, None]
    return agg @ W_l.T + b_l + x @ W_r.T


def setup_inputs(seed: int = 0):
    key = jax.random.key(seed)
    ks = jax.random.split(key, 8)
    x = jax.random.normal(ks[0], (N, D_IN), dtype=jnp.float32)
    edge_index = jax.random.randint(ks[1], (2, E), 0, N, dtype=jnp.int32)
    s1 = float(1.0 / np.sqrt(D_IN))
    s2 = float(1.0 / np.sqrt(D_HID))
    W_l1 = jax.random.uniform(ks[2], (D_HID, D_IN), jnp.float32, -s1, s1)
    b_l1 = jnp.zeros((D_HID,), jnp.float32)
    W_r1 = jax.random.uniform(ks[3], (D_HID, D_IN), jnp.float32, -s1, s1)
    W_l2 = jax.random.uniform(ks[4], (D_OUT, D_HID), jnp.float32, -s2, s2)
    b_l2 = jnp.zeros((D_OUT,), jnp.float32)
    W_r2 = jax.random.uniform(ks[5], (D_OUT, D_HID), jnp.float32, -s2, s2)
    return {"x": x, "edge_index": edge_index, "W_l1": W_l1, "b_l1": b_l1, "W_r1": W_r1, "W_l2": W_l2, "b_l2": b_l2, "W_r2": W_r2}


def reference(x, edge_index, W_l1, b_l1, W_r1, W_l2, b_l2, W_r2):
    src = edge_index[0]
    dst = edge_index[1]
    h = sage_conv(x, src, dst, W_l1, b_l1, W_r1)
    h = jax.nn.relu(h)
    # dropout rate 0.0 -> identity (module in eval / p=0)
    out = sage_conv(h, src, dst, W_l2, b_l2, W_r2)
    # F.normalize(x, p=2, dim=1)
    norm = jnp.linalg.norm(out, axis=1, keepdims=True)
    out = out / jnp.maximum(norm, 1e-12)
    return out

if __name__ == "__main__":
    import jax
    _d = setup_inputs()
    print(jax.jit(kernel)(*tuple(_d.values())))

</pallas_src>

<mosaic_0001>
#map = affine_map<(d0, d1) -> (0, 0)>
#map1 = affine_map<(d0, d1) -> (0)>
module attributes {stable_mosaic.version = 14 : i64} {
  func.func @body(%arg0: i32, %arg1: i32, %arg2: memref<20224x64xf32, #tpu.memory_space<hbm>>, %arg3: memref<5120x128xi32, #tpu.memory_space<hbm>>, %arg4: memref<2560x128xi32, #tpu.memory_space<hbm>>, %arg5: memref<10112x64xf32, #tpu.memory_space<hbm>>, %arg6: memref<20224x64xf32, #tpu.memory_space<hbm>>, %arg7: memref<323584xf32, #tpu.memory_space<hbm>>, %arg8: memref<160x128xi32, #tpu.memory_space<vmem>>, %arg9: memref<160x128xi32, #tpu.memory_space<vmem>>, %arg10: memref<128x64xf32, #tpu.memory_space<vmem>>, %arg11: memref<128x64xf32, #tpu.memory_space<vmem>>, %arg12: memref<128x64xf32, #tpu.memory_space<vmem>>, %arg13: memref<128x64xf32, #tpu.memory_space<vmem>>, %arg14: memref<10112xf32, #tpu.memory_space<vmem>>, %arg15: memref<10112x64xf32, #tpu.memory_space<vmem_shared>>, %arg16: memref<!tpu.dma_semaphore, #tpu.memory_space<semaphore_mem>>, %arg17: memref<!tpu.dma_semaphore, #tpu.memory_space<semaphore_mem>>, %arg18: memref<!tpu.dma_semaphore, #tpu.memory_space<semaphore_mem>>, %arg19: memref<!tpu.dma_semaphore, #tpu.memory_space<semaphore_mem>>, %arg20: memref<!tpu.dma_semaphore, #tpu.memory_space<semaphore_mem>>, %arg21: memref<!tpu.dma_semaphore, #tpu.memory_space<semaphore_mem>>, %arg22: memref<!tpu.dma_semaphore, #tpu.memory_space<semaphore_mem>>, %arg23: memref<!tpu.dma_semaphore, #tpu.memory_space<semaphore_mem>>) attributes {dimension_semantics = [#tpu.dimension_semantics<core_parallel>, #tpu.dimension_semantics<subcore_parallel>], iteration_bounds = array<i64: 2, 16>, scalar_prefetch = 0 : i64, scratch_operands = 16 : i64, tpu.core_type = #tpu.core_type<sc_vector_subcore>, window_params = [{transform_indices = #map}, {transform_indices = #map}, {transform_indices = #map}, {transform_indices = #map}, {transform_indices = #map}, {transform_indices = #map1}]} {
    %mul3A = arith.constant 632 : i32
    %mul3A_0 = arith.muli %arg1, %mul3A : i32
    %mul3A_1 = arith.constant 632 : i32
    %mul3A_2 = arith.muli %arg1, %mul3A_1 : i32
    "tpu.region"() ({
      %run_scoped3A = tpu.sem_alloc : memref<!tpu.dma_semaphore, #tpu.memory_space<semaphore_mem>>
      %dma_start3A_168 = arith.constant 0 : i32
      %dma_start3A_169 = tpu.memref_slice %arg15[%mul3A_2, %dma_start3A_168] : memref<10112x64xf32, #tpu.memory_space<vmem_shared>> -> memref<632x64xf32, #tpu.memory_space<vmem_shared>>
      %dma_start3A_170 = arith.constant 0 : i32
      %dma_start3A_171 = tpu.memref_slice %arg5[%mul3A_0, %dma_start3A_170] : memref<10112x64xf32, #tpu.memory_space<hbm>> -> memref<632x64xf32, #tpu.memory_space<hbm>>
      tpu.enqueue_dma source(%dma_start3A_171 : memref<632x64xf32, #tpu.memory_space<hbm>>) target(%dma_start3A_169 : memref<632x64xf32, #tpu.memory_space<vmem_shared>>) target_semaphore(%run_scoped3A : memref<!tpu.dma_semaphore, #tpu.memory_space<semaphore_mem>>)
      %dma_wait3A_172 = arith.constant 0 : i32
      %dma_wait3A_173 = tpu.memref_slice %arg15[%mul3A_2, %dma_wait3A_172] : memref<10112x64xf32, #tpu.memory_space<vmem_shared>> -> memref<632x64xf32, #tpu.memory_space<vmem_shared>>
      %dma_wait3A_174 = arith.constant 0 : i32
      %dma_wait3A_175 = tpu.memref_slice %arg5[%mul3A_0, %dma_wait3A_174] : memref<10112x64xf32, #tpu.memory_space<hbm>> -> memref<632x64xf32, #tpu.memory_space<hbm>>
      tpu.wait_dma2 semaphore(%run_scoped3A : memref<!tpu.dma_semaphore, #tpu.memory_space<semaphore_mem>>) src(%dma_wait3A_175 : memref<632x64xf32, #tpu.memory_space<hbm>>) dst(%dma_wait3A_173 : memref<632x64xf32, #tpu.memory_space<vmem_shared>>)
      tpu.yield
    }) : () -> ()
    %scan3A = arith.constant 0 : i32
    %scan3A_3 = arith.constant 0 : i32
    %scan3A_4 = arith.constant 632 : i32
    %scan3A_5 = arith.addi %scan3A_3, %scan3A_4 : i32
    %scan3A_6 = arith.constant 1 : i32
    scf.for %scan3A_168 = %scan3A_3 to %scan3A_5 step %scan3A_6  : i32 {
      %broadcast_in_dim3A_169 = arith.constant 0.000000e+00 : f32
      %broadcast_in_dim3A_170 = vector.broadcast %broadcast_in_dim3A_169 : f32 to vector<16xf32>
      %mul3A_171 = arith.constant 16 : i32
      %mul3A_172 = arith.muli %scan3A_168, %mul3A_171 : i32
      %swap3A = arith.index_cast %mul3A_172 : i32 to index
      %swap3A_173 = tpu.vector_load %arg14[%swap3A] {strides = array<i32>} : memref<10112xf32, #tpu.memory_space<vmem>>, vector<16xf32>,
      tpu.vector_store %arg14[%swap3A], %broadcast_in_dim3A_170 {strides = array<i32>} : memref<10112xf32, #tpu.memory_space<vmem>>, vector<16xf32>,
    }
    %scan3A_7 = arith.constant 632 : i32
    %barrier3A = arith.constant 0 : index
    tpu.barrier barrier_id(%barrier3A)
    %mul3A_8 = arith.constant 2560 : i32
    %mul3A_9 = arith.muli %arg0, %mul3A_8 : i32
    %mul3A_10 = arith.constant 160 : i32
    %mul3A_11 = arith.muli %arg1, %mul3A_10 : i32
    %add3A = arith.addi %mul3A_9, %mul3A_11 : i32
    "tpu.region"() ({
      %run_scoped3A = tpu.sem_alloc : memref<!tpu.dma_semaphore, #tpu.memory_space<semaphore_mem>>
      %dma_start3A_168 = arith.constant 0 : i32
      %dma_start3A_169 = tpu.memref_slice %arg3[%add3A, %dma_start3A_168] : memref<5120x128xi32, #tpu.memory_space<hbm>> -> memref<160x128xi32, #tpu.memory_space<hbm>>
      %dma_start3A_170 = arith.constant 0 : i32
      %dma_start3A_171 = tpu.memref_slice %arg3[%add3A, %dma_start3A_170] : memref<5120x128xi32, #tpu.memory_space<hbm>> -> memref<160x128xi32, #tpu.memory_space<hbm>>
      tpu.enqueue_dma source(%dma_start3A_171 : memref<160x128xi32, #tpu.memory_space<hbm>>) target(%arg8 : memref<160x128xi32, #tpu.memory_space<vmem>>) target_semaphore(%run_scoped3A : memref<!tpu.dma_semaphore, #tpu.memory_space<semaphore_mem>>)
      %dma_wait3A_172 = arith.constant 0 : i32
      %dma_wait3A_173 = tpu.memref_slice %arg3[%add3A, %dma_wait3A_172] : memref<5120x128xi32, #tpu.memory_space<hbm>> -> memref<160x128xi32, #tpu.memory_space<hbm>>
      %dma_wait3A_174 = arith.constant 0 : i32
      %dma_wait3A_175 = tpu.memref_slice %arg3[%add3A, %dma_wait3A_174] : memref<5120x128xi32, #tpu.memory_space<hbm>> -> memref<160x128xi32, #tpu.memory_space<hbm>>
      tpu.wait_dma2 semaphore(%run_scoped3A : memref<!tpu.dma_semaphore, #tpu.memory_space<semaphore_mem>>) src(%dma_wait3A_175 : memref<160x128xi32, #tpu.memory_space<hbm>>) dst(%arg8 : memref<160x128xi32, #tpu.memory_space<vmem>>)
      tpu.yield
    }) : () -> ()
    %mul3A_12 = arith.constant 160 : i32
    %mul3A_13 = arith.muli %arg1, %mul3A_12 : i32
    "tpu.region"() ({
      %run_scoped3A = tpu.sem_alloc : memref<!tpu.dma_semaphore, #tpu.memory_space<semaphore_mem>>
      %dma_start3A_168 = arith.constant 0 : i32
      %dma_start3A_169 = tpu.memref_slice %arg4[%mul3A_13, %dma_start3A_168] : memref<2560x128xi32, #tpu.memory_space<hbm>> -> memref<160x128xi32, #tpu.memory_space<hbm>>
      %dma_start3A_170 = arith.constant 0 : i32
      %dma_start3A_171 = tpu.memref_slice %arg4[%mul3A_13, %dma_start3A_170] : memref<2560x128xi32, #tpu.memory_space<hbm>> -> memref<160x128xi32, #tpu.memory_space<hbm>>
      tpu.enqueue_dma source(%dma_start3A_171 : memref<160x128xi32, #tpu.memory_space<hbm>>) target(%arg9 : memref<160x128xi32, #tpu.memory_space<vmem>>) target_semaphore(%run_scoped3A : memref<!tpu.dma_semaphore, #tpu.memory_space<semaphore_mem>>)
      %dma_wait3A_172 = arith.constant 0 : i32
      %dma_wait3A_173 = tpu.memref_slice %arg4[%mul3A_13, %dma_wait3A_172] : memref<2560x128xi32, #tpu.memory_space<hbm>> -> memref<160x128xi32, #tpu.memory_space<hbm>>
      %dma_wait3A_174 = arith.constant 0 : i32
      %dma_wait3A_175 = tpu.memref_slice %arg4[%mul3A_13, %dma_wait3A_174] : memref<2560x128xi32, #tpu.memory_space<hbm>> -> memref<160x128xi32, #tpu.memory_space<hbm>>
      tpu.wait_dma2 semaphore(%run_scoped3A : memref<!tpu.dma_semaphore, #tpu.memory_space<semaphore_mem>>) src(%dma_wait3A_175 : memref<160x128xi32, #tpu.memory_space<hbm>>) dst(%arg9 : memref<160x128xi32, #tpu.memory_space<vmem>>)
      tpu.yield
    }) : () -> ()
    %broadcast_in_dim3A = arith.constant 1.000000e+00 : f32
    %broadcast_in_dim3A_14 = vector.broadcast %broadcast_in_dim3A : f32 to vector<16xf32>
    %dma_start3A = arith.constant 0 : i32
    %dma_start3A_15 = arith.constant 0 : i32
    %dma_start3A_16 = tpu.memref_slice %arg8[%dma_start3A, %dma_start3A_15] : memref<160x128xi32, #tpu.memory_space<vmem>> -> memref<1x128xi32, #tpu.memory_space<vmem>>
    %dma_start3A_17 = tpu.memref_squeeze %dma_start3A_16 : memref<1x128xi32, #tpu.memory_space<vmem>> -> memref<128xi32, #tpu.memory_space<vmem>>
    %dma_start3A_18 = arith.constant 0 : i32
    %dma_start3A_19 = arith.constant 0 : i32
    %dma_start3A_20 = tpu.memref_slice %arg2[%dma_start3A_18, %dma_start3A_19] : memref<20224x64xf32, #tpu.memory_space<hbm>> -> memref<20224x64xf32, #tpu.memory_space<hbm>>
    tpu.enqueue_indirect_dma source(%dma_start3A_20 : memref<20224x64xf32, #tpu.memory_space<hbm>>) target(%arg10 : memref<128x64xf32, #tpu.memory_space<vmem>>) offsets(%dma_start3A_17 : memref<128xi32, #tpu.memory_space<vmem>>) semaphore(%arg16 : memref<!tpu.dma_semaphore, #tpu.memory_space<semaphore_mem>>)
    %dma_start3A_21 = arith.constant 1 : i32
    %dma_start3A_22 = arith.constant 0 : i32
    %dma_start3A_23 = tpu.memref_slice %arg8[%dma_start3A_21, %dma_start3A_22] : memref<160x128xi32, #tpu.memory_space<vmem>> -> memref<1x128xi32, #tpu.memory_space<vmem>>
    %dma_start3A_24 = tpu.memref_squeeze %dma_start3A_23 : memref<1x128xi32, #tpu.memory_space<vmem>> -> memref<128xi32, #tpu.memory_space<vmem>>
    %dma_start3A_25 = arith.constant 0 : i32
    %dma_start3A_26 = arith.constant 0 : i32
    %dma_start3A_27 = tpu.memref_slice %arg2[%dma_start3A_25, %dma_start3A_26] : memref<20224x64xf32, #tpu.memory_space<hbm>> -> memref<20224x64xf32, #tpu.memory_space<hbm>>
    tpu.enqueue_indirect_dma source(%dma_start3A_27 : memref<20224x64xf32, #tpu.memory_space<hbm>>) target(%arg11 : memref<128x64xf32, #tpu.memory_space<vmem>>) offsets(%dma_start3A_24 : memref<128xi32, #tpu.memory_space<vmem>>) semaphore(%arg17 : memref<!tpu.dma_semaphore, #tpu.memory_space<semaphore_mem>>)
    %dma_start3A_28 = arith.constant 2 : i32
    %dma_start3A_29 = arith.constant 0 : i32
    %dma_start3A_30 = tpu.memref_slice %arg8[%dma_start3A_28, %dma_start3A_29] : memref<160x128xi32, #tpu.memory_space<vmem>> -> memref<1x128xi32, #tpu.memory_space<vmem>>
    %dma_start3A_31 = tpu.memref_squeeze %dma_start3A_30 : memref<1x128xi32, #tpu.memory_space<vmem>> -> memref<128xi32, #tpu.memory_space<vmem>>
    %dma_start3A_32 = arith.constant 0 : i32
    %dma_start3A_33 = arith.constant 0 : i32
    %dma_start3A_34 = tpu.memref_slice %arg2[%dma_start3A_32, %dma_start3A_33] : memref<20224x64xf32, #tpu.memory_space<hbm>> -> memref<20224x64xf32, #tpu.memory_space<hbm>>
    tpu.enqueue_indirect_dma source(%dma_start3A_34 : memref<20224x64xf32, #tpu.memory_space<hbm>>) target(%arg12 : memref<128x64xf32, #tpu.memory_space<vmem>>) offsets(%dma_start3A_31 : memref<128xi32, #tpu.memory_space<vmem>>) semaphore(%arg18 : memref<!tpu.dma_semaphore, #tpu.memory_space<semaphore_mem>>)
    %dma_start3A_35 = arith.constant 3 : i32
    %dma_start3A_36 = arith.constant 0 : i32
    %dma_start3A_37 = tpu.memref_slice %arg8[%dma_start3A_35, %dma_start3A_36] : memref<160x128xi32, #tpu.memory_space<vmem>> -> memref<1x128xi32, #tpu.memory_space<vmem>>
    %dma_start3A_38 = tpu.memref_squeeze %dma_start3A_37 : memref<1x128xi32, #tpu.memory_space<vmem>> -> memref<128xi32, #tpu.memory_space<vmem>>
    %dma_start3A_39 = arith.constant 0 : i32
    %dma_start3A_40 = arith.constant 0 : i32
    %dma_start3A_41 = tpu.memref_slice %arg2[%dma_start3A_39, %dma_start3A_40] : memref<20224x64xf32, #tpu.memory_space<hbm>> -> memref<20224x64xf32, #tpu.memory_space<hbm>>
    tpu.enqueue_indirect_dma source(%dma_start3A_41 : memref<20224x64xf32, #tpu.memory_space<hbm>>) target(%arg13 : memref<128x64xf32, #tpu.memory_space<vmem>>) offsets(%dma_start3A_38 : memref<128xi32, #tpu.memory_space<vmem>>) semaphore(%arg19 : memref<!tpu.dma_semaphore, #tpu.memory_space<semaphore_mem>>)
    %scan3A_42 = arith.constant 0 : i32
    %scan3A_43 = arith.constant 0 : i32
    %scan3A_44 = arith.constant 39 : i32
    %scan3A_45 = arith.addi %scan3A_43, %scan3A_44 : i32
    %scan3A_46 = arith.constant 1 : i32
    scf.for %scan3A_168 = %scan3A_43 to %scan3A_45 step %scan3A_46  : i32 {
      %mul3A_169 = arith.constant 4 : i32
      %mul3A_170 = arith.muli %mul3A_169, %scan3A_168 : i32
      %dma_wait3A_171 = arith.constant 0 : i32
      %dma_wait3A_172 = arith.constant 0 : i32
      %dma_wait3A_173 = tpu.memref_slice %arg8[%dma_wait3A_171, %dma_wait3A_172] : memref<160x128xi32, #tpu.memory_space<vmem>> -> memref<1x128xi32, #tpu.memory_space<vmem>>
      %dma_wait3A_174 = tpu.memref_squeeze %dma_wait3A_173 : memref<1x128xi32, #tpu.memory_space<vmem>> -> memref<128xi32, #tpu.memory_space<vmem>>
      %dma_wait3A_175 = arith.constant 0 : i32
      %dma_wait3A_176 = arith.constant 0 : i32
      %dma_wait3A_177 = tpu.memref_slice %arg2[%dma_wait3A_175, %dma_wait3A_176] : memref<20224x64xf32, #tpu.memory_space<hbm>> -> memref<20224x64xf32, #tpu.memory_space<hbm>>
      tpu.wait_indirect_dma semaphore(%arg16 : memref<!tpu.dma_semaphore, #tpu.memory_space<semaphore_mem>>) src(%dma_wait3A_177 : memref<20224x64xf32, #tpu.memory_space<hbm>>) dst(%arg10 : memref<128x64xf32, #tpu.memory_space<vmem>>)
      %add3A_178 = arith.constant 0 : i32
      %add3A_179 = arith.addi %mul3A_170, %add3A_178 : i32
      %dma_start3A_180 = arith.constant 0 : i32
      %dma_start3A_181 = tpu.memref_slice %arg9[%add3A_179, %dma_start3A_180] : memref<160x128xi32, #tpu.memory_space<vmem>> -> memref<1x128xi32, #tpu.memory_space<vmem>>
      %dma_start3A_182 = tpu.memref_squeeze %dma_start3A_181 : memref<1x128xi32, #tpu.memory_space<vmem>> -> memref<128xi32, #tpu.memory_space<vmem>>
      %dma_start3A_183 = arith.constant 0 : i32
      %dma_start3A_184 = arith.constant 0 : i32
      %dma_start3A_185 = tpu.memref_slice %arg15[%dma_start3A_183, %dma_start3A_184] : memref<10112x64xf32, #tpu.memory_space<vmem_shared>> -> memref<10112x64xf32, #tpu.memory_space<vmem_shared>>
      tpu.enqueue_indirect_dma source(%arg10 : memref<128x64xf32, #tpu.memory_space<vmem>>) target(%dma_start3A_185 : memref<10112x64xf32, #tpu.memory_space<vmem_shared>>) offsets(%dma_start3A_182 : memref<128xi32, #tpu.memory_space<vmem>>) semaphore(%arg20 : memref<!tpu.dma_semaphore, #tpu.memory_space<semaphore_mem>>) {add = true}
      %dma_wait3A_186 = arith.constant 0 : i32
      %dma_wait3A_187 = arith.constant 0 : i32
      %dma_wait3A_188 = tpu.memref_slice %arg8[%dma_wait3A_186, %dma_wait3A_187] : memref<160x128xi32, #tpu.memory_space<vmem>> -> memref<1x128xi32, #tpu.memory_space<vmem>>
      %dma_wait3A_189 = tpu.memref_squeeze %dma_wait3A_188 : memref<1x128xi32, #tpu.memory_space<vmem>> -> memref<128xi32, #tpu.memory_space<vmem>>
      %dma_wait3A_190 = arith.constant 0 : i32
      %dma_wait3A_191 = arith.constant 0 : i32
      %dma_wait3A_192 = tpu.memref_slice %arg2[%dma_wait3A_190, %dma_wait3A_191] : memref<20224x64xf32, #tpu.memory_space<hbm>> -> memref<20224x64xf32, #tpu.memory_space<hbm>>
      tpu.wait_indirect_dma semaphore(%arg17 : memref<!tpu.dma_semaphore, #tpu.memory_space<semaphore_mem>>) src(%dma_wait3A_192 : memref<20224x64xf32, #tpu.memory_space<hbm>>) dst(%arg11 : memref<128x64xf32, #tpu.memory_space<vmem>>)
      %add3A_193 = arith.constant 1 : i32
      %add3A_194 = arith.addi %mul3A_170, %add3A_193 : i32
      %dma_start3A_195 = arith.constant 0 : i32
      %dma_start3A_196 = tpu.memref_slice %arg9[%add3A_194, %dma_start3A_195] : memref<160x128xi32, #tpu.memory_space<vmem>> -> memref<1x128xi32, #tpu.memory_space<vmem>>
      %dma_start3A_197 = tpu.memref_squeeze %dma_start3A_196 : memref<1x128xi32, #tpu.memory_space<vmem>> -> memref<128xi32, #tpu.memory_space<vmem>>
      %dma_start3A_198 = arith.constant 0 : i32
      %dma_start3A_199 = arith.constant 0 : i32
      %dma_start3A_200 = tpu.memref_slice %arg15[%dma_start3A_198, %dma_start3A_199] : memref<10112x64xf32, #tpu.memory_space<vmem_shared>> -> memref<10112x64xf32, #tpu.memory_space<vmem_shared>>
      tpu.enqueue_indirect_dma source(%arg11 : memref<128x64xf32, #tpu.memory_space<vmem>>) target(%dma_start3A_200 : memref<10112x64xf32, #tpu.memory_space<vmem_shared>>) offsets(%dma_start3A_197 : memref<128xi32, #tpu.memory_space<vmem>>) semaphore(%arg21 : memref<!tpu.dma_semaphore, #tpu.memory_space<semaphore_mem>>) {add = true}
      %dma_wait3A_201 = arith.constant 0 : i32
      %dma_wait3A_202 = arith.constant 0 : i32
      %dma_wait3A_203 = tpu.memref_slice %arg8[%dma_wait3A_201, %dma_wait3A_202] : memref<160x128xi32, #tpu.memory_space<vmem>> -> memref<1x128xi32, #tpu.memory_space<vmem>>
      %dma_wait3A_204 = tpu.memref_squeeze %dma_wait3A_203 : memref<1x128xi32, #tpu.memory_space<vmem>> -> memref<128xi32, #tpu.memory_space<vmem>>
      %dma_wait3A_205 = arith.constant 0 : i32
      %dma_wait3A_206 = arith.constant 0 : i32
      %dma_wait3A_207 = tpu.memref_slice %arg2[%dma_wait3A_205, %dma_wait3A_206] : memref<20224x64xf32, #tpu.memory_space<hbm>> -> memref<20224x64xf32, #tpu.memory_space<hbm>>
      tpu.wait_indirect_dma semaphore(%arg18 : memref<!tpu.dma_semaphore, #tpu.memory_space<semaphore_mem>>) src(%dma_wait3A_207 : memref<20224x64xf32, #tpu.memory_space<hbm>>) dst(%arg12 : memref<128x64xf32, #tpu.memory_space<vmem>>)
      %add3A_208 = arith.constant 2 : i32
      %add3A_209 = arith.addi %mul3A_170, %add3A_208 : i32
      %dma_start3A_210 = arith.constant 0 : i32
      %dma_start3A_211 = tpu.memref_slice %arg9[%add3A_209, %dma_start3A_210] : memref<160x128xi32, #tpu.memory_space<vmem>> -> memref<1x128xi32, #tpu.memory_space<vmem>>
      %dma_start3A_212 = tpu.memref_squeeze %dma_start3A_211 : memref<1x128xi32, #tpu.memory_space<vmem>> -> memref<128xi32, #tpu.memory_space<vmem>>
      %dma_start3A_213 = arith.constant 0 : i32
      %dma_start3A_214 = arith.constant 0 : i32
      %dma_start3A_215 = tpu.memref_slice %arg15[%dma_start3A_213, %dma_start3A_214] : memref<10112x64xf32, #tpu.memory_space<vmem_shared>> -> memref<10112x64xf32, #tpu.memory_space<vmem_shared>>
      tpu.enqueue_indirect_dma source(%arg12 : memref<128x64xf32, #tpu.memory_space<vmem>>) target(%dma_start3A_215 : memref<10112x64xf32, #tpu.memory_space<vmem_shared>>) offsets(%dma_start3A_212 : memref<128xi32, #tpu.memory_space<vmem>>) semaphore(%arg22 : memref<!tpu.dma_semaphore, #tpu.memory_space<semaphore_mem>>) {add = true}
      %dma_wait3A_216 = arith.constant 0 : i32
      %dma_wait3A_217 = arith.constant 0 : i32
      %dma_wait3A_218 = tpu.memref_slice %arg8[%dma_wait3A_216, %dma_wait3A_217] : memref<160x128xi32, #tpu.memory_space<vmem>> -> memref<1x128xi32, #tpu.memory_space<vmem>>
      %dma_wait3A_219 = tpu.memref_squeeze %dma_wait3A_218 : memref<1x128xi32, #tpu.memory_space<vmem>> -> memref<128xi32, #tpu.memory_space<vmem>>
      %dma_wait3A_220 = arith.constant 0 : i32
      %dma_wait3A_221 = arith.constant 0 : i32
      %dma_wait3A_222 = tpu.memref_slice %arg2[%dma_wait3A_220, %dma_wait3A_221] : memref<20224x64xf32, #tpu.memory_space<hbm>> -> memref<20224x64xf32, #tpu.memory_space<hbm>>
      tpu.wait_indirect_dma semaphore(%arg19 : memref<!tpu.dma_semaphore, #tpu.memory_space<semaphore_mem>>) src(%dma_wait3A_222 : memref<20224x64xf32, #tpu.memory_space<hbm>>) dst(%arg13 : memref<128x64xf32, #tpu.memory_space<vmem>>)
      %add3A_223 = arith.constant 3 : i32
      %add3A_224 = arith.addi %mul3A_170, %add3A_223 : i32
      %dma_start3A_225 = arith.constant 0 : i32
      %dma_start3A_226 = tpu.memref_slice %arg9[%add3A_224, %dma_start3A_225] : memref<160x128xi32, #tpu.memory_space<vmem>> -> memref<1x128xi32, #tpu.memory_space<vmem>>
      %dma_start3A_227 = tpu.memref_squeeze %dma_start3A_226 : memref<1x128xi32, #tpu.memory_space<vmem>> -> memref<128xi32, #tpu.memory_space<vmem>>
      %dma_start3A_228 = arith.constant 0 : i32
      %dma_start3A_229 = arith.constant 0 : i32
      %dma_start3A_230 = tpu.memref_slice %arg15[%dma_start3A_228, %dma_start3A_229] : memref<10112x64xf32, #tpu.memory_space<vmem_shared>> -> memref<10112x64xf32, #tpu.memory_space<vmem_shared>>
      tpu.enqueue_indirect_dma source(%arg13 : memref<128x64xf32, #tpu.memory_space<vmem>>) target(%dma_start3A_230 : memref<10112x64xf32, #tpu.memory_space<vmem_shared>>) offsets(%dma_start3A_227 : memref<128xi32, #tpu.memory_space<vmem>>) semaphore(%arg23 : memref<!tpu.dma_semaphore, #tpu.memory_space<semaphore_mem>>) {add = true}
      %dma_wait3A_231 = arith.constant 0 : i32
      %dma_wait3A_232 = arith.constant 0 : i32
      %dma_wait3A_233 = tpu.memref_slice %arg9[%dma_wait3A_231, %dma_wait3A_232] : memref<160x128xi32, #tpu.memory_space<vmem>> -> memref<1x128xi32, #tpu.memory_space<vmem>>
      %dma_wait3A_234 = tpu.memref_squeeze %dma_wait3A_233 : memref<1x128xi32, #tpu.memory_space<vmem>> -> memref<128xi32, #tpu.memory_space<vmem>>
      %dma_wait3A_235 = arith.constant 0 : i32
      %dma_wait3A_236 = arith.constant 0 : i32
      %dma_wait3A_237 = tpu.memref_slice %arg15[%dma_wait3A_235, %dma_wait3A_236] : memref<10112x64xf32, #tpu.memory_space<vmem_shared>> -> memref<10112x64xf32, #tpu.memory_space<vmem_shared>>
      tpu.wait_indirect_dma semaphore(%arg20 : memref<!tpu.dma_semaphore, #tpu.memory_space<semaphore_mem>>) src(%arg10 : memref<128x64xf32, #tpu.memory_space<vmem>>) dst(%dma_wait3A_237 : memref<10112x64xf32, #tpu.memory_space<vmem_shared>>)
      %add3A_238 = arith.constant 4 : i32
      %add3A_239 = arith.addi %mul3A_170, %add3A_238 : i32
      %add3A_240 = arith.constant 0 : i32
      %add3A_241 = arith.addi %add3A_239, %add3A_240 : i32
      %dma_start3A_242 = arith.constant 0 : i32
      %dma_start3A_243 = tpu.memref_slice %arg8[%add3A_241, %dma_start3A_242] : memref<160x128xi32, #tpu.memory_space<vmem>> -> memref<1x128xi32, #tpu.memory_space<vmem>>
      %dma_start3A_244 = tpu.memref_squeeze %dma_start3A_243 : memref<1x128xi32, #tpu.memory_space<vmem>> -> memref<128xi32, #tpu.memory_space<vmem>>
      %dma_start3A_245 = arith.constant 0 : i32
      %dma_start3A_246 = arith.constant 0 : i32
      %dma_start3A_247 = tpu.memref_slice %arg2[%dma_start3A_245, %dma_start3A_246] : memref<20224x64xf32, #tpu.memory_space<hbm>> -> memref<20224x64xf32, #tpu.memory_space<hbm>>
      tpu.enqueue_indirect_dma source(%dma_start3A_247 : memref<20224x64xf32, #tpu.memory_space<hbm>>) target(%arg10 : memref<128x64xf32, #tpu.memory_space<vmem>>) offsets(%dma_start3A_244 : memref<128xi32, #tpu.memory_space<vmem>>) semaphore(%arg16 : memref<!tpu.dma_semaphore, #tpu.memory_space<semaphore_mem>>)
      %dma_wait3A_248 = arith.constant 0 : i32
      %dma_wait3A_249 = arith.constant 0 : i32
      %dma_wait3A_250 = tpu.memref_slice %arg9[%dma_wait3A_248, %dma_wait3A_249] : memref<160x128xi32, #tpu.memory_space<vmem>> -> memref<1x128xi32, #tpu.memory_space<vmem>>
      %dma_wait3A_251 = tpu.memref_squeeze %dma_wait3A_250 : memref<1x128xi32, #tpu.memory_space<vmem>> -> memref<128xi32, #tpu.memory_space<vmem>>
      %dma_wait3A_252 = arith.constant 0 : i32
      %dma_wait3A_253 = arith.constant 0 : i32
      %dma_wait3A_254 = tpu.memref_slice %arg15[%dma_wait3A_252, %dma_wait3A_253] : memref<10112x64xf32, #tpu.memory_space<vmem_shared>> -> memref<10112x64xf32, #tpu.memory_space<vmem_shared>>
      tpu.wait_indirect_dma semaphore(%arg21 : memref<!tpu.dma_semaphore, #tpu.memory_space<semaphore_mem>>) src(%arg11 : memref<128x64xf32, #tpu.memory_space<vmem>>) dst(%dma_wait3A_254 : memref<10112x64xf32, #tpu.memory_space<vmem_shared>>)
      %add3A_255 = arith.constant 4 : i32
      %add3A_256 = arith.addi %mul3A_170, %add3A_255 : i32
      %add3A_257 = arith.constant 1 : i32
      %add3A_258 = arith.addi %add3A_256, %add3A_257 : i32
      %dma_start3A_259 = arith.constant 0 : i32
      %dma_start3A_260 = tpu.memref_slice %arg8[%add3A_258, %dma_start3A_259] : memref<160x128xi32, #tpu.memory_space<vmem>> -> memref<1x128xi32, #tpu.memory_space<vmem>>
      %dma_start3A_261 = tpu.memref_squeeze %dma_start3A_260 : memref<1x128xi32, #tpu.memory_space<vmem>> -> memref<128xi32, #tpu.memory_space<vmem>>
      %dma_start3A_262 = arith.constant 0 : i32
      %dma_start3A_263 = arith.constant 0 : i32
      %dma_start3A_264 = tpu.memref_slice %arg2[%dma_start3A_262, %dma_start3A_263] : memref<20224x64xf32, #tpu.memory_space<hbm>> -> memref<20224x64xf32, #tpu.memory_space<hbm>>
      tpu.enqueue_indirect_dma source(%dma_start3A_264 : memref<20224x64xf32, #tpu.memory_space<hbm>>) target(%arg11 : memref<128x64xf32, #tpu.memory_space<vmem>>) offsets(%dma_start3A_261 : memref<128xi32, #tpu.memory_space<vmem>>) semaphore(%arg17 : memref<!tpu.dma_semaphore, #tpu.memory_space<semaphore_mem>>)
      %dma_wait3A_265 = arith.constant 0 : i32
      %dma_wait3A_266 = arith.constant 0 : i32
      %dma_wait3A_267 = tpu.memref_slice %arg9[%dma_wait3A_265, %dma_wait3A_266] : memref<160x128xi32, #tpu.memory_space<vmem>> -> memref<1x128xi32, #tpu.memory_space<vmem>>
      %dma_wait3A_268 = tpu.memref_squeeze %dma_wait3A_267 : memref<1x128xi32, #tpu.memory_space<vmem>> -> memref<128xi32, #tpu.memory_space<vmem>>
      %dma_wait3A_269 = arith.constant 0 : i32
      %dma_wait3A_270 = arith.constant 0 : i32
      %dma_wait3A_271 = tpu.memref_slice %arg15[%dma_wait3A_269, %dma_wait3A_270] : memref<10112x64xf32, #tpu.memory_space<vmem_shared>> -> memref<10112x64xf32, #tpu.memory_space<vmem_shared>>
      tpu.wait_indirect_dma semaphore(%arg22 : memref<!tpu.dma_semaphore, #tpu.memory_space<semaphore_mem>>) src(%arg12 : memref<128x64xf32, #tpu.memory_space<vmem>>) dst(%dma_wait3A_271 : memref<10112x64xf32, #tpu.memory_space<vmem_shared>>)
      %add3A_272 = arith.constant 4 : i32
      %add3A_273 = arith.addi %mul3A_170, %add3A_272 : i32
      %add3A_274 = arith.constant 2 : i32
      %add3A_275 = arith.addi %add3A_273, %add3A_274 : i32
      %dma_start3A_276 = arith.constant 0 : i32
      %dma_start3A_277 = tpu.memref_slice %arg8[%add3A_275, %dma_start3A_276] : memref<160x128xi32, #tpu.memory_space<vmem>> -> memref<1x128xi32, #tpu.memory_space<vmem>>
      %dma_start3A_278 = tpu.memref_squeeze %dma_start3A_277 : memref<1x128xi32, #tpu.memory_space<vmem>> -> memref<128xi32, #tpu.memory_space<vmem>>
      %dma_start3A_279 = arith.constant 0 : i32
      %dma_start3A_280 = arith.constant 0 : i32
      %dma_start3A_281 = tpu.memref_slice %arg2[%dma_start3A_279, %dma_start3A_280] : memref<20224x64xf32, #tpu.memory_space<hbm>> -> memref<20224x64xf32, #tpu.memory_space<hbm>>
      tpu.enqueue_indirect_dma source(%dma_start3A_281 : memref<20224x64xf32, #tpu.memory_space<hbm>>) target(%arg12 : memref<128x64xf32, #tpu.memory_space<vmem>>) offsets(%dma_start3A_278 : memref<128xi32, #tpu.memory_space<vmem>>) semaphore(%arg18 : memref<!tpu.dma_semaphore, #tpu.memory_space<semaphore_mem>>)
      %dma_wait3A_282 = arith.constant 0 : i32
      %dma_wait3A_283 = arith.constant 0 : i32
      %dma_wait3A_284 = tpu.memref_slice %arg9[%dma_wait3A_282, %dma_wait3A_283] : memref<160x128xi32, #tpu.memory_space<vmem>> -> memref<1x128xi32, #tpu.memory_space<vmem>>
      %dma_wait3A_285 = tpu.memref_squeeze %dma_wait3A_284 : memref<1x128xi32, #tpu.memory_space<vmem>> -> memref<128xi32, #tpu.memory_space<vmem>>
      %dma_wait3A_286 = arith.constant 0 : i32
      %dma_wait3A_287 = arith.constant 0 : i32
      %dma_wait3A_288 = tpu.memref_slice %arg15[%dma_wait3A_286, %dma_wait3A_287] : memref<10112x64xf32, #tpu.memory_space<vmem_shared>> -> memref<10112x64xf32, #tpu.memory_space<vmem_shared>>
      tpu.wait_indirect_dma semaphore(%arg23 : memref<!tpu.dma_semaphore, #tpu.memory_space<semaphore_mem>>) src(%arg13 : memref<128x64xf32, #tpu.memory_space<vmem>>) dst(%dma_wait3A_288 : memref<10112x64xf32, #tpu.memory_space<vmem_shared>>)
      %add3A_289 = arith.constant 4 : i32
      %add3A_290 = arith.addi %mul3A_170, %add3A_289 : i32
      %add3A_291 = arith.constant 3 : i32
      %add3A_292 = arith.addi %add3A_290, %add3A_291 : i32
      %dma_start3A_293 = arith.constant 0 : i32
      %dma_start3A_294 = tpu.memref_slice %arg8[%add3A_292, %dma_start3A_293] : memref<160x128xi32, #tpu.memory_space<vmem>> -> memref<1x128xi32, #tpu.memory_space<vmem>>
      %dma_start3A_295 = tpu.memref_squeeze %dma_start3A_294 : memref<1x128xi32, #tpu.memory_space<vmem>> -> memref<128xi32, #tpu.memory_space<vmem>>
      %dma_start3A_296 = arith.constant 0 : i32
      %dma_start3A_297 = arith.constant 0 : i32
      %dma_start3A_298 = tpu.memref_slice %arg2[%dma_start3A_296, %dma_start3A_297] : memref<20224x64xf32, #tpu.memory_space<hbm>> -> memref<20224x64xf32, #tpu.memory_space<hbm>>
      tpu.enqueue_indirect_dma source(%dma_start3A_298 : memref<20224x64xf32, #tpu.memory_space<hbm>>) target(%arg13 : memref<128x64xf32, #tpu.memory_space<vmem>>) offsets(%dma_start3A_295 : memref<128xi32, #tpu.memory_space<vmem>>) semaphore(%arg19 : memref<!tpu.dma_semaphore, #tpu.memory_space<semaphore_mem>>)
      %add3A_299 = arith.constant 0 : i32
      %add3A_300 = arith.addi %mul3A_170, %add3A_299 : i32
      %eq3A_301 = arith.constant 1 : i32
      %eq3A_302 = arith.cmpi eq, %arg0, %eq3A_301 : i32
      %lt3A = arith.constant 80 : i32
      %lt3A_303 = arith.cmpi slt, %add3A_300, %lt3A : i32
      %xor3A_304 = arith.xori %eq3A_302, %lt3A_303 : i1
      %convert_element_type3A_305 = arith.extui %xor3A_304 : i1 to i32
      %cond3A_306 = arith.constant 0 : i32
      %cond3A_307 = arith.cmpi ne, %convert_element_type3A_305, %cond3A_306 : i32
      scf.if %cond3A_307 {
        %get3A = arith.index_cast %add3A_300 : i32 to index
        %get3A_338 = arith.constant 0 : index
        %get3A_339 = tpu.vector_load %arg9[%get3A, %get3A_338] {strides = array<i32>} : memref<160x128xi32, #tpu.memory_space<vmem>>, vector<16xi32>,
        tpu.vector_store_idx %arg14[%get3A_339], %broadcast_in_dim3A_14 {add = true} : memref<10112xf32, #tpu.memory_space<vmem>>[vector<16xi32>], vector<16xf32>,
        %get3A_340 = arith.index_cast %add3A_300 : i32 to index
        %get3A_341 = arith.constant 16 : index
        %get3A_342 = tpu.vector_load %arg9[%get3A_340, %get3A_341] {strides = array<i32>} : memref<160x128xi32, #tpu.memory_space<vmem>>, vector<16xi32>,
        tpu.vector_store_idx %arg14[%get3A_342], %broadcast_in_dim3A_14 {add = true} : memref<10112xf32, #tpu.memory_space<vmem>>[vector<16xi32>], vector<16xf32>,
        %get3A_343 = arith.index_cast %add3A_300 : i32 to index
        %get3A_344 = arith.constant 32 : index
        %get3A_345 = tpu.vector_load %arg9[%get3A_343, %get3A_344] {strides = array<i32>} : memref<160x128xi32, #tpu.memory_space<vmem>>, vector<16xi32>,
        tpu.vector_store_idx %arg14[%get3A_345], %broadcast_in_dim3A_14 {add = true} : memref<10112xf32, #tpu.memory_space<vmem>>[vector<16xi32>], vector<16xf32>,
        %get3A_346 = arith.index_cast %add3A_300 : i32 to index
        %get3A_347 = arith.constant 48 : index
        %get3A_348 = tpu.vector_load %arg9[%get3A_346, %get3A_347] {strides = array<i32>} : memref<160x128xi32, #tpu.memory_space<vmem>>, vector<16xi32>,
        tpu.vector_store_idx %arg14[%get3A_348], %broadcast_in_dim3A_14 {add = true} : memref<10112xf32, #tpu.memory_space<vmem>>[vector<16xi32>], vector<16xf32>,
        %get3A_349 = arith.index_cast %add3A_300 : i32 to index
        %get3A_350 = arith.constant 64 : index
        %get3A_351 = tpu.vector_load %arg9[%get3A_349, %get3A_350] {strides = array<i32>} : memref<160x128xi32, #tpu.memory_space<vmem>>, vector<16xi32>,
        tpu.vector_store_idx %arg14[%get3A_351], %broadcast_in_dim3A_14 {add = true} : memref<10112xf32, #tpu.memory_space<vmem>>[vector<16xi32>], vector<16xf32>,
        %get3A_352 = arith.index_cast %add3A_300 : i32 to index
        %get3A_353 = arith.constant 80 : index
        %get3A_354 = tpu.vector_load %arg9[%get3A_352, %get3A_353] {strides = array<i32>} : memref<160x128xi32, #tpu.memory_space<vmem>>, vector<16xi32>,
        tpu.vector_store_idx %arg14[%get3A_354], %broadcast_in_dim3A_14 {add = true} : memref<10112xf32, #tpu.memory_space<vmem>>[vector<16xi32>], vector<16xf32>,
        %get3A_355 = arith.index_cast %add3A_300 : i32 to index
        %get3A_356 = arith.constant 96 : index
        %get3A_357 = tpu.vector_load %arg9[%get3A_355, %get3A_356] {strides = array<i32>} : memref<160x128xi32, #tpu.memory_space<vmem>>, vector<16xi32>,
        tpu.vector_store_idx %arg14[%get3A_357], %broadcast_in_dim3A_14 {add = true} : memref<10112xf32, #tpu.memory_space<vmem>>[vector<16xi32>], vector<16xf32>,
        %get3A_358 = arith.index_cast %add3A_300 : i32 to index
        %get3A_359 = arith.constant 112 : index
        %get3A_360 = tpu.vector_load %arg9[%get3A_358, %get3A_359] {strides = array<i32>} : memref<160x128xi32, #tpu.memory_space<vmem>>, vector<16xi32>,
        tpu.vector_store_idx %arg14[%get3A_360], %broadcast_in_dim3A_14 {add = true} : memref<10112xf32, #tpu.memory_space<vmem>>[vector<16xi32>], vector<16xf32>,
      } else {
      }
      %add3A_308 = arith.constant 1 : i32
      %add3A_309 = arith.addi %mul3A_170, %add3A_308 : i32
      %eq3A_310 = arith.constant 1 : i32
      %eq3A_311 = arith.cmpi eq, %arg0, %eq3A_310 : i32
      %lt3A_312 = arith.constant 80 : i32
      %lt3A_313 = arith.cmpi slt, %add3A_309, %lt3A_312 : i32
      %xor3A_314 = arith.xori %eq3A_311, %lt3A_313 : i1
      %convert_element_type3A_315 = arith.extui %xor3A_314 : i1 to i32
      %cond3A_316 = arith.constant 0 : i32
      %cond3A_317 = arith.cmpi ne, %convert_element_type3A_315, %cond3A_316 : i32
      scf.if %cond3A_317 {
        %get3A = arith.index_cast %add3A_309 : i32 to index
        %get3A_338 = arith.constant 0 : index
        %get3A_339 = tpu.vector_load %arg9[%get3A, %get3A_338] {strides = array<i32>} : memref<160x128xi32, #tpu.memory_space<vmem>>, vector<16xi32>,
        tpu.vector_store_idx %arg14[%get3A_339], %broadcast_in_dim3A_14 {add = true} : memref<10112xf32, #tpu.memory_space<vmem>>[vector<16xi32>], vector<16xf32>,
        %get3A_340 = arith.index_cast %add3A_309 : i32 to index
        %get3A_341 = arith.constant 16 : index
        %get3A_342 = tpu.vector_load %arg9[%get3A_340, %get3A_341] {strides = array<i32>} : memref<160x128xi32, #tpu.memory_space<vmem>>, vector<16xi32>,
        tpu.vector_store_idx %arg14[%get3A_342], %broadcast_in_dim3A_14 {add = true} : memref<10112xf32, #tpu.memory_space<vmem>>[vector<16xi32>], vector<16xf32>,
        %get3A_343 = arith.index_cast %add3A_309 : i32 to index
        %get3A_344 = arith.constant 32 : index
        %get3A_345 = tpu.vector_load %arg9[%get3A_343, %get3A_344] {strides = array<i32>} : memref<160x128xi32, #tpu.memory_space<vmem>>, vector<16xi32>,
        tpu.vector_store_idx %arg14[%get3A_345], %broadcast_in_dim3A_14 {add = true} : memref<10112xf32, #tpu.memory_space<vmem>>[vector<16xi32>], vector<16xf32>,
        %get3A_346 = arith.index_cast %add3A_309 : i32 to index
        %get3A_347 = arith.constant 48 : index
        %get3A_348 = tpu.vector_load %arg9[%get3A_346, %get3A_347] {strides = array<i32>} : memref<160x128xi32, #tpu.memory_space<vmem>>, vector<16xi32>,
        tpu.vector_store_idx %arg14[%get3A_348], %broadcast_in_dim3A_14 {add = true} : memref<10112xf32, #tpu.memory_space<vmem>>[vector<16xi32>], vector<16xf32>,
        %get3A_349 = arith.index_cast %add3A_309 : i32 to index
        %get3A_350 = arith.constant 64 : index
        %get3A_351 = tpu.vector_load %arg9[%get3A_349, %get3A_350] {strides = array<i32>} : memref<160x128xi32, #tpu.memory_space<vmem>>, vector<16xi32>,
        tpu.vector_store_idx %arg14[%get3A_351], %broadcast_in_dim3A_14 {add = true} : memref<10112xf32, #tpu.memory_space<vmem>>[vector<16xi32>], vector<16xf32>,
        %get3A_352 = arith.index_cast %add3A_309 : i32 to index
        %get3A_353 = arith.constant 80 : index
        %get3A_354 = tpu.vector_load %arg9[%get3A_352, %get3A_353] {strides = array<i32>} : memref<160x128xi32, #tpu.memory_space<vmem>>, vector<16xi32>,
        tpu.vector_store_idx %arg14[%get3A_354], %broadcast_in_dim3A_14 {add = true} : memref<10112xf32, #tpu.memory_space<vmem>>[vector<16xi32>], vector<16xf32>,
        %get3A_355 = arith.index_cast %add3A_309 : i32 to index
        %get3A_356 = arith.constant 96 : index
        %get3A_357 = tpu.vector_load %arg9[%get3A_355, %get3A_356] {strides = array<i32>} : memref<160x128xi32, #tpu.memory_space<vmem>>, vector<16xi32>,
        tpu.vector_store_idx %arg14[%get3A_357], %broadcast_in_dim3A_14 {add = true} : memref<10112xf32, #tpu.memory_space<vmem>>[vector<16xi32>], vector<16xf32>,
        %get3A_358 = arith.index_cast %add3A_309 : i32 to index
        %get3A_359 = arith.constant 112 : index
        %get3A_360 = tpu.vector_load %arg9[%get3A_358, %get3A_359] {strides = array<i32>} : memref<160x128xi32, #tpu.memory_space<vmem>>, vector<16xi32>,
        tpu.vector_store_idx %arg14[%get3A_360], %broadcast_in_dim3A_14 {add = true} : memref<10112xf32, #tpu.memory_space<vmem>>[vector<16xi32>], vector<16xf32>,
      } else {
      }
      %add3A_318 = arith.constant 2 : i32
      %add3A_319 = arith.addi %mul3A_170, %add3A_318 : i32
      %eq3A_320 = arith.constant 1 : i32
      %eq3A_321 = arith.cmpi eq, %arg0, %eq3A_320 : i32
      %lt3A_322 = arith.constant 80 : i32
      %lt3A_323 = arith.cmpi slt, %add3A_319, %lt3A_322 : i32
      %xor3A_324 = arith.xori %eq3A_321, %lt3A_323 : i1
      %convert_element_type3A_325 = arith.extui %xor3A_324 : i1 to i32
      %cond3A_326 = arith.constant 0 : i32
      %cond3A_327 = arith.cmpi ne, %convert_element_type3A_325, %cond3A_326 : i32
      scf.if %cond3A_327 {
        %get3A = arith.index_cast %add3A_319 : i32 to index
        %get3A_338 = arith.constant 0 : index
        %get3A_339 = tpu.vector_load %arg9[%get3A, %get3A_338] {strides = array<i32>} : memref<160x128xi32, #tpu.memory_space<vmem>>, vector<16xi32>,
        tpu.vector_store_idx %arg14[%get3A_339], %broadcast_in_dim3A_14 {add = true} : memref<10112xf32, #tpu.memory_space<vmem>>[vector<16xi32>], vector<16xf32>,
        %get3A_340 = arith.index_cast %add3A_319 : i32 to index
        %get3A_341 = arith.constant 16 : index
        %get3A_342 = tpu.vector_load %arg9[%get3A_340, %get3A_341] {strides = array<i32>} : memref<160x128xi32, #tpu.memory_space<vmem>>, vector<16xi32>,
        tpu.vector_store_idx %arg14[%get3A_342], %broadcast_in_dim3A_14 {add = true} : memref<10112xf32, #tpu.memory_space<vmem>>[vector<16xi32>], vector<16xf32>,
        %get3A_343 = arith.index_cast %add3A_319 : i32 to index
        %get3A_344 = arith.constant 32 : index
        %get3A_345 = tpu.vector_load %arg9[%get3A_343, %get3A_344] {strides = array<i32>} : memref<160x128xi32, #tpu.memory_space<vmem>>, vector<16xi32>,
        tpu.vector_store_idx %arg14[%get3A_345], %broadcast_in_dim3A_14 {add = true} : memref<10112xf32, #tpu.memory_space<vmem>>[vector<16xi32>], vector<16xf32>,
        %get3A_346 = arith.index_cast %add3A_319 : i32 to index
        %get3A_347 = arith.constant 48 : index
        %get3A_348 = tpu.vector_load %arg9[%get3A_346, %get3A_347] {strides = array<i32>} : memref<160x128xi32, #tpu.memory_space<vmem>>, vector<16xi32>,
        tpu.vector_store_idx %arg14[%get3A_348], %broadcast_in_dim3A_14 {add = true} : memref<10112xf32, #tpu.memory_space<vmem>>[vector<16xi32>], vector<16xf32>,
        %get3A_349 = arith.index_cast %add3A_319 : i32 to index
        %get3A_350 = arith.constant 64 : index
        %get3A_351 = tpu.vector_load %arg9[%get3A_349, %get3A_350] {strides = array<i32>} : memref<160x128xi32, #tpu.memory_space<vmem>>, vector<16xi32>,
        tpu.vector_store_idx %arg14[%get3A_351], %broadcast_in_dim3A_14 {add = true} : memref<10112xf32, #tpu.memory_space<vmem>>[vector<16xi32>], vector<16xf32>,
        %get3A_352 = arith.index_cast %add3A_319 : i32 to index
        %get3A_353 = arith.constant 80 : index
        %get3A_354 = tpu.vector_load %arg9[%get3A_352, %get3A_353] {strides = array<i32>} : memref<160x128xi32, #tpu.memory_space<vmem>>, vector<16xi32>,
        tpu.vector_store_idx %arg14[%get3A_354], %broadcast_in_dim3A_14 {add = true} : memref<10112xf32, #tpu.memory_space<vmem>>[vector<16xi32>], vector<16xf32>,
        %get3A_355 = arith.index_cast %add3A_319 : i32 to index
        %get3A_356 = arith.constant 96 : index
        %get3A_357 = tpu.vector_load %arg9[%get3A_355, %get3A_356] {strides = array<i32>} : memref<160x128xi32, #tpu.memory_space<vmem>>, vector<16xi32>,
        tpu.vector_store_idx %arg14[%get3A_357], %broadcast_in_dim3A_14 {add = true} : memref<10112xf32, #tpu.memory_space<vmem>>[vector<16xi32>], vector<16xf32>,
        %get3A_358 = arith.index_cast %add3A_319 : i32 to index
        %get3A_359 = arith.constant 112 : index
        %get3A_360 = tpu.vector_load %arg9[%get3A_358, %get3A_359] {strides = array<i32>} : memref<160x128xi32, #tpu.memory_space<vmem>>, vector<16xi32>,
        tpu.vector_store_idx %arg14[%get3A_360], %broadcast_in_dim3A_14 {add = true} : memref<10112xf32, #tpu.memory_space<vmem>>[vector<16xi32>], vector<16xf32>,
      } else {
      }
      %add3A_328 = arith.constant 3 : i32
      %add3A_329 = arith.addi %mul3A_170, %add3A_328 : i32
      %eq3A_330 = arith.constant 1 : i32
      %eq3A_331 = arith.cmpi eq, %arg0, %eq3A_330 : i32
      %lt3A_332 = arith.constant 80 : i32
      %lt3A_333 = arith.cmpi slt, %add3A_329, %lt3A_332 : i32
      %xor3A_334 = arith.xori %eq3A_331, %lt3A_333 : i1
      %convert_element_type3A_335 = arith.extui %xor3A_334 : i1 to i32
      %cond3A_336 = arith.constant 0 : i32
      %cond3A_337 = arith.cmpi ne, %convert_element_type3A_335, %cond3A_336 : i32
      scf.if %cond3A_337 {
        %get3A = arith.index_cast %add3A_329 : i32 to index
        %get3A_338 = arith.constant 0 : index
        %get3A_339 = tpu.vector_load %arg9[%get3A, %get3A_338] {strides = array<i32>} : memref<160x128xi32, #tpu.memory_space<vmem>>, vector<16xi32>,
        tpu.vector_store_idx %arg14[%get3A_339], %broadcast_in_dim3A_14 {add = true} : memref<10112xf32, #tpu.memory_space<vmem>>[vector<16xi32>], vector<16xf32>,
        %get3A_340 = arith.index_cast %add3A_329 : i32 to index
        %get3A_341 = arith.constant 16 : index
        %get3A_342 = tpu.vector_load %arg9[%get3A_340, %get3A_341] {strides = array<i32>} : memref<160x128xi32, #tpu.memory_space<vmem>>, vector<16xi32>,
        tpu.vector_store_idx %arg14[%get3A_342], %broadcast_in_dim3A_14 {add = true} : memref<10112xf32, #tpu.memory_space<vmem>>[vector<16xi32>], vector<16xf32>,
        %get3A_343 = arith.index_cast %add3A_329 : i32 to index
        %get3A_344 = arith.constant 32 : index
        %get3A_345 = tpu.vector_load %arg9[%get3A_343, %get3A_344] {strides = array<i32>} : memref<160x128xi32, #tpu.memory_space<vmem>>, vector<16xi32>,
        tpu.vector_store_idx %arg14[%get3A_345], %broadcast_in_dim3A_14 {add = true} : memref<10112xf32, #tpu.memory_space<vmem>>[vector<16xi32>], vector<16xf32>,
        %get3A_346 = arith.index_cast %add3A_329 : i32 to index
        %get3A_347 = arith.constant 48 : index
        %get3A_348 = tpu.vector_load %arg9[%get3A_346, %get3A_347] {strides = array<i32>} : memref<160x128xi32, #tpu.memory_space<vmem>>, vector<16xi32>,
        tpu.vector_store_idx %arg14[%get3A_348], %broadcast_in_dim3A_14 {add = true} : memref<10112xf32, #tpu.memory_space<vmem>>[vector<16xi32>], vector<16xf32>,
        %get3A_349 = arith.index_cast %add3A_329 : i32 to index
        %get3A_350 = arith.constant 64 : index
        %get3A_351 = tpu.vector_load %arg9[%get3A_349, %get3A_350] {strides = array<i32>} : memref<160x128xi32, #tpu.memory_space<vmem>>, vector<16xi32>,
        tpu.vector_store_idx %arg14[%get3A_351], %broadcast_in_dim3A_14 {add = true} : memref<10112xf32, #tpu.memory_space<vmem>>[vector<16xi32>], vector<16xf32>,
        %get3A_352 = arith.index_cast %add3A_329 : i32 to index
        %get3A_353 = arith.constant 80 : index
        %get3A_354 = tpu.vector_load %arg9[%get3A_352, %get3A_353] {strides = array<i32>} : memref<160x128xi32, #tpu.memory_space<vmem>>, vector<16xi32>,
        tpu.vector_store_idx %arg14[%get3A_354], %broadcast_in_dim3A_14 {add = true} : memref<10112xf32, #tpu.memory_space<vmem>>[vector<16xi32>], vector<16xf32>,
        %get3A_355 = arith.index_cast %add3A_329 : i32 to index
        %get3A_356 = arith.constant 96 : index
        %get3A_357 = tpu.vector_load %arg9[%get3A_355, %get3A_356] {strides = array<i32>} : memref<160x128xi32, #tpu.memory_space<vmem>>, vector<16xi32>,
        tpu.vector_store_idx %arg14[%get3A_357], %broadcast_in_dim3A_14 {add = true} : memref<10112xf32, #tpu.memory_space<vmem>>[vector<16xi32>], vector<16xf32>,
        %get3A_358 = arith.index_cast %add3A_329 : i32 to index
        %get3A_359 = arith.constant 112 : index
        %get3A_360 = tpu.vector_load %arg9[%get3A_358, %get3A_359] {strides = array<i32>} : memref<160x128xi32, #tpu.memory_space<vmem>>, vector<16xi32>,
        tpu.vector_store_idx %arg14[%get3A_360], %broadcast_in_dim3A_14 {add = true} : memref<10112xf32, #tpu.memory_space<vmem>>[vector<16xi32>], vector<16xf32>,
      } else {
      }
    }
    %scan3A_47 = arith.constant 39 : i32
    %dma_wait3A = arith.constant 0 : i32
    %dma_wait3A_48 = arith.constant 0 : i32
    %dma_wait3A_49 = tpu.memref_slice %arg8[%dma_wait3A, %dma_wait3A_48] : memref<160x128xi32, #tpu.memory_space<vmem>> -> memref<1x128xi32, #tpu.memory_space<vmem>>
    %dma_wait3A_50 = tpu.memref_squeeze %dma_wait3A_49 : memref<1x128xi32, #tpu.memory_space<vmem>> -> memref<128xi32, #tpu.memory_space<vmem>>
    %dma_wait3A_51 = arith.constant 0 : i32
    %dma_wait3A_52 = arith.constant 0 : i32
    %dma_wait3A_53 = tpu.memref_slice %arg2[%dma_wait3A_51, %dma_wait3A_52] : memref<20224x64xf32, #tpu.memory_space<hbm>> -> memref<20224x64xf32, #tpu.memory_space<hbm>>
    tpu.wait_indirect_dma semaphore(%arg16 : memref<!tpu.dma_semaphore, #tpu.memory_space<semaphore_mem>>) src(%dma_wait3A_53 : memref<20224x64xf32, #tpu.memory_space<hbm>>) dst(%arg10 : memref<128x64xf32, #tpu.memory_space<vmem>>)
    %dma_start3A_54 = arith.constant 156 : i32
    %dma_start3A_55 = arith.constant 0 : i32
    %dma_start3A_56 = tpu.memref_slice %arg9[%dma_start3A_54, %dma_start3A_55] : memref<160x128xi32, #tpu.memory_space<vmem>> -> memref<1x128xi32, #tpu.memory_space<vmem>>
    %dma_start3A_57 = tpu.memref_squeeze %dma_start3A_56 : memref<1x128xi32, #tpu.memory_space<vmem>> -> memref<128xi32, #tpu.memory_space<vmem>>
    %dma_start3A_58 = arith.constant 0 : i32
    %dma_start3A_59 = arith.constant 0 : i32
    %dma_start3A_60 = tpu.memref_slice %arg15[%dma_start3A_58, %dma_start3A_59] : memref<10112x64xf32, #tpu.memory_space<vmem_shared>> -> memref<10112x64xf32, #tpu.memory_space<vmem_shared>>
    tpu.enqueue_indirect_dma source(%arg10 : memref<128x64xf32, #tpu.memory_space<vmem>>) target(%dma_start3A_60 : memref<10112x64xf32, #tpu.memory_space<vmem_shared>>) offsets(%dma_start3A_57 : memref<128xi32, #tpu.memory_space<vmem>>) semaphore(%arg20 : memref<!tpu.dma_semaphore, #tpu.memory_space<semaphore_mem>>) {add = true}
    %dma_wait3A_61 = arith.constant 0 : i32
    %dma_wait3A_62 = arith.constant 0 : i32
    %dma_wait3A_63 = tpu.memref_slice %arg8[%dma_wait3A_61, %dma_wait3A_62] : memref<160x128xi32, #tpu.memory_space<vmem>> -> memref<1x128xi32, #tpu.memory_space<vmem>>
    %dma_wait3A_64 = tpu.memref_squeeze %dma_wait3A_63 : memref<1x128xi32, #tpu.memory_space<vmem>> -> memref<128xi32, #tpu.memory_space<vmem>>
    %dma_wait3A_65 = arith.constant 0 : i32
    %dma_wait3A_66 = arith.constant 0 : i32
    %dma_wait3A_67 = tpu.memref_slice %arg2[%dma_wait3A_65, %dma_wait3A_66] : memref<20224x64xf32, #tpu.memory_space<hbm>> -> memref<20224x64xf32, #tpu.memory_space<hbm>>
    tpu.wait_indirect_dma semaphore(%arg17 : memref<!tpu.dma_semaphore, #tpu.memory_space<semaphore_mem>>) src(%dma_wait3A_67 : memref<20224x64xf32, #tpu.memory_space<hbm>>) dst(%arg11 : memref<128x64xf32, #tpu.memory_space<vmem>>)
    %dma_start3A_68 = arith.constant 157 : i32
    %dma_start3A_69 = arith.constant 0 : i32
    %dma_start3A_70 = tpu.memref_slice %arg9[%dma_start3A_68, %dma_start3A_69] : memref<160x128xi32, #tpu.memory_space<vmem>> -> memref<1x128xi32, #tpu.memory_space<vmem>>
    %dma_start3A_71 = tpu.memref_squeeze %dma_start3A_70 : memref<1x128xi32, #tpu.memory_space<vmem>> -> memref<128xi32, #tpu.memory_space<vmem>>
    %dma_start3A_72 = arith.constant 0 : i32
    %dma_start3A_73 = arith.constant 0 : i32
    %dma_start3A_74 = tpu.memref_slice %arg15[%dma_start3A_72, %dma_start3A_73] : memref<10112x64xf32, #tpu.memory_space<vmem_shared>> -> memref<10112x64xf32, #tpu.memory_space<vmem_shared>>
    tpu.enqueue_indirect_dma source(%arg11 : memref<128x64xf32, #tpu.memory_space<vmem>>) target(%dma_start3A_74 : memref<10112x64xf32, #tpu.memory_space<vmem_shared>>) offsets(%dma_start3A_71 : memref<128xi32, #tpu.memory_space<vmem>>) semaphore(%arg21 : memref<!tpu.dma_semaphore, #tpu.memory_space<semaphore_mem>>) {add = true}
    %dma_wait3A_75 = arith.constant 0 : i32
    %dma_wait3A_76 = arith.constant 0 : i32
    %dma_wait3A_77 = tpu.memref_slice %arg8[%dma_wait3A_75, %dma_wait3A_76] : memref<160x128xi32, #tpu.memory_space<vmem>> -> memref<1x128xi32, #tpu.memory_space<vmem>>
    %dma_wait3A_78 = tpu.memref_squeeze %dma_wait3A_77 : memref<1x128xi32, #tpu.memory_space<vmem>> -> memref<128xi32, #tpu.memory_space<vmem>>
    %dma_wait3A_79 = arith.constant 0 : i32
    %dma_wait3A_80 = arith.constant 0 : i32
    %dma_wait3A_81 = tpu.memref_slice %arg2[%dma_wait3A_79, %dma_wait3A_80] : memref<20224x64xf32, #tpu.memory_space<hbm>> -> memref<20224x64xf32, #tpu.memory_space<hbm>>
    tpu.wait_indirect_dma semaphore(%arg18 : memref<!tpu.dma_semaphore, #tpu.memory_space<semaphore_mem>>) src(%dma_wait3A_81 : memref<20224x64xf32, #tpu.memory_space<hbm>>) dst(%arg12 : memref<128x64xf32, #tpu.memory_space<vmem>>)
    %dma_start3A_82 = arith.constant 158 : i32
    %dma_start3A_83 = arith.constant 0 : i32
    %dma_start3A_84 = tpu.memref_slice %arg9[%dma_start3A_82, %dma_start3A_83] : memref<160x128xi32, #tpu.memory_space<vmem>> -> memref<1x128xi32, #tpu.memory_space<vmem>>
    %dma_start3A_85 = tpu.memref_squeeze %dma_start3A_84 : memref<1x128xi32, #tpu.memory_space<vmem>> -> memref<128xi32, #tpu.memory_space<vmem>>
    %dma_start3A_86 = arith.constant 0 : i32
    %dma_start3A_87 = arith.constant 0 : i32
    %dma_start3A_88 = tpu.memref_slice %arg15[%dma_start3A_86, %dma_start3A_87] : memref<10112x64xf32, #tpu.memory_space<vmem_shared>> -> memref<10112x64xf32, #tpu.memory_space<vmem_shared>>
    tpu.enqueue_indirect_dma source(%arg12 : memref<128x64xf32, #tpu.memory_space<vmem>>) target(%dma_start3A_88 : memref<10112x64xf32, #tpu.memory_space<vmem_shared>>) offsets(%dma_start3A_85 : memref<128xi32, #tpu.memory_space<vmem>>) semaphore(%arg22 : memref<!tpu.dma_semaphore, #tpu.memory_space<semaphore_mem>>) {add = true}
    %dma_wait3A_89 = arith.constant 0 : i32
    %dma_wait3A_90 = arith.constant 0 : i32
    %dma_wait3A_91 = tpu.memref_slice %arg8[%dma_wait3A_89, %dma_wait3A_90] : memref<160x128xi32, #tpu.memory_space<vmem>> -> memref<1x128xi32, #tpu.memory_space<vmem>>
    %dma_wait3A_92 = tpu.memref_squeeze %dma_wait3A_91 : memref<1x128xi32, #tpu.memory_space<vmem>> -> memref<128xi32, #tpu.memory_space<vmem>>
    %dma_wait3A_93 = arith.constant 0 : i32
    %dma_wait3A_94 = arith.constant 0 : i32
    %dma_wait3A_95 = tpu.memref_slice %arg2[%dma_wait3A_93, %dma_wait3A_94] : memref<20224x64xf32, #tpu.memory_space<hbm>> -> memref<20224x64xf32, #tpu.memory_space<hbm>>
    tpu.wait_indirect_dma semaphore(%arg19 : memref<!tpu.dma_semaphore, #tpu.memory_space<semaphore_mem>>) src(%dma_wait3A_95 : memref<20224x64xf32, #tpu.memory_space<hbm>>) dst(%arg13 : memref<128x64xf32, #tpu.memory_space<vmem>>)
    %dma_start3A_96 = arith.constant 159 : i32
    %dma_start3A_97 = arith.constant 0 : i32
    %dma_start3A_98 = tpu.memref_slice %arg9[%dma_start3A_96, %dma_start3A_97] : memref<160x128xi32, #tpu.memory_space<vmem>> -> memref<1x128xi32, #tpu.memory_space<vmem>>
    %dma_start3A_99 = tpu.memref_squeeze %dma_start3A_98 : memref<1x128xi32, #tpu.memory_space<vmem>> -> memref<128xi32, #tpu.memory_space<vmem>>
    %dma_start3A_100 = arith.constant 0 : i32
    %dma_start3A_101 = arith.constant 0 : i32
    %dma_start3A_102 = tpu.memref_slice %arg15[%dma_start3A_100, %dma_start3A_101] : memref<10112x64xf32, #tpu.memory_space<vmem_shared>> -> memref<10112x64xf32, #tpu.memory_space<vmem_shared>>
    tpu.enqueue_indirect_dma source(%arg13 : memref<128x64xf32, #tpu.memory_space<vmem>>) target(%dma_start3A_102 : memref<10112x64xf32, #tpu.memory_space<vmem_shared>>) offsets(%dma_start3A_99 : memref<128xi32, #tpu.memory_space<vmem>>) semaphore(%arg23 : memref<!tpu.dma_semaphore, #tpu.memory_space<semaphore_mem>>) {add = true}
    %eq3A = arith.constant 1 : i32
    %eq3A_103 = arith.cmpi eq, %arg0, %eq3A : i32
    %xor3A = arith.constant false
    %xor3A_104 = arith.xori %eq3A_103, %xor3A : i1
    %convert_element_type3A = arith.extui %xor3A_104 : i1 to i32
    %cond3A = arith.constant 0 : i32
    %cond3A_105 = arith.cmpi ne, %convert_element_type3A, %cond3A : i32
    scf.if %cond3A_105 {
      %get3A = arith.constant 156 : i32
      %get3A_168 = arith.index_cast %get3A : i32 to index
      %get3A_169 = arith.constant 0 : index
      %get3A_170 = tpu.vector_load %arg9[%get3A_168, %get3A_169] {strides = array<i32>} : memref<160x128xi32, #tpu.memory_space<vmem>>, vector<16xi32>,
      tpu.vector_store_idx %arg14[%get3A_170], %broadcast_in_dim3A_14 {add = true} : memref<10112xf32, #tpu.memory_space<vmem>>[vector<16xi32>], vector<16xf32>,
      %get3A_171 = arith.constant 156 : i32
      %get3A_172 = arith.index_cast %get3A_171 : i32 to index
      %get3A_173 = arith.constant 16 : index
      %get3A_174 = tpu.vector_load %arg9[%get3A_172, %get3A_173] {strides = array<i32>} : memref<160x128xi32, #tpu.memory_space<vmem>>, vector<16xi32>,
      tpu.vector_store_idx %arg14[%get3A_174], %broadcast_in_dim3A_14 {add = true} : memref<10112xf32, #tpu.memory_space<vmem>>[vector<16xi32>], vector<16xf32>,
      %get3A_175 = arith.constant 156 : i32
      %get3A_176 = arith.index_cast %get3A_175 : i32 to index
      %get3A_177 = arith.constant 32 : index
      %get3A_178 = tpu.vector_load %arg9[%get3A_176, %get3A_177] {strides = array<i32>} : memref<160x128xi32, #tpu.memory_space<vmem>>, vector<16xi32>,
      tpu.vector_store_idx %arg14[%get3A_178], %broadcast_in_dim3A_14 {add = true} : memref<10112xf32, #tpu.memory_space<vmem>>[vector<16xi32>], vector<16xf32>,
      %get3A_179 = arith.constant 156 : i32
      %get3A_180 = arith.index_cast %get3A_179 : i32 to index
      %get3A_181 = arith.constant 48 : index
      %get3A_182 = tpu.vector_load %arg9[%get3A_180, %get3A_181] {strides = array<i32>} : memref<160x128xi32, #tpu.memory_space<vmem>>, vector<16xi32>,
      tpu.vector_store_idx %arg14[%get3A_182], %broadcast_in_dim3A_14 {add = true} : memref<10112xf32, #tpu.memory_space<vmem>>[vector<16xi32>], vector<16xf32>,
      %get3A_183 = arith.constant 156 : i32
      %get3A_184 = arith.index_cast %get3A_183 : i32 to index
      %get3A_185 = arith.constant 64 : index
      %get3A_186 = tpu.vector_load %arg9[%get3A_184, %get3A_185] {strides = array<i32>} : memref<160x128xi32, #tpu.memory_space<vmem>>, vector<16xi32>,
      tpu.vector_store_idx %arg14[%get3A_186], %broadcast_in_dim3A_14 {add = true} : memref<10112xf32, #tpu.memory_space<vmem>>[vector<16xi32>], vector<16xf32>,
      %get3A_187 = arith.constant 156 : i32
      %get3A_188 = arith.index_cast %get3A_187 : i32 to index
      %get3A_189 = arith.constant 80 : index
      %get3A_190 = tpu.vector_load %arg9[%get3A_188, %get3A_189] {strides = array<i32>} : memref<160x128xi32, #tpu.memory_space<vmem>>, vector<16xi32>,
      tpu.vector_store_idx %arg14[%get3A_190], %broadcast_in_dim3A_14 {add = true} : memref<10112xf32, #tpu.memory_space<vmem>>[vector<16xi32>], vector<16xf32>,
      %get3A_191 = arith.constant 156 : i32
      %get3A_192 = arith.index_cast %get3A_191 : i32 to index
      %get3A_193 = arith.constant 96 : index
      %get3A_194 = tpu.vector_load %arg9[%get3A_192, %get3A_193] {strides = array<i32>} : memref<160x128xi32, #tpu.memory_space<vmem>>, vector<16xi32>,
      tpu.vector_store_idx %arg14[%get3A_194], %broadcast_in_dim3A_14 {add = true} : memref<10112xf32, #tpu.memory_space<vmem>>[vector<16xi32>], vector<16xf32>,
      %get3A_195 = arith.constant 156 : i32
      %get3A_196 = arith.index_cast %get3A_195 : i32 to index
      %get3A_197 = arith.constant 112 : index
      %get3A_198 = tpu.vector_load %arg9[%get3A_196, %get3A_197] {strides = array<i32>} : memref<160x128xi32, #tpu.memory_space<vmem>>, vector<16xi32>,
      tpu.vector_store_idx %arg14[%get3A_198], %broadcast_in_dim3A_14 {add = true} : memref<10112xf32, #tpu.memory_space<vmem>>[vector<16xi32>], vector<16xf32>,
    } else {
    }
    %dma_wait3A_106 = arith.constant 0 : i32
    %dma_wait3A_107 = arith.constant 0 : i32
    %dma_wait3A_108 = tpu.memref_slice %arg9[%dma_wait3A_106, %dma_wait3A_107] : memref<160x128xi32, #tpu.memory_space<vmem>> -> memref<1x128xi32, #tpu.memory_space<vmem>>
    %dma_wait3A_109 = tpu.memref_squeeze %dma_wait3A_108 : memref<1x128xi32, #tpu.memory_space<vmem>> -> memref<128xi32, #tpu.memory_space<vmem>>
    %dma_wait3A_110 = arith.constant 0 : i32
    %dma_wait3A_111 = arith.constant 0 : i32
    %dma_wait3A_112 = tpu.memref_slice %arg15[%dma_wait3A_110, %dma_wait3A_111] : memref<10112x64xf32, #tpu.memory_space<vmem_shared>> -> memref<10112x64xf32, #tpu.memory_space<vmem_shared>>
    tpu.wait_indirect_dma semaphore(%arg20 : memref<!tpu.dma_semaphore, #tpu.memory_space<semaphore_mem>>) src(%arg10 : memref<128x64xf32, #tpu.memory_space<vmem>>) dst(%dma_wait3A_112 : memref<10112x64xf32, #tpu.memory_space<vmem_shared>>)
    %eq3A_113 = arith.constant 1 : i32
    %eq3A_114 = arith.cmpi eq, %arg0, %eq3A_113 : i32
    %xor3A_115 = arith.constant false
    %xor3A_116 = arith.xori %eq3A_114, %xor3A_115 : i1
    %convert_element_type3A_117 = arith.extui %xor3A_116 : i1 to i32
    %cond3A_118 = arith.constant 0 : i32
    %cond3A_119 = arith.cmpi ne, %convert_element_type3A_117, %cond3A_118 : i32
    scf.if %cond3A_119 {
      %get3A = arith.constant 157 : i32
      %get3A_168 = arith.index_cast %get3A : i32 to index
      %get3A_169 = arith.constant 0 : index
      %get3A_170 = tpu.vector_load %arg9[%get3A_168, %get3A_169] {strides = array<i32>} : memref<160x128xi32, #tpu.memory_space<vmem>>, vector<16xi32>,
      tpu.vector_store_idx %arg14[%get3A_170], %broadcast_in_dim3A_14 {add = true} : memref<10112xf32, #tpu.memory_space<vmem>>[vector<16xi32>], vector<16xf32>,
      %get3A_171 = arith.constant 157 : i32
      %get3A_172 = arith.index_cast %get3A_171 : i32 to index
      %get3A_173 = arith.constant 16 : index
      %get3A_174 = tpu.vector_load %arg9[%get3A_172, %get3A_173] {strides = array<i32>} : memref<160x128xi32, #tpu.memory_space<vmem>>, vector<16xi32>,
      tpu.vector_store_idx %arg14[%get3A_174], %broadcast_in_dim3A_14 {add = true} : memref<10112xf32, #tpu.memory_space<vmem>>[vector<16xi32>], vector<16xf32>,
      %get3A_175 = arith.constant 157 : i32
      %get3A_176 = arith.index_cast %get3A_175 : i32 to index
      %get3A_177 = arith.constant 32 : index
      %get3A_178 = tpu.vector_load %arg9[%get3A_176, %get3A_177] {strides = array<i32>} : memref<160x128xi32, #tpu.memory_space<vmem>>, vector<16xi32>,
      tpu.vector_store_idx %arg14[%get3A_178], %broadcast_in_dim3A_14 {add = true} : memref<10112xf32, #tpu.memory_space<vmem>>[vector<16xi32>], vector<16xf32>,
      %get3A_179 = arith.constant 157 : i32
      %get3A_180 = arith.index_cast %get3A_179 : i32 to index
      %get3A_181 = arith.constant 48 : index
      %get3A_182 = tpu.vector_load %arg9[%get3A_180, %get3A_181] {strides = array<i32>} : memref<160x128xi32, #tpu.memory_space<vmem>>, vector<16xi32>,
      tpu.vector_store_idx %arg14[%get3A_182], %broadcast_in_dim3A_14 {add = true} : memref<10112xf32, #tpu.memory_space<vmem>>[vector<16xi32>], vector<16xf32>,
      %get3A_183 = arith.constant 157 : i32
      %get3A_184 = arith.index_cast %get3A_183 : i32 to index
      %get3A_185 = arith.constant 64 : index
      %get3A_186 = tpu.vector_load %arg9[%get3A_184, %get3A_185] {strides = array<i32>} : memref<160x128xi32, #tpu.memory_space<vmem>>, vector<16xi32>,
      tpu.vector_store_idx %arg14[%get3A_186], %broadcast_in_dim3A_14 {add = true} : memref<10112xf32, #tpu.memory_space<vmem>>[vector<16xi32>], vector<16xf32>,
      %get3A_187 = arith.constant 157 : i32
      %get3A_188 = arith.index_cast %get3A_187 : i32 to index
      %get3A_189 = arith.constant 80 : index
      %get3A_190 = tpu.vector_load %arg9[%get3A_188, %get3A_189] {strides = array<i32>} : memref<160x128xi32, #tpu.memory_space<vmem>>, vector<16xi32>,
      tpu.vector_store_idx %arg14[%get3A_190], %broadcast_in_dim3A_14 {add = true} : memref<10112xf32, #tpu.memory_space<vmem>>[vector<16xi32>], vector<16xf32>,
      %get3A_191 = arith.constant 157 : i32
      %get3A_192 = arith.index_cast %get3A_191 : i32 to index
      %get3A_193 = arith.constant 96 : index
      %get3A_194 = tpu.vector_load %arg9[%get3A_192, %get3A_193] {strides = array<i32>} : memref<160x128xi32, #tpu.memory_space<vmem>>, vector<16xi32>,
      tpu.vector_store_idx %arg14[%get3A_194], %broadcast_in_dim3A_14 {add = true} : memref<10112xf32, #tpu.memory_space<vmem>>[vector<16xi32>], vector<16xf32>,
      %get3A_195 = arith.constant 157 : i32
      %get3A_196 = arith.index_cast %get3A_195 : i32 to index
      %get3A_197 = arith.constant 112 : index
      %get3A_198 = tpu.vector_load %arg9[%get3A_196, %get3A_197] {strides = array<i32>} : memref<160x128xi32, #tpu.memory_space<vmem>>, vector<16xi32>,
      tpu.vector_store_idx %arg14[%get3A_198], %broadcast_in_dim3A_14 {add = true} : memref<10112xf32, #tpu.memory_space<vmem>>[vector<16xi32>], vector<16xf32>,
    } else {
    }
    %dma_wait3A_120 = arith.constant 0 : i32
    %dma_wait3A_121 = arith.constant 0 : i32
    %dma_wait3A_122 = tpu.memref_slice %arg9[%dma_wait3A_120, %dma_wait3A_121] : memref<160x128xi32, #tpu.memory_space<vmem>> -> memref<1x128xi32, #tpu.memory_space<vmem>>
    %dma_wait3A_123 = tpu.memref_squeeze %dma_wait3A_122 : memref<1x128xi32, #tpu.memory_space<vmem>> -> memref<128xi32, #tpu.memory_space<vmem>>
    %dma_wait3A_124 = arith.constant 0 : i32
    %dma_wait3A_125 = arith.constant 0 : i32
    %dma_wait3A_126 = tpu.memref_slice %arg15[%dma_wait3A_124, %dma_wait3A_125] : memref<10112x64xf32, #tpu.memory_space<vmem_shared>> -> memref<10112x64xf32, #tpu.memory_space<vmem_shared>>
    tpu.wait_indirect_dma semaphore(%arg21 : memref<!tpu.dma_semaphore, #tpu.memory_space<semaphore_mem>>) src(%arg11 : memref<128x64xf32, #tpu.memory_space<vmem>>) dst(%dma_wait3A_126 : memref<10112x64xf32, #tpu.memory_space<vmem_shared>>)
    %eq3A_127 = arith.constant 1 : i32
    %eq3A_128 = arith.cmpi eq, %arg0, %eq3A_127 : i32
    %xor3A_129 = arith.constant false
    %xor3A_130 = arith.xori %eq3A_128, %xor3A_129 : i1
    %convert_element_type3A_131 = arith.extui %xor3A_130 : i1 to i32
    %cond3A_132 = arith.constant 0 : i32
    %cond3A_133 = arith.cmpi ne, %convert_element_type3A_131, %cond3A_132 : i32
    scf.if %cond3A_133 {
      %get3A = arith.constant 158 : i32
      %get3A_168 = arith.index_cast %get3A : i32 to index
      %get3A_169 = arith.constant 0 : index
      %get3A_170 = tpu.vector_load %arg9[%get3A_168, %get3A_169] {strides = array<i32>} : memref<160x128xi32, #tpu.memory_space<vmem>>, vector<16xi32>,
      tpu.vector_store_idx %arg14[%get3A_170], %broadcast_in_dim3A_14 {add = true} : memref<10112xf32, #tpu.memory_space<vmem>>[vector<16xi32>], vector<16xf32>,
      %get3A_171 = arith.constant 158 : i32
      %get3A_172 = arith.index_cast %get3A_171 : i32 to index
      %get3A_173 = arith.constant 16 : index
      %get3A_174 = tpu.vector_load %arg9[%get3A_172, %get3A_173] {strides = array<i32>} : memref<160x128xi32, #tpu.memory_space<vmem>>, vector<16xi32>,
      tpu.vector_store_idx %arg14[%get3A_174], %broadcast_in_dim3A_14 {add = true} : memref<10112xf32, #tpu.memory_space<vmem>>[vector<16xi32>], vector<16xf32>,
      %get3A_175 = arith.constant 158 : i32
      %get3A_176 = arith.index_cast %get3A_175 : i32 to index
      %get3A_177 = arith.constant 32 : index
      %get3A_178 = tpu.vector_load %arg9[%get3A_176, %get3A_177] {strides = array<i32>} : memref<160x128xi32, #tpu.memory_space<vmem>>, vector<16xi32>,
      tpu.vector_store_idx %arg14[%get3A_178], %broadcast_in_dim3A_14 {add = true} : memref<10112xf32, #tpu.memory_space<vmem>>[vector<16xi32>], vector<16xf32>,
      %get3A_179 = arith.constant 158 : i32
      %get3A_180 = arith.index_cast %get3A_179 : i32 to index
      %get3A_181 = arith.constant 48 : index
      %get3A_182 = tpu.vector_load %arg9[%get3A_180, %get3A_181] {strides = array<i32>} : memref<160x128xi32, #tpu.memory_space<vmem>>, vector<16xi32>,
      tpu.vector_store_idx %arg14[%get3A_182], %broadcast_in_dim3A_14 {add = true} : memref<10112xf32, #tpu.memory_space<vmem>>[vector<16xi32>], vector<16xf32>,
      %get3A_183 = arith.constant 158 : i32
      %get3A_184 = arith.index_cast %get3A_183 : i32 to index
      %get3A_185 = arith.constant 64 : index
      %get3A_186 = tpu.vector_load %arg9[%get3A_184, %get3A_185] {strides = array<i32>} : memref<160x128xi32, #tpu.memory_space<vmem>>, vector<16xi32>,
      tpu.vector_store_idx %arg14[%get3A_186], %broadcast_in_dim3A_14 {add = true} : memref<10112xf32, #tpu.memory_space<vmem>>[vector<16xi32>], vector<16xf32>,
      %get3A_187 = arith.constant 158 : i32
      %get3A_188 = arith.index_cast %get3A_187 : i32 to index
      %get3A_189 = arith.constant 80 : index
      %get3A_190 = tpu.vector_load %arg9[%get3A_188, %get3A_189] {strides = array<i32>} : memref<160x128xi32, #tpu.memory_space<vmem>>, vector<16xi32>,
      tpu.vector_store_idx %arg14[%get3A_190], %broadcast_in_dim3A_14 {add = true} : memref<10112xf32, #tpu.memory_space<vmem>>[vector<16xi32>], vector<16xf32>,
      %get3A_191 = arith.constant 158 : i32
      %get3A_192 = arith.index_cast %get3A_191 : i32 to index
      %get3A_193 = arith.constant 96 : index
      %get3A_194 = tpu.vector_load %arg9[%get3A_192, %get3A_193] {strides = array<i32>} : memref<160x128xi32, #tpu.memory_space<vmem>>, vector<16xi32>,
      tpu.vector_store_idx %arg14[%get3A_194], %broadcast_in_dim3A_14 {add = true} : memref<10112xf32, #tpu.memory_space<vmem>>[vector<16xi32>], vector<16xf32>,
      %get3A_195 = arith.constant 158 : i32
      %get3A_196 = arith.index_cast %get3A_195 : i32 to index
      %get3A_197 = arith.constant 112 : index
      %get3A_198 = tpu.vector_load %arg9[%get3A_196, %get3A_197] {strides = array<i32>} : memref<160x128xi32, #tpu.memory_space<vmem>>, vector<16xi32>,
      tpu.vector_store_idx %arg14[%get3A_198], %broadcast_in_dim3A_14 {add = true} : memref<10112xf32, #tpu.memory_space<vmem>>[vector<16xi32>], vector<16xf32>,
    } else {
    }
    %dma_wait3A_134 = arith.constant 0 : i32
    %dma_wait3A_135 = arith.constant 0 : i32
    %dma_wait3A_136 = tpu.memref_slice %arg9[%dma_wait3A_134, %dma_wait3A_135] : memref<160x128xi32, #tpu.memory_space<vmem>> -> memref<1x128xi32, #tpu.memory_space<vmem>>
    %dma_wait3A_137 = tpu.memref_squeeze %dma_wait3A_136 : memref<1x128xi32, #tpu.memory_space<vmem>> -> memref<128xi32, #tpu.memory_space<vmem>>
    %dma_wait3A_138 = arith.constant 0 : i32
    %dma_wait3A_139 = arith.constant 0 : i32
    %dma_wait3A_140 = tpu.memref_slice %arg15[%dma_wait3A_138, %dma_wait3A_139] : memref<10112x64xf32, #tpu.memory_space<vmem_shared>> -> memref<10112x64xf32, #tpu.memory_space<vmem_shared>>
    tpu.wait_indirect_dma semaphore(%arg22 : memref<!tpu.dma_semaphore, #tpu.memory_space<semaphore_mem>>) src(%arg12 : memref<128x64xf32, #tpu.memory_space<vmem>>) dst(%dma_wait3A_140 : memref<10112x64xf32, #tpu.memory_space<vmem_shared>>)
    %eq3A_141 = arith.constant 1 : i32
    %eq3A_142 = arith.cmpi eq, %arg0, %eq3A_141 : i32
    %xor3A_143 = arith.constant false
    %xor3A_144 = arith.xori %eq3A_142, %xor3A_143 : i1
    %convert_element_type3A_145 = arith.extui %xor3A_144 : i1 to i32
    %cond3A_146 = arith.constant 0 : i32
    %cond3A_147 = arith.cmpi ne, %convert_element_type3A_145, %cond3A_146 : i32
    scf.if %cond3A_147 {
      %get3A = arith.constant 159 : i32
      %get3A_168 = arith.index_cast %get3A : i32 to index
      %get3A_169 = arith.constant 0 : index
      %get3A_170 = tpu.vector_load %arg9[%get3A_168, %get3A_169] {strides = array<i32>} : memref<160x128xi32, #tpu.memory_space<vmem>>, vector<16xi32>,
      tpu.vector_store_idx %arg14[%get3A_170], %broadcast_in_dim3A_14 {add = true} : memref<10112xf32, #tpu.memory_space<vmem>>[vector<16xi32>], vector<16xf32>,
      %get3A_171 = arith.constant 159 : i32
      %get3A_172 = arith.index_cast %get3A_171 : i32 to index
      %get3A_173 = arith.constant 16 : index
      %get3A_174 = tpu.vector_load %arg9[%get3A_172, %get3A_173] {strides = array<i32>} : memref<160x128xi32, #tpu.memory_space<vmem>>, vector<16xi32>,
      tpu.vector_store_idx %arg14[%get3A_174], %broadcast_in_dim3A_14 {add = true} : memref<10112xf32, #tpu.memory_space<vmem>>[vector<16xi32>], vector<16xf32>,
      %get3A_175 = arith.constant 159 : i32
      %get3A_176 = arith.index_cast %get3A_175 : i32 to index
      %get3A_177 = arith.constant 32 : index
      %get3A_178 = tpu.vector_load %arg9[%get3A_176, %get3A_177] {strides = array<i32>} : memref<160x128xi32, #tpu.memory_space<vmem>>, vector<16xi32>,
      tpu.vector_store_idx %arg14[%get3A_178], %broadcast_in_dim3A_14 {add = true} : memref<10112xf32, #tpu.memory_space<vmem>>[vector<16xi32>], vector<16xf32>,
      %get3A_179 = arith.constant 159 : i32
      %get3A_180 = arith.index_cast %get3A_179 : i32 to index
      %get3A_181 = arith.constant 48 : index
      %get3A_182 = tpu.vector_load %arg9[%get3A_180, %get3A_181] {strides = array<i32>} : memref<160x128xi32, #tpu.memory_space<vmem>>, vector<16xi32>,
      tpu.vector_store_idx %arg14[%get3A_182], %broadcast_in_dim3A_14 {add = true} : memref<10112xf32, #tpu.memory_space<vmem>>[vector<16xi32>], vector<16xf32>,
      %get3A_183 = arith.constant 159 : i32
      %get3A_184 = arith.index_cast %get3A_183 : i32 to index
      %get3A_185 = arith.constant 64 : index
      %get3A_186 = tpu.vector_load %arg9[%get3A_184, %get3A_185] {strides = array<i32>} : memref<160x128xi32, #tpu.memory_space<vmem>>, vector<16xi32>,
      tpu.vector_store_idx %arg14[%get3A_186], %broadcast_in_dim3A_14 {add = true} : memref<10112xf32, #tpu.memory_space<vmem>>[vector<16xi32>], vector<16xf32>,
      %get3A_187 = arith.constant 159 : i32
      %get3A_188 = arith.index_cast %get3A_187 : i32 to index
      %get3A_189 = arith.constant 80 : index
      %get3A_190 = tpu.vector_load %arg9[%get3A_188, %get3A_189] {strides = array<i32>} : memref<160x128xi32, #tpu.memory_space<vmem>>, vector<16xi32>,
      tpu.vector_store_idx %arg14[%get3A_190], %broadcast_in_dim3A_14 {add = true} : memref<10112xf32, #tpu.memory_space<vmem>>[vector<16xi32>], vector<16xf32>,
      %get3A_191 = arith.constant 159 : i32
      %get3A_192 = arith.index_cast %get3A_191 : i32 to index
      %get3A_193 = arith.constant 96 : index
      %get3A_194 = tpu.vector_load %arg9[%get3A_192, %get3A_193] {strides = array<i32>} : memref<160x128xi32, #tpu.memory_space<vmem>>, vector<16xi32>,
      tpu.vector_store_idx %arg14[%get3A_194], %broadcast_in_dim3A_14 {add = true} : memref<10112xf32, #tpu.memory_space<vmem>>[vector<16xi32>], vector<16xf32>,
      %get3A_195 = arith.constant 159 : i32
      %get3A_196 = arith.index_cast %get3A_195 : i32 to index
      %get3A_197 = arith.constant 112 : index
      %get3A_198 = tpu.vector_load %arg9[%get3A_196, %get3A_197] {strides = array<i32>} : memref<160x128xi32, #tpu.memory_space<vmem>>, vector<16xi32>,
      tpu.vector_store_idx %arg14[%get3A_198], %broadcast_in_dim3A_14 {add = true} : memref<10112xf32, #tpu.memory_space<vmem>>[vector<16xi32>], vector<16xf32>,
    } else {
    }
    %dma_wait3A_148 = arith.constant 0 : i32
    %dma_wait3A_149 = arith.constant 0 : i32
    %dma_wait3A_150 = tpu.memref_slice %arg9[%dma_wait3A_148, %dma_wait3A_149] : memref<160x128xi32, #tpu.memory_space<vmem>> -> memref<1x128xi32, #tpu.memory_space<vmem>>
    %dma_wait3A_151 = tpu.memref_squeeze %dma_wait3A_150 : memref<1x128xi32, #tpu.memory_space<vmem>> -> memref<128xi32, #tpu.memory_space<vmem>>
    %dma_wait3A_152 = arith.constant 0 : i32
    %dma_wait3A_153 = arith.constant 0 : i32
    %dma_wait3A_154 = tpu.memref_slice %arg15[%dma_wait3A_152, %dma_wait3A_153] : memref<10112x64xf32, #tpu.memory_space<vmem_shared>> -> memref<10112x64xf32, #tpu.memory_space<vmem_shared>>
    tpu.wait_indirect_dma semaphore(%arg23 : memref<!tpu.dma_semaphore, #tpu.memory_space<semaphore_mem>>) src(%arg13 : memref<128x64xf32, #tpu.memory_space<vmem>>) dst(%dma_wait3A_154 : memref<10112x64xf32, #tpu.memory_space<vmem_shared>>)
    %mul3A_155 = arith.constant 16 : i32
    %mul3A_156 = arith.muli %arg0, %mul3A_155 : i32
    %add3A_157 = arith.addi %mul3A_156, %arg1 : i32
    %mul3A_158 = arith.constant 10112 : i32
    %mul3A_159 = arith.muli %add3A_157, %mul3A_158 : i32
    "tpu.region"() ({
      %run_scoped3A = tpu.sem_alloc : memref<!tpu.dma_semaphore, #tpu.memory_space<semaphore_mem>>
      %dma_start3A_168 = tpu.memref_slice %arg7[%mul3A_159] : memref<323584xf32, #tpu.memory_space<hbm>> -> memref<10112xf32, #tpu.memory_space<hbm>>
      %dma_start3A_169 = tpu.memref_slice %arg7[%mul3A_159] : memref<323584xf32, #tpu.memory_space<hbm>> -> memref<10112xf32, #tpu.memory_space<hbm>>
      tpu.enqueue_dma source(%arg14 : memref<10112xf32, #tpu.memory_space<vmem>>) target(%dma_start3A_169 : memref<10112xf32, #tpu.memory_space<hbm>>) target_semaphore(%run_scoped3A : memref<!tpu.dma_semaphore, #tpu.memory_space<semaphore_mem>>)
      %dma_wait3A_170 = tpu.memref_slice %arg7[%mul3A_159] : memref<323584xf32, #tpu.memory_space<hbm>> -> memref<10112xf32, #tpu.memory_space<hbm>>
      %dma_wait3A_171 = tpu.memref_slice %arg7[%mul3A_159] : memref<323584xf32, #tpu.memory_space<hbm>> -> memref<10112xf32, #tpu.memory_space<hbm>>
      tpu.wait_dma2 semaphore(%run_scoped3A : memref<!tpu.dma_semaphore, #tpu.memory_space<semaphore_mem>>) src(%arg14 : memref<10112xf32, #tpu.memory_space<vmem>>) dst(%dma_wait3A_171 : memref<10112xf32, #tpu.memory_space<hbm>>)
      tpu.yield
    }) : () -> ()
    %barrier3A_160 = arith.constant 0 : index
    tpu.barrier barrier_id(%barrier3A_160)
    %mul3A_161 = arith.constant 632 : i32
    %mul3A_162 = arith.muli %arg1, %mul3A_161 : i32
    %mul3A_163 = arith.constant 10112 : i32
    %mul3A_164 = arith.muli %arg0, %mul3A_163 : i32
    %mul3A_165 = arith.constant 632 : i32
    %mul3A_166 = arith.muli %arg1, %mul3A_165 : i32
    %add3A_167 = arith.addi %mul3A_164, %mul3A_166 : i32
    "tpu.region"() ({
      %run_scoped3A = tpu.sem_alloc : memref<!tpu.dma_semaphore, #tpu.memory_space<semaphore_mem>>
      %dma_start3A_168 = arith.constant 0 : i32
      %dma_start3A_169 = tpu.memref_slice %arg6[%add3A_167, %dma_start3A_168] : memref<20224x64xf32, #tpu.memory_space<hbm>> -> memref<632x64xf32, #tpu.memory_space<hbm>>
      %dma_start3A_170 = arith.constant 0 : i32
      %dma_start3A_171 = tpu.memref_slice %arg15[%mul3A_162, %dma_start3A_170] : memref<10112x64xf32, #tpu.memory_space<vmem_shared>> -> memref<632x64xf32, #tpu.memory_space<vmem_shared>>
      tpu.enqueue_dma source(%dma_start3A_171 : memref<632x64xf32, #tpu.memory_space<vmem_shared>>) target(%dma_start3A_169 : memref<632x64xf32, #tpu.memory_space<hbm>>) target_semaphore(%run_scoped3A : memref<!tpu.dma_semaphore, #tpu.memory_space<semaphore_mem>>)
      %dma_wait3A_172 = arith.constant 0 : i32
      %dma_wait3A_173 = tpu.memref_slice %arg6[%add3A_167, %dma_wait3A_172] : memref<20224x64xf32, #tpu.memory_space<hbm>> -> memref<632x64xf32, #tpu.memory_space<hbm>>
      %dma_wait3A_174 = arith.constant 0 : i32
      %dma_wait3A_175 = tpu.memref_slice %arg15[%mul3A_162, %dma_wait3A_174] : memref<10112x64xf32, #tpu.memory_space<vmem_shared>> -> memref<632x64xf32, #tpu.memory_space<vmem_shared>>
      tpu.wait_dma2 semaphore(%run_scoped3A : memref<!tpu.dma_semaphore, #tpu.memory_space<semaphore_mem>>) src(%dma_wait3A_175 : memref<632x64xf32, #tpu.memory_space<vmem_shared>>) dst(%dma_wait3A_173 : memref<632x64xf32, #tpu.memory_space<hbm>>)
      tpu.yield
    }) : () -> ()
    return
  }
}

#map = affine_map<(d0, d1) -> (0, 0)>
module attributes {stable_mosaic.version = 14 : i64} {
  func.func @body(%arg0: i32, %arg1: i32, %arg2: memref<20224x64xf32, #tpu.memory_space<hbm>>, %arg3: memref<5120x128xi32, #tpu.memory_space<hbm>>, %arg4: memref<2560x128xi32, #tpu.memory_space<hbm>>, %arg5: memref<10112x64xf32, #tpu.memory_space<hbm>>, %arg6: memref<20224x64xf32, #tpu.memory_space<hbm>>, %arg7: memref<160x128xi32, #tpu.memory_space<vmem>>, %arg8: memref<160x128xi32, #tpu.memory_space<vmem>>, %arg9: memref<128x64xf32, #tpu.memory_space<vmem>>, %arg10: memref<128x64xf32, #tpu.memory_space<vmem>>, %arg11: memref<128x64xf32, #tpu.memory_space<vmem>>, %arg12: memref<128x64xf32, #tpu.memory_space<vmem>>, %arg13: memref<128x64xf32, #tpu.memory_space<vmem>>, %arg14: memref<10112x64xf32, #tpu.memory_space<vmem_shared>>, %arg15: memref<!tpu.dma_semaphore, #tpu.memory_space<semaphore_mem>>, %arg16: memref<!tpu.dma_semaphore, #tpu.memory_space<semaphore_mem>>, %arg17: memref<!tpu.dma_semaphore, #tpu.memory_space<semaphore_mem>>, %arg18: memref<!tpu.dma_semaphore, #tpu.memory_space<semaphore_mem>>, %arg19: memref<!tpu.dma_semaphore, #tpu.memory_space<semaphore_mem>>, %arg20: memref<!tpu.dma_semaphore, #tpu.memory_space<semaphore_mem>>, %arg21: memref<!tpu.dma_semaphore, #tpu.memory_space<semaphore_mem>>, %arg22: memref<!tpu.dma_semaphore, #tpu.memory_space<semaphore_mem>>, %arg23: memref<!tpu.dma_semaphore, #tpu.memory_space<semaphore_mem>>, %arg24: memref<!tpu.dma_semaphore, #tpu.memory_space<semaphore_mem>>) attributes {dimension_semantics = [#tpu.dimension_semantics<core_parallel>, #tpu.dimension_semantics<subcore_parallel>], iteration_bounds = array<i64: 2, 16>, scalar_prefetch = 0 : i64, scratch_operands = 18 : i64, tpu.core_type = #tpu.core_type<sc_vector_subcore>, window_params = [{transform_indices = #map}, {transform_indices = #map}, {transform_indices = #map}, {transform_indices = #map}, {transform_indices = #map}]} {
    %mul3A = arith.constant 632 : i32
    %mul3A_0 = arith.muli %arg1, %mul3A : i32
    %mul3A_1 = arith.constant 632 : i32
    %mul3A_2 = arith.muli %arg1, %mul3A_1 : i32
    "tpu.region"() ({
      %run_scoped3A = tpu.sem_alloc : memref<!tpu.dma_semaphore, #tpu.memory_space<semaphore_mem>>
      %dma_start3A_161 = arith.constant 0 : i32
      %dma_start3A_162 = tpu.memref_slice %arg14[%mul3A_2, %dma_start3A_161] : memref<10112x64xf32, #tpu.memory_space<vmem_shared>> -> memref<632x64xf32, #tpu.memory_space<vmem_shared>>
      %dma_start3A_163 = arith.constant 0 : i32
      %dma_start3A_164 = tpu.memref_slice %arg5[%mul3A_0, %dma_start3A_163] : memref<10112x64xf32, #tpu.memory_space<hbm>> -> memref<632x64xf32, #tpu.memory_space<hbm>>
      tpu.enqueue_dma source(%dma_start3A_164 : memref<632x64xf32, #tpu.memory_space<hbm>>) target(%dma_start3A_162 : memref<632x64xf32, #tpu.memory_space<vmem_shared>>) target_semaphore(%run_scoped3A : memref<!tpu.dma_semaphore, #tpu.memory_space<semaphore_mem>>)
      %dma_wait3A_165 = arith.constant 0 : i32
      %dma_wait3A_166 = tpu.memref_slice %arg14[%mul3A_2, %dma_wait3A_165] : memref<10112x64xf32, #tpu.memory_space<vmem_shared>> -> memref<632x64xf32, #tpu.memory_space<vmem_shared>>
      %dma_wait3A_167 = arith.constant 0 : i32
      %dma_wait3A_168 = tpu.memref_slice %arg5[%mul3A_0, %dma_wait3A_167] : memref<10112x64xf32, #tpu.memory_space<hbm>> -> memref<632x64xf32, #tpu.memory_space<hbm>>
      tpu.wait_dma2 semaphore(%run_scoped3A : memref<!tpu.dma_semaphore, #tpu.memory_space<semaphore_mem>>) src(%dma_wait3A_168 : memref<632x64xf32, #tpu.memory_space<hbm>>) dst(%dma_wait3A_166 : memref<632x64xf32, #tpu.memory_space<vmem_shared>>)
      tpu.yield
    }) : () -> ()
    %barrier3A = arith.constant 0 : index
    tpu.barrier barrier_id(%barrier3A)
    %mul3A_3 = arith.constant 2560 : i32
    %mul3A_4 = arith.muli %arg0, %mul3A_3 : i32
    %mul3A_5 = arith.constant 160 : i32
    %mul3A_6 = arith.muli %arg1, %mul3A_5 : i32
    %add3A = arith.addi %mul3A_4, %mul3A_6 : i32
    "tpu.region"() ({
      %run_scoped3A = tpu.sem_alloc : memref<!tpu.dma_semaphore, #tpu.memory_space<semaphore_mem>>
      %dma_start3A_161 = arith.constant 0 : i32
      %dma_start3A_162 = tpu.memref_slice %arg3[%add3A, %dma_start3A_161] : memref<5120x128xi32, #tpu.memory_space<hbm>> -> memref<160x128xi32, #tpu.memory_space<hbm>>
      %dma_start3A_163 = arith.constant 0 : i32
      %dma_start3A_164 = tpu.memref_slice %arg3[%add3A, %dma_start3A_163] : memref<5120x128xi32, #tpu.memory_space<hbm>> -> memref<160x128xi32, #tpu.memory_space<hbm>>
      tpu.enqueue_dma source(%dma_start3A_164 : memref<160x128xi32, #tpu.memory_space<hbm>>) target(%arg7 : memref<160x128xi32, #tpu.memory_space<vmem>>) target_semaphore(%run_scoped3A : memref<!tpu.dma_semaphore, #tpu.memory_space<semaphore_mem>>)
      %dma_wait3A_165 = arith.constant 0 : i32
      %dma_wait3A_166 = tpu.memref_slice %arg3[%add3A, %dma_wait3A_165] : memref<5120x128xi32, #tpu.memory_space<hbm>> -> memref<160x128xi32, #tpu.memory_space<hbm>>
      %dma_wait3A_167 = arith.constant 0 : i32
      %dma_wait3A_168 = tpu.memref_slice %arg3[%add3A, %dma_wait3A_167] : memref<5120x128xi32, #tpu.memory_space<hbm>> -> memref<160x128xi32, #tpu.memory_space<hbm>>
      tpu.wait_dma2 semaphore(%run_scoped3A : memref<!tpu.dma_semaphore, #tpu.memory_space<semaphore_mem>>) src(%dma_wait3A_168 : memref<160x128xi32, #tpu.memory_space<hbm>>) dst(%arg7 : memref<160x128xi32, #tpu.memory_space<vmem>>)
      tpu.yield
    }) : () -> ()
    %mul3A_7 = arith.constant 160 : i32
    %mul3A_8 = arith.muli %arg1, %mul3A_7 : i32
    "tpu.region"() ({
      %run_scoped3A = tpu.sem_alloc : memref<!tpu.dma_semaphore, #tpu.memory_space<semaphore_mem>>
      %dma_start3A_161 = arith.constant 0 : i32
      %dma_start3A_162 = tpu.memref_slice %arg4[%mul3A_8, %dma_start3A_161] : memref<2560x128xi32, #tpu.memory_space<hbm>> -> memref<160x128xi32, #tpu.memory_space<hbm>>
      %dma_start3A_163 = arith.constant 0 : i32
      %dma_start3A_164 = tpu.memref_slice %arg4[%mul3A_8, %dma_start3A_163] : memref<2560x128xi32, #tpu.memory_space<hbm>> -> memref<160x128xi32, #tpu.memory_space<hbm>>
      tpu.enqueue_dma source(%dma_start3A_164 : memref<160x128xi32, #tpu.memory_space<hbm>>) target(%arg8 : memref<160x128xi32, #tpu.memory_space<vmem>>) target_semaphore(%run_scoped3A : memref<!tpu.dma_semaphore, #tpu.memory_space<semaphore_mem>>)
      %dma_wait3A_165 = arith.constant 0 : i32
      %dma_wait3A_166 = tpu.memref_slice %arg4[%mul3A_8, %dma_wait3A_165] : memref<2560x128xi32, #tpu.memory_space<hbm>> -> memref<160x128xi32, #tpu.memory_space<hbm>>
      %dma_wait3A_167 = arith.constant 0 : i32
      %dma_wait3A_168 = tpu.memref_slice %arg4[%mul3A_8, %dma_wait3A_167] : memref<2560x128xi32, #tpu.memory_space<hbm>> -> memref<160x128xi32, #tpu.memory_space<hbm>>
      tpu.wait_dma2 semaphore(%run_scoped3A : memref<!tpu.dma_semaphore, #tpu.memory_space<semaphore_mem>>) src(%dma_wait3A_168 : memref<160x128xi32, #tpu.memory_space<hbm>>) dst(%arg8 : memref<160x128xi32, #tpu.memory_space<vmem>>)
      tpu.yield
    }) : () -> ()
    %broadcast_in_dim3A = arith.constant 1.000000e+00 : f32
    %broadcast_in_dim3A_9 = vector.broadcast %broadcast_in_dim3A : f32 to vector<16xf32>
    %dma_start3A = arith.constant 0 : i32
    %dma_start3A_10 = arith.constant 0 : i32
    %dma_start3A_11 = tpu.memref_slice %arg7[%dma_start3A, %dma_start3A_10] : memref<160x128xi32, #tpu.memory_space<vmem>> -> memref<1x128xi32, #tpu.memory_space<vmem>>
    %dma_start3A_12 = tpu.memref_squeeze %dma_start3A_11 : memref<1x128xi32, #tpu.memory_space<vmem>> -> memref<128xi32, #tpu.memory_space<vmem>>
    %dma_start3A_13 = arith.constant 0 : i32
    %dma_start3A_14 = arith.constant 0 : i32
    %dma_start3A_15 = tpu.memref_slice %arg2[%dma_start3A_13, %dma_start3A_14] : memref<20224x64xf32, #tpu.memory_space<hbm>> -> memref<20224x64xf32, #tpu.memory_space<hbm>>
    tpu.enqueue_indirect_dma source(%dma_start3A_15 : memref<20224x64xf32, #tpu.memory_space<hbm>>) target(%arg9 : memref<128x64xf32, #tpu.memory_space<vmem>>) offsets(%dma_start3A_12 : memref<128xi32, #tpu.memory_space<vmem>>) semaphore(%arg15 : memref<!tpu.dma_semaphore, #tpu.memory_space<semaphore_mem>>)
    %dma_start3A_16 = arith.constant 1 : i32
    %dma_start3A_17 = arith.constant 0 : i32
    %dma_start3A_18 = tpu.memref_slice %arg7[%dma_start3A_16, %dma_start3A_17] : memref<160x128xi32, #tpu.memory_space<vmem>> -> memref<1x128xi32, #tpu.memory_space<vmem>>
    %dma_start3A_19 = tpu.memref_squeeze %dma_start3A_18 : memref<1x128xi32, #tpu.memory_space<vmem>> -> memref<128xi32, #tpu.memory_space<vmem>>
    %dma_start3A_20 = arith.constant 0 : i32
    %dma_start3A_21 = arith.constant 0 : i32
    %dma_start3A_22 = tpu.memref_slice %arg2[%dma_start3A_20, %dma_start3A_21] : memref<20224x64xf32, #tpu.memory_space<hbm>> -> memref<20224x64xf32, #tpu.memory_space<hbm>>
    tpu.enqueue_indirect_dma source(%dma_start3A_22 : memref<20224x64xf32, #tpu.memory_space<hbm>>) target(%arg10 : memref<128x64xf32, #tpu.memory_space<vmem>>) offsets(%dma_start3A_19 : memref<128xi32, #tpu.memory_space<vmem>>) semaphore(%arg16 : memref<!tpu.dma_semaphore, #tpu.memory_space<semaphore_mem>>)
    %dma_start3A_23 = arith.constant 2 : i32
    %dma_start3A_24 = arith.constant 0 : i32
    %dma_start3A_25 = tpu.memref_slice %arg7[%dma_start3A_23, %dma_start3A_24] : memref<160x128xi32, #tpu.memory_space<vmem>> -> memref<1x128xi32, #tpu.memory_space<vmem>>
    %dma_start3A_26 = tpu.memref_squeeze %dma_start3A_25 : memref<1x128xi32, #tpu.memory_space<vmem>> -> memref<128xi32, #tpu.memory_space<vmem>>
    %dma_start3A_27 = arith.constant 0 : i32
    %dma_start3A_28 = arith.constant 0 : i32
    %dma_start3A_29 = tpu.memref_slice %arg2[%dma_start3A_27, %dma_start3A_28] : memref<20224x64xf32, #tpu.memory_space<hbm>> -> memref<20224x64xf32, #tpu.memory_space<hbm>>
    tpu.enqueue_indirect_dma source(%dma_start3A_29 : memref<20224x64xf32, #tpu.memory_space<hbm>>) target(%arg11 : memref<128x64xf32, #tpu.memory_space<vmem>>) offsets(%dma_start3A_26 : memref<128xi32, #tpu.memory_space<vmem>>) semaphore(%arg17 : memref<!tpu.dma_semaphore, #tpu.memory_space<semaphore_mem>>)
    %dma_start3A_30 = arith.constant 3 : i32
    %dma_start3A_31 = arith.constant 0 : i32
    %dma_start3A_32 = tpu.memref_slice %arg7[%dma_start3A_30, %dma_start3A_31] : memref<160x128xi32, #tpu.memory_space<vmem>> -> memref<1x128xi32, #tpu.memory_space<vmem>>
    %dma_start3A_33 = tpu.memref_squeeze %dma_start3A_32 : memref<1x128xi32, #tpu.memory_space<vmem>> -> memref<128xi32, #tpu.memory_space<vmem>>
    %dma_start3A_34 = arith.constant 0 : i32
    %dma_start3A_35 = arith.constant 0 : i32
    %dma_start3A_36 = tpu.memref_slice %arg2[%dma_start3A_34, %dma_start3A_35] : memref<20224x64xf32, #tpu.memory_space<hbm>> -> memref<20224x64xf32, #tpu.memory_space<hbm>>
    tpu.enqueue_indirect_dma source(%dma_start3A_36 : memref<20224x64xf32, #tpu.memory_space<hbm>>) target(%arg12 : memref<128x64xf32, #tpu.memory_space<vmem>>) offsets(%dma_start3A_33 : memref<128xi32, #tpu.memory_space<vmem>>) semaphore(%arg18 : memref<!tpu.dma_semaphore, #tpu.memory_space<semaphore_mem>>)
    %dma_start3A_37 = arith.constant 4 : i32
    %dma_start3A_38 = arith.constant 0 : i32
    %dma_start3A_39 = tpu.memref_slice %arg7[%dma_start3A_37, %dma_start3A_38] : memref<160x128xi32, #tpu.memory_space<vmem>> -> memref<1x128xi32, #tpu.memory_space<vmem>>
    %dma_start3A_40 = tpu.memref_squeeze %dma_start3A_39 : memref<1x128xi32, #tpu.memory_space<vmem>> -> memref<128xi32, #tpu.memory_space<vmem>>
    %dma_start3A_41 = arith.constant 0 : i32
    %dma_start3A_42 = arith.constant 0 : i32
    %dma_start3A_43 = tpu.memref_slice %arg2[%dma_start3A_41, %dma_start3A_42] : memref<20224x64xf32, #tpu.memory_space<hbm>> -> memref<20224x64xf32, #tpu.memory_space<hbm>>
    tpu.enqueue_indirect_dma source(%dma_start3A_43 : memref<20224x64xf32, #tpu.memory_space<hbm>>) target(%arg13 : memref<128x64xf32, #tpu.memory_space<vmem>>) offsets(%dma_start3A_40 : memref<128xi32, #tpu.memory_space<vmem>>) semaphore(%arg19 : memref<!tpu.dma_semaphore, #tpu.memory_space<semaphore_mem>>)
    %scan3A = arith.constant 0 : i32
    %scan3A_44 = arith.constant 0 : i32
    %scan3A_45 = arith.constant 31 : i32
    %scan3A_46 = arith.addi %scan3A_44, %scan3A_45 : i32
    %scan3A_47 = arith.constant 1 : i32
    scf.for %scan3A_161 = %scan3A_44 to %scan3A_46 step %scan3A_47  : i32 {
      %mul3A_162 = arith.constant 5 : i32
      %mul3A_163 = arith.muli %mul3A_162, %scan3A_161 : i32
      %dma_wait3A_164 = arith.constant 0 : i32
      %dma_wait3A_165 = arith.constant 0 : i32
      %dma_wait3A_166 = tpu.memref_slice %arg7[%dma_wait3A_164, %dma_wait3A_165] : memref<160x128xi32, #tpu.memory_space<vmem>> -> memref<1x128xi32, #tpu.memory_space<vmem>>
      %dma_wait3A_167 = tpu.memref_squeeze %dma_wait3A_166 : memref<1x128xi32, #tpu.memory_space<vmem>> -> memref<128xi32, #tpu.memory_space<vmem>>
      %dma_wait3A_168 = arith.constant 0 : i32
      %dma_wait3A_169 = arith.constant 0 : i32
      %dma_wait3A_170 = tpu.memref_slice %arg2[%dma_wait3A_168, %dma_wait3A_169] : memref<20224x64xf32, #tpu.memory_space<hbm>> -> memref<20224x64xf32, #tpu.memory_space<hbm>>
      tpu.wait_indirect_dma semaphore(%arg15 : memref<!tpu.dma_semaphore, #tpu.memory_space<semaphore_mem>>) src(%dma_wait3A_170 : memref<20224x64xf32, #tpu.memory_space<hbm>>) dst(%arg9 : memref<128x64xf32, #tpu.memory_space<vmem>>)
      %add3A_171 = arith.constant 0 : i32
      %add3A_172 = arith.addi %mul3A_163, %add3A_171 : i32
      %dma_start3A_173 = arith.constant 0 : i32
      %dma_start3A_174 = tpu.memref_slice %arg8[%add3A_172, %dma_start3A_173] : memref<160x128xi32, #tpu.memory_space<vmem>> -> memref<1x128xi32, #tpu.memory_space<vmem>>
      %dma_start3A_175 = tpu.memref_squeeze %dma_start3A_174 : memref<1x128xi32, #tpu.memory_space<vmem>> -> memref<128xi32, #tpu.memory_space<vmem>>
      %dma_start3A_176 = arith.constant 0 : i32
      %dma_start3A_177 = arith.constant 0 : i32
      %dma_start3A_178 = tpu.memref_slice %arg14[%dma_start3A_176, %dma_start3A_177] : memref<10112x64xf32, #tpu.memory_space<vmem_shared>> -> memref<10112x64xf32, #tpu.memory_space<vmem_shared>>
      tpu.enqueue_indirect_dma source(%arg9 : memref<128x64xf32, #tpu.memory_space<vmem>>) target(%dma_start3A_178 : memref<10112x64xf32, #tpu.memory_space<vmem_shared>>) offsets(%dma_start3A_175 : memref<128xi32, #tpu.memory_space<vmem>>) semaphore(%arg20 : memref<!tpu.dma_semaphore, #tpu.memory_space<semaphore_mem>>) {add = true}
      %dma_wait3A_179 = arith.constant 0 : i32
      %dma_wait3A_180 = arith.constant 0 : i32
      %dma_wait3A_181 = tpu.memref_slice %arg7[%dma_wait3A_179, %dma_wait3A_180] : memref<160x128xi32, #tpu.memory_space<vmem>> -> memref<1x128xi32, #tpu.memory_space<vmem>>
      %dma_wait3A_182 = tpu.memref_squeeze %dma_wait3A_181 : memref<1x128xi32, #tpu.memory_space<vmem>> -> memref<128xi32, #tpu.memory_space<vmem>>
      %dma_wait3A_183 = arith.constant 0 : i32
      %dma_wait3A_184 = arith.constant 0 : i32
      %dma_wait3A_185 = tpu.memref_slice %arg2[%dma_wait3A_183, %dma_wait3A_184] : memref<20224x64xf32, #tpu.memory_space<hbm>> -> memref<20224x64xf32, #tpu.memory_space<hbm>>
      tpu.wait_indirect_dma semaphore(%arg16 : memref<!tpu.dma_semaphore, #tpu.memory_space<semaphore_mem>>) src(%dma_wait3A_185 : memref<20224x64xf32, #tpu.memory_space<hbm>>) dst(%arg10 : memref<128x64xf32, #tpu.memory_space<vmem>>)
      %add3A_186 = arith.constant 1 : i32
      %add3A_187 = arith.addi %mul3A_163, %add3A_186 : i32
      %dma_start3A_188 = arith.constant 0 : i32
      %dma_start3A_189 = tpu.memref_slice %arg8[%add3A_187, %dma_start3A_188] : memref<160x128xi32, #tpu.memory_space<vmem>> -> memref<1x128xi32, #tpu.memory_space<vmem>>
      %dma_start3A_190 = tpu.memref_squeeze %dma_start3A_189 : memref<1x128xi32, #tpu.memory_space<vmem>> -> memref<128xi32, #tpu.memory_space<vmem>>
      %dma_start3A_191 = arith.constant 0 : i32
      %dma_start3A_192 = arith.constant 0 : i32
      %dma_start3A_193 = tpu.memref_slice %arg14[%dma_start3A_191, %dma_start3A_192] : memref<10112x64xf32, #tpu.memory_space<vmem_shared>> -> memref<10112x64xf32, #tpu.memory_space<vmem_shared>>
      tpu.enqueue_indirect_dma source(%arg10 : memref<128x64xf32, #tpu.memory_space<vmem>>) target(%dma_start3A_193 : memref<10112x64xf32, #tpu.memory_space<vmem_shared>>) offsets(%dma_start3A_190 : memref<128xi32, #tpu.memory_space<vmem>>) semaphore(%arg21 : memref<!tpu.dma_semaphore, #tpu.memory_space<semaphore_mem>>) {add = true}
      %dma_wait3A_194 = arith.constant 0 : i32
      %dma_wait3A_195 = arith.constant 0 : i32
      %dma_wait3A_196 = tpu.memref_slice %arg7[%dma_wait3A_194, %dma_wait3A_195] : memref<160x128xi32, #tpu.memory_space<vmem>> -> memref<1x128xi32, #tpu.memory_space<vmem>>
      %dma_wait3A_197 = tpu.memref_squeeze %dma_wait3A_196 : memref<1x128xi32, #tpu.memory_space<vmem>> -> memref<128xi32, #tpu.memory_space<vmem>>
      %dma_wait3A_198 = arith.constant 0 : i32
      %dma_wait3A_199 = arith.constant 0 : i32
      %dma_wait3A_200 = tpu.memref_slice %arg2[%dma_wait3A_198, %dma_wait3A_199] : memref<20224x64xf32, #tpu.memory_space<hbm>> -> memref<20224x64xf32, #tpu.memory_space<hbm>>
      tpu.wait_indirect_dma semaphore(%arg17 : memref<!tpu.dma_semaphore, #tpu.memory_space<semaphore_mem>>) src(%dma_wait3A_200 : memref<20224x64xf32, #tpu.memory_space<hbm>>) dst(%arg11 : memref<128x64xf32, #tpu.memory_space<vmem>>)
      %add3A_201 = arith.constant 2 : i32
      %add3A_202 = arith.addi %mul3A_163, %add3A_201 : i32
      %dma_start3A_203 = arith.constant 0 : i32
      %dma_start3A_204 = tpu.memref_slice %arg8[%add3A_202, %dma_start3A_203] : memref<160x128xi32, #tpu.memory_space<vmem>> -> memref<1x128xi32, #tpu.memory_space<vmem>>
      %dma_start3A_205 = tpu.memref_squeeze %dma_start3A_204 : memref<1x128xi32, #tpu.memory_space<vmem>> -> memref<128xi32, #tpu.memory_space<vmem>>
      %dma_start3A_206 = arith.constant 0 : i32
      %dma_start3A_207 = arith.constant 0 : i32
      %dma_start3A_208 = tpu.memref_slice %arg14[%dma_start3A_206, %dma_start3A_207] : memref<10112x64xf32, #tpu.memory_space<vmem_shared>> -> memref<10112x64xf32, #tpu.memory_space<vmem_shared>>
      tpu.enqueue_indirect_dma source(%arg11 : memref<128x64xf32, #tpu.memory_space<vmem>>) target(%dma_start3A_208 : memref<10112x64xf32, #tpu.memory_space<vmem_shared>>) offsets(%dma_start3A_205 : memref<128xi32, #tpu.memory_space<vmem>>) semaphore(%arg22 : memref<!tpu.dma_semaphore, #tpu.memory_space<semaphore_mem>>) {add = true}
      %dma_wait3A_209 = arith.constant 0 : i32
      %dma_wait3A_210 = arith.constant 0 : i32
      %dma_wait3A_211 = tpu.memref_slice %arg7[%dma_wait3A_209, %dma_wait3A_210] : memref<160x128xi32, #tpu.memory_space<vmem>> -> memref<1x128xi32, #tpu.memory_space<vmem>>
      %dma_wait3A_212 = tpu.memref_squeeze %dma_wait3A_211 : memref<1x128xi32, #tpu.memory_space<vmem>> -> memref<128xi32, #tpu.memory_space<vmem>>
      %dma_wait3A_213 = arith.constant 0 : i32
      %dma_wait3A_214 = arith.constant 0 : i32
      %dma_wait3A_215 = tpu.memref_slice %arg2[%dma_wait3A_213, %dma_wait3A_214] : memref<20224x64xf32, #tpu.memory_space<hbm>> -> memref<20224x64xf32, #tpu.memory_space<hbm>>
      tpu.wait_indirect_dma semaphore(%arg18 : memref<!tpu.dma_semaphore, #tpu.memory_space<semaphore_mem>>) src(%dma_wait3A_215 : memref<20224x64xf32, #tpu.memory_space<hbm>>) dst(%arg12 : memref<128x64xf32, #tpu.memory_space<vmem>>)
      %add3A_216 = arith.constant 3 : i32
      %add3A_217 = arith.addi %mul3A_163, %add3A_216 : i32
      %dma_start3A_218 = arith.constant 0 : i32
      %dma_start3A_219 = tpu.memref_slice %arg8[%add3A_217, %dma_start3A_218] : memref<160x128xi32, #tpu.memory_space<vmem>> -> memref<1x128xi32, #tpu.memory_space<vmem>>
      %dma_start3A_220 = tpu.memref_squeeze %dma_start3A_219 : memref<1x128xi32, #tpu.memory_space<vmem>> -> memref<128xi32, #tpu.memory_space<vmem>>
      %dma_start3A_221 = arith.constant 0 : i32
      %dma_start3A_222 = arith.constant 0 : i32
      %dma_start3A_223 = tpu.memref_slice %arg14[%dma_start3A_221, %dma_start3A_222] : memref<10112x64xf32, #tpu.memory_space<vmem_shared>> -> memref<10112x64xf32, #tpu.memory_space<vmem_shared>>
      tpu.enqueue_indirect_dma source(%arg12 : memref<128x64xf32, #tpu.memory_space<vmem>>) target(%dma_start3A_223 : memref<10112x64xf32, #tpu.memory_space<vmem_shared>>) offsets(%dma_start3A_220 : memref<128xi32, #tpu.memory_space<vmem>>) semaphore(%arg23 : memref<!tpu.dma_semaphore, #tpu.memory_space<semaphore_mem>>) {add = true}
      %dma_wait3A_224 = arith.constant 0 : i32
      %dma_wait3A_225 = arith.constant 0 : i32
      %dma_wait3A_226 = tpu.memref_slice %arg7[%dma_wait3A_224, %dma_wait3A_225] : memref<160x128xi32, #tpu.memory_space<vmem>> -> memref<1x128xi32, #tpu.memory_space<vmem>>
      %dma_wait3A_227 = tpu.memref_squeeze %dma_wait3A_226 : memref<1x128xi32, #tpu.memory_space<vmem>> -> memref<128xi32, #tpu.memory_space<vmem>>
      %dma_wait3A_228 = arith.constant 0 : i32
      %dma_wait3A_229 = arith.constant 0 : i32
      %dma_wait3A_230 = tpu.memref_slice %arg2[%dma_wait3A_228, %dma_wait3A_229] : memref<20224x64xf32, #tpu.memory_space<hbm>> -> memref<20224x64xf32, #tpu.memory_space<hbm>>
      tpu.wait_indirect_dma semaphore(%arg19 : memref<!tpu.dma_semaphore, #tpu.memory_space<semaphore_mem>>) src(%dma_wait3A_230 : memref<20224x64xf32, #tpu.memory_space<hbm>>) dst(%arg13 : memref<128x64xf32, #tpu.memory_space<vmem>>)
      %add3A_231 = arith.constant 4 : i32
      %add3A_232 = arith.addi %mul3A_163, %add3A_231 : i32
      %dma_start3A_233 = arith.constant 0 : i32
      %dma_start3A_234 = tpu.memref_slice %arg8[%add3A_232, %dma_start3A_233] : memref<160x128xi32, #tpu.memory_space<vmem>> -> memref<1x128xi32, #tpu.memory_space<vmem>>
      %dma_start3A_235 = tpu.memref_squeeze %dma_start3A_234 : memref<1x128xi32, #tpu.memory_space<vmem>> -> memref<128xi32, #tpu.memory_space<vmem>>
      %dma_start3A_236 = arith.constant 0 : i32
      %dma_start3A_237 = arith.constant 0 : i32
      %dma_start3A_238 = tpu.memref_slice %arg14[%dma_start3A_236, %dma_start3A_237] : memref<10112x64xf32, #tpu.memory_space<vmem_shared>> -> memref<10112x64xf32, #tpu.memory_space<vmem_shared>>
      tpu.enqueue_indirect_dma source(%arg13 : memref<128x64xf32, #tpu.memory_space<vmem>>) target(%dma_start3A_238 : memref<10112x64xf32, #tpu.memory_space<vmem_shared>>) offsets(%dma_start3A_235 : memref<128xi32, #tpu.memory_space<vmem>>) semaphore(%arg24 : memref<!tpu.dma_semaphore, #tpu.memory_space<semaphore_mem>>) {add = true}
      %dma_wait3A_239 = arith.constant 0 : i32
      %dma_wait3A_240 = arith.constant 0 : i32
      %dma_wait3A_241 = tpu.memref_slice %arg8[%dma_wait3A_239, %dma_wait3A_240] : memref<160x128xi32, #tpu.memory_space<vmem>> -> memref<1x128xi32, #tpu.memory_space<vmem>>
      %dma_wait3A_242 = tpu.memref_squeeze %dma_wait3A_241 : memref<1x128xi32, #tpu.memory_space<vmem>> -> memref<128xi32, #tpu.memory_space<vmem>>
      %dma_wait3A_243 = arith.constant 0 : i32
      %dma_wait3A_244 = arith.constant 0 : i32
      %dma_wait3A_245 = tpu.memref_slice %arg14[%dma_wait3A_243, %dma_wait3A_244] : memref<10112x64xf32, #tpu.memory_space<vmem_shared>> -> memref<10112x64xf32, #tpu.memory_space<vmem_shared>>
      tpu.wait_indirect_dma semaphore(%arg20 : memref<!tpu.dma_semaphore, #tpu.memory_space<semaphore_mem>>) src(%arg9 : memref<128x64xf32, #tpu.memory_space<vmem>>) dst(%dma_wait3A_245 : memref<10112x64xf32, #tpu.memory_space<vmem_shared>>)
      %add3A_246 = arith.constant 5 : i32
      %add3A_247 = arith.addi %mul3A_163, %add3A_246 : i32
      %add3A_248 = arith.constant 0 : i32
      %add3A_249 = arith.addi %add3A_247, %add3A_248 : i32
      %dma_start3A_250 = arith.constant 0 : i32
      %dma_start3A_251 = tpu.memref_slice %arg7[%add3A_249, %dma_start3A_250] : memref<160x128xi32, #tpu.memory_space<vmem>> -> memref<1x128xi32, #tpu.memory_space<vmem>>
      %dma_start3A_252 = tpu.memref_squeeze %dma_start3A_251 : memref<1x128xi32, #tpu.memory_space<vmem>> -> memref<128xi32, #tpu.memory_space<vmem>>
      %dma_start3A_253 = arith.constant 0 : i32
      %dma_start3A_254 = arith.constant 0 : i32
      %dma_start3A_255 = tpu.memref_slice %arg2[%dma_start3A_253, %dma_start3A_254] : memref<20224x64xf32, #tpu.memory_space<hbm>> -> memref<20224x64xf32, #tpu.memory_space<hbm>>
      tpu.enqueue_indirect_dma source(%dma_start3A_255 : memref<20224x64xf32, #tpu.memory_space<hbm>>) target(%arg9 : memref<128x64xf32, #tpu.memory_space<vmem>>) offsets(%dma_start3A_252 : memref<128xi32, #tpu.memory_space<vmem>>) semaphore(%arg15 : memref<!tpu.dma_semaphore, #tpu.memory_space<semaphore_mem>>)
      %dma_wait3A_256 = arith.constant 0 : i32
      %dma_wait3A_257 = arith.constant 0 : i32
      %dma_wait3A_258 = tpu.memref_slice %arg8[%dma_wait3A_256, %dma_wait3A_257] : memref<160x128xi32, #tpu.memory_space<vmem>> -> memref<1x128xi32, #tpu.memory_space<vmem>>
      %dma_wait3A_259 = tpu.memref_squeeze %dma_wait3A_258 : memref<1x128xi32, #tpu.memory_space<vmem>> -> memref<128xi32, #tpu.memory_space<vmem>>
      %dma_wait3A_260 = arith.constant 0 : i32
      %dma_wait3A_261 = arith.constant 0 : i32
      %dma_wait3A_262 = tpu.memref_slice %arg14[%dma_wait3A_260, %dma_wait3A_261] : memref<10112x64xf32, #tpu.memory_space<vmem_shared>> -> memref<10112x64xf32, #tpu.memory_space<vmem_shared>>
      tpu.wait_indirect_dma semaphore(%arg21 : memref<!tpu.dma_semaphore, #tpu.memory_space<semaphore_mem>>) src(%arg10 : memref<128x64xf32, #tpu.memory_space<vmem>>) dst(%dma_wait3A_262 : memref<10112x64xf32, #tpu.memory_space<vmem_shared>>)
      %add3A_263 = arith.constant 5 : i32
      %add3A_264 = arith.addi %mul3A_163, %add3A_263 : i32
      %add3A_265 = arith.constant 1 : i32
      %add3A_266 = arith.addi %add3A_264, %add3A_265 : i32
      %dma_start3A_267 = arith.constant 0 : i32
      %dma_start3A_268 = tpu.memref_slice %arg7[%add3A_266, %dma_start3A_267] : memref<160x128xi32, #tpu.memory_space<vmem>> -> memref<1x128xi32, #tpu.memory_space<vmem>>
      %dma_start3A_269 = tpu.memref_squeeze %dma_start3A_268 : memref<1x128xi32, #tpu.memory_space<vmem>> -> memref<128xi32, #tpu.memory_space<vmem>>
      %dma_start3A_270 = arith.constant 0 : i32
      %dma_start3A_271 = arith.constant 0 : i32
      %dma_start3A_272 = tpu.memref_slice %arg2[%dma_start3A_270, %dma_start3A_271] : memref<20224x64xf32, #tpu.memory_space<hbm>> -> memref<20224x64xf32, #tpu.memory_space<hbm>>
      tpu.enqueue_indirect_dma source(%dma_start3A_272 : memref<20224x64xf32, #tpu.memory_space<hbm>>) target(%arg10 : memref<128x64xf32, #tpu.memory_space<vmem>>) offsets(%dma_start3A_269 : memref<128xi32, #tpu.memory_space<vmem>>) semaphore(%arg16 : memref<!tpu.dma_semaphore, #tpu.memory_space<semaphore_mem>>)
      %dma_wait3A_273 = arith.constant 0 : i32
      %dma_wait3A_274 = arith.constant 0 : i32
      %dma_wait3A_275 = tpu.memref_slice %arg8[%dma_wait3A_273, %dma_wait3A_274] : memref<160x128xi32, #tpu.memory_space<vmem>> -> memref<1x128xi32, #tpu.memory_space<vmem>>
      %dma_wait3A_276 = tpu.memref_squeeze %dma_wait3A_275 : memref<1x128xi32, #tpu.memory_space<vmem>> -> memref<128xi32, #tpu.memory_space<vmem>>
      %dma_wait3A_277 = arith.constant 0 : i32
      %dma_wait3A_278 = arith.constant 0 : i32
      %dma_wait3A_279 = tpu.memref_slice %arg14[%dma_wait3A_277, %dma_wait3A_278] : memref<10112x64xf32, #tpu.memory_space<vmem_shared>> -> memref<10112x64xf32, #tpu.memory_space<vmem_shared>>
      tpu.wait_indirect_dma semaphore(%arg22 : memref<!tpu.dma_semaphore, #tpu.memory_space<semaphore_mem>>) src(%arg11 : memref<128x64xf32, #tpu.memory_space<vmem>>) dst(%dma_wait3A_279 : memref<10112x64xf32, #tpu.memory_space<vmem_shared>>)
      %add3A_280 = arith.constant 5 : i32
      %add3A_281 = arith.addi %mul3A_163, %add3A_280 : i32
      %add3A_282 = arith.constant 2 : i32
      %add3A_283 = arith.addi %add3A_281, %add3A_282 : i32
      %dma_start3A_284 = arith.constant 0 : i32
      %dma_start3A_285 = tpu.memref_slice %arg7[%add3A_283, %dma_start3A_284] : memref<160x128xi32, #tpu.memory_space<vmem>> -> memref<1x128xi32, #tpu.memory_space<vmem>>
      %dma_start3A_286 = tpu.memref_squeeze %dma_start3A_285 : memref<1x128xi32, #tpu.memory_space<vmem>> -> memref<128xi32, #tpu.memory_space<vmem>>
      %dma_start3A_287 = arith.constant 0 : i32
      %dma_start3A_288 = arith.constant 0 : i32
      %dma_start3A_289 = tpu.memref_slice %arg2[%dma_start3A_287, %dma_start3A_288] : memref<20224x64xf32, #tpu.memory_space<hbm>> -> memref<20224x64xf32, #tpu.memory_space<hbm>>
      tpu.enqueue_indirect_dma source(%dma_start3A_289 : memref<20224x64xf32, #tpu.memory_space<hbm>>) target(%arg11 : memref<128x64xf32, #tpu.memory_space<vmem>>) offsets(%dma_start3A_286 : memref<128xi32, #tpu.memory_space<vmem>>) semaphore(%arg17 : memref<!tpu.dma_semaphore, #tpu.memory_space<semaphore_mem>>)
      %dma_wait3A_290 = arith.constant 0 : i32
      %dma_wait3A_291 = arith.constant 0 : i32
      %dma_wait3A_292 = tpu.memref_slice %arg8[%dma_wait3A_290, %dma_wait3A_291] : memref<160x128xi32, #tpu.memory_space<vmem>> -> memref<1x128xi32, #tpu.memory_space<vmem>>
      %dma_wait3A_293 = tpu.memref_squeeze %dma_wait3A_292 : memref<1x128xi32, #tpu.memory_space<vmem>> -> memref<128xi32, #tpu.memory_space<vmem>>
      %dma_wait3A_294 = arith.constant 0 : i32
      %dma_wait3A_295 = arith.constant 0 : i32
      %dma_wait3A_296 = tpu.memref_slice %arg14[%dma_wait3A_294, %dma_wait3A_295] : memref<10112x64xf32, #tpu.memory_space<vmem_shared>> -> memref<10112x64xf32, #tpu.memory_space<vmem_shared>>
      tpu.wait_indirect_dma semaphore(%arg23 : memref<!tpu.dma_semaphore, #tpu.memory_space<semaphore_mem>>) src(%arg12 : memref<128x64xf32, #tpu.memory_space<vmem>>) dst(%dma_wait3A_296 : memref<10112x64xf32, #tpu.memory_space<vmem_shared>>)
      %add3A_297 = arith.constant 5 : i32
      %add3A_298 = arith.addi %mul3A_163, %add3A_297 : i32
      %add3A_299 = arith.constant 3 : i32
      %add3A_300 = arith.addi %add3A_298, %add3A_299 : i32
      %dma_start3A_301 = arith.constant 0 : i32
      %dma_start3A_302 = tpu.memref_slice %arg7[%add3A_300, %dma_start3A_301] : memref<160x128xi32, #tpu.memory_space<vmem>> -> memref<1x128xi32, #tpu.memory_space<vmem>>
      %dma_start3A_303 = tpu.memref_squeeze %dma_start3A_302 : memref<1x128xi32, #tpu.memory_space<vmem>> -> memref<128xi32, #tpu.memory_space<vmem>>
      %dma_start3A_304 = arith.constant 0 : i32
      %dma_start3A_305 = arith.constant 0 : i32
      %dma_start3A_306 = tpu.memref_slice %arg2[%dma_start3A_304, %dma_start3A_305] : memref<20224x64xf32, #tpu.memory_space<hbm>> -> memref<20224x64xf32, #tpu.memory_space<hbm>>
      tpu.enqueue_indirect_dma source(%dma_start3A_306 : memref<20224x64xf32, #tpu.memory_space<hbm>>) target(%arg12 : memref<128x64xf32, #tpu.memory_space<vmem>>) offsets(%dma_start3A_303 : memref<128xi32, #tpu.memory_space<vmem>>) semaphore(%arg18 : memref<!tpu.dma_semaphore, #tpu.memory_space<semaphore_mem>>)
      %dma_wait3A_307 = arith.constant 0 : i32
      %dma_wait3A_308 = arith.constant 0 : i32
      %dma_wait3A_309 = tpu.memref_slice %arg8[%dma_wait3A_307, %dma_wait3A_308] : memref<160x128xi32, #tpu.memory_space<vmem>> -> memref<1x128xi32, #tpu.memory_space<vmem>>
      %dma_wait3A_310 = tpu.memref_squeeze %dma_wait3A_309 : memref<1x128xi32, #tpu.memory_space<vmem>> -> memref<128xi32, #tpu.memory_space<vmem>>
      %dma_wait3A_311 = arith.constant 0 : i32
      %dma_wait3A_312 = arith.constant 0 : i32
      %dma_wait3A_313 = tpu.memref_slice %arg14[%dma_wait3A_311, %dma_wait3A_312] : memref<10112x64xf32, #tpu.memory_space<vmem_shared>> -> memref<10112x64xf32, #tpu.memory_space<vmem_shared>>
      tpu.wait_indirect_dma semaphore(%arg24 : memref<!tpu.dma_semaphore, #tpu.memory_space<semaphore_mem>>) src(%arg13 : memref<128x64xf32, #tpu.memory_space<vmem>>) dst(%dma_wait3A_313 : memref<10112x64xf32, #tpu.memory_space<vmem_shared>>)
      %add3A_314 = arith.constant 5 : i32
      %add3A_315 = arith.addi %mul3A_163, %add3A_314 : i32
      %add3A_316 = arith.constant 4 : i32
      %add3A_317 = arith.addi %add3A_315, %add3A_316 : i32
      %dma_start3A_318 = arith.constant 0 : i32
      %dma_start3A_319 = tpu.memref_slice %arg7[%add3A_317, %dma_start3A_318] : memref<160x128xi32, #tpu.memory_space<vmem>> -> memref<1x128xi32, #tpu.memory_space<vmem>>
      %dma_start3A_320 = tpu.memref_squeeze %dma_start3A_319 : memref<1x128xi32, #tpu.memory_space<vmem>> -> memref<128xi32, #tpu.memory_space<vmem>>
      %dma_start3A_321 = arith.constant 0 : i32
      %dma_start3A_322 = arith.constant 0 : i32
      %dma_start3A_323 = tpu.memref_slice %arg2[%dma_start3A_321, %dma_start3A_322] : memref<20224x64xf32, #tpu.memory_space<hbm>> -> memref<20224x64xf32, #tpu.memory_space<hbm>>
      tpu.enqueue_indirect_dma source(%dma_start3A_323 : memref<20224x64xf32, #tpu.memory_space<hbm>>) target(%arg13 : memref<128x64xf32, #tpu.memory_space<vmem>>) offsets(%dma_start3A_320 : memref<128xi32, #tpu.memory_space<vmem>>) semaphore(%arg19 : memref<!tpu.dma_semaphore, #tpu.memory_space<semaphore_mem>>)
      %add3A_324 = arith.constant 0 : i32
      %add3A_325 = arith.addi %mul3A_163, %add3A_324 : i32
      %add3A_326 = arith.constant 1 : i32
      %add3A_327 = arith.addi %mul3A_163, %add3A_326 : i32
      %add3A_328 = arith.constant 2 : i32
      %add3A_329 = arith.addi %mul3A_163, %add3A_328 : i32
      %add3A_330 = arith.constant 3 : i32
      %add3A_331 = arith.addi %mul3A_163, %add3A_330 : i32
      %add3A_332 = arith.constant 4 : i32
      %add3A_333 = arith.addi %mul3A_163, %add3A_332 : i32
    }
    %scan3A_48 = arith.constant 31 : i32
    %dma_wait3A = arith.constant 0 : i32
    %dma_wait3A_49 = arith.constant 0 : i32
    %dma_wait3A_50 = tpu.memref_slice %arg7[%dma_wait3A, %dma_wait3A_49] : memref<160x128xi32, #tpu.memory_space<vmem>> -> memref<1x128xi32, #tpu.memory_space<vmem>>
    %dma_wait3A_51 = tpu.memref_squeeze %dma_wait3A_50 : memref<1x128xi32, #tpu.memory_space<vmem>> -> memref<128xi32, #tpu.memory_space<vmem>>
    %dma_wait3A_52 = arith.constant 0 : i32
    %dma_wait3A_53 = arith.constant 0 : i32
    %dma_wait3A_54 = tpu.memref_slice %arg2[%dma_wait3A_52, %dma_wait3A_53] : memref<20224x64xf32, #tpu.memory_space<hbm>> -> memref<20224x64xf32, #tpu.memory_space<hbm>>
    tpu.wait_indirect_dma semaphore(%arg15 : memref<!tpu.dma_semaphore, #tpu.memory_space<semaphore_mem>>) src(%dma_wait3A_54 : memref<20224x64xf32, #tpu.memory_space<hbm>>) dst(%arg9 : memref<128x64xf32, #tpu.memory_space<vmem>>)
    %dma_start3A_55 = arith.constant 155 : i32
    %dma_start3A_56 = arith.constant 0 : i32
    %dma_start3A_57 = tpu.memref_slice %arg8[%dma_start3A_55, %dma_start3A_56] : memref<160x128xi32, #tpu.memory_space<vmem>> -> memref<1x128xi32, #tpu.memory_space<vmem>>
    %dma_start3A_58 = tpu.memref_squeeze %dma_start3A_57 : memref<1x128xi32, #tpu.memory_space<vmem>> -> memref<128xi32, #tpu.memory_space<vmem>>
    %dma_start3A_59 = arith.constant 0 : i32
    %dma_start3A_60 = arith.constant 0 : i32
    %dma_start3A_61 = tpu.memref_slice %arg14[%dma_start3A_59, %dma_start3A_60] : memref<10112x64xf32, #tpu.memory_space<vmem_shared>> -> memref<10112x64xf32, #tpu.memory_space<vmem_shared>>
    tpu.enqueue_indirect_dma source(%arg9 : memref<128x64xf32, #tpu.memory_space<vmem>>) target(%dma_start3A_61 : memref<10112x64xf32, #tpu.memory_space<vmem_shared>>) offsets(%dma_start3A_58 : memref<128xi32, #tpu.memory_space<vmem>>) semaphore(%arg20 : memref<!tpu.dma_semaphore, #tpu.memory_space<semaphore_mem>>) {add = true}
    %dma_wait3A_62 = arith.constant 0 : i32
    %dma_wait3A_63 = arith.constant 0 : i32
    %dma_wait3A_64 = tpu.memref_slice %arg7[%dma_wait3A_62, %dma_wait3A_63] : memref<160x128xi32, #tpu.memory_space<vmem>> -> memref<1x128xi32, #tpu.memory_space<vmem>>
    %dma_wait3A_65 = tpu.memref_squeeze %dma_wait3A_64 : memref<1x128xi32, #tpu.memory_space<vmem>> -> memref<128xi32, #tpu.memory_space<vmem>>
    %dma_wait3A_66 = arith.constant 0 : i32
    %dma_wait3A_67 = arith.constant 0 : i32
    %dma_wait3A_68 = tpu.memref_slice %arg2[%dma_wait3A_66, %dma_wait3A_67] : memref<20224x64xf32, #tpu.memory_space<hbm>> -> memref<20224x64xf32, #tpu.memory_space<hbm>>
    tpu.wait_indirect_dma semaphore(%arg16 : memref<!tpu.dma_semaphore, #tpu.memory_space<semaphore_mem>>) src(%dma_wait3A_68 : memref<20224x64xf32, #tpu.memory_space<hbm>>) dst(%arg10 : memref<128x64xf32, #tpu.memory_space<vmem>>)
    %dma_start3A_69 = arith.constant 156 : i32
    %dma_start3A_70 = arith.constant 0 : i32
    %dma_start3A_71 = tpu.memref_slice %arg8[%dma_start3A_69, %dma_start3A_70] : memref<160x128xi32, #tpu.memory_space<vmem>> -> memref<1x128xi32, #tpu.memory_space<vmem>>
    %dma_start3A_72 = tpu.memref_squeeze %dma_start3A_71 : memref<1x128xi32, #tpu.memory_space<vmem>> -> memref<128xi32, #tpu.memory_space<vmem>>
    %dma_start3A_73 = arith.constant 0 : i32
    %dma_start3A_74 = arith.constant 0 : i32
    %dma_start3A_75 = tpu.memref_slice %arg14[%dma_start3A_73, %dma_start3A_74] : memref<10112x64xf32, #tpu.memory_space<vmem_shared>> -> memref<10112x64xf32, #tpu.memory_space<vmem_shared>>
    tpu.enqueue_indirect_dma source(%arg10 : memref<128x64xf32, #tpu.memory_space<vmem>>) target(%dma_start3A_75 : memref<10112x64xf32, #tpu.memory_space<vmem_shared>>) offsets(%dma_start3A_72 : memref<128xi32, #tpu.memory_space<vmem>>) semaphore(%arg21 : memref<!tpu.dma_semaphore, #tpu.memory_space<semaphore_mem>>) {add = true}
    %dma_wait3A_76 = arith.constant 0 : i32
    %dma_wait3A_77 = arith.constant 0 : i32
    %dma_wait3A_78 = tpu.memref_slice %arg7[%dma_wait3A_76, %dma_wait3A_77] : memref<160x128xi32, #tpu.memory_space<vmem>> -> memref<1x128xi32, #tpu.memory_space<vmem>>
    %dma_wait3A_79 = tpu.memref_squeeze %dma_wait3A_78 : memref<1x128xi32, #tpu.memory_space<vmem>> -> memref<128xi32, #tpu.memory_space<vmem>>
    %dma_wait3A_80 = arith.constant 0 : i32
    %dma_wait3A_81 = arith.constant 0 : i32
    %dma_wait3A_82 = tpu.memref_slice %arg2[%dma_wait3A_80, %dma_wait3A_81] : memref<20224x64xf32, #tpu.memory_space<hbm>> -> memref<20224x64xf32, #tpu.memory_space<hbm>>
    tpu.wait_indirect_dma semaphore(%arg17 : memref<!tpu.dma_semaphore, #tpu.memory_space<semaphore_mem>>) src(%dma_wait3A_82 : memref<20224x64xf32, #tpu.memory_space<hbm>>) dst(%arg11 : memref<128x64xf32, #tpu.memory_space<vmem>>)
    %dma_start3A_83 = arith.constant 157 : i32
    %dma_start3A_84 = arith.constant 0 : i32
    %dma_start3A_85 = tpu.memref_slice %arg8[%dma_start3A_83, %dma_start3A_84] : memref<160x128xi32, #tpu.memory_space<vmem>> -> memref<1x128xi32, #tpu.memory_space<vmem>>
    %dma_start3A_86 = tpu.memref_squeeze %dma_start3A_85 : memref<1x128xi32, #tpu.memory_space<vmem>> -> memref<128xi32, #tpu.memory_space<vmem>>
    %dma_start3A_87 = arith.constant 0 : i32
    %dma_start3A_88 = arith.constant 0 : i32
    %dma_start3A_89 = tpu.memref_slice %arg14[%dma_start3A_87, %dma_start3A_88] : memref<10112x64xf32, #tpu.memory_space<vmem_shared>> -> memref<10112x64xf32, #tpu.memory_space<vmem_shared>>
    tpu.enqueue_indirect_dma source(%arg11 : memref<128x64xf32, #tpu.memory_space<vmem>>) target(%dma_start3A_89 : memref<10112x64xf32, #tpu.memory_space<vmem_shared>>) offsets(%dma_start3A_86 : memref<128xi32, #tpu.memory_space<vmem>>) semaphore(%arg22 : memref<!tpu.dma_semaphore, #tpu.memory_space<semaphore_mem>>) {add = true}
    %dma_wait3A_90 = arith.constant 0 : i32
    %dma_wait3A_91 = arith.constant 0 : i32
    %dma_wait3A_92 = tpu.memref_slice %arg7[%dma_wait3A_90, %dma_wait3A_91] : memref<160x128xi32, #tpu.memory_space<vmem>> -> memref<1x128xi32, #tpu.memory_space<vmem>>
    %dma_wait3A_93 = tpu.memref_squeeze %dma_wait3A_92 : memref<1x128xi32, #tpu.memory_space<vmem>> -> memref<128xi32, #tpu.memory_space<vmem>>
    %dma_wait3A_94 = arith.constant 0 : i32
    %dma_wait3A_95 = arith.constant 0 : i32
    %dma_wait3A_96 = tpu.memref_slice %arg2[%dma_wait3A_94, %dma_wait3A_95] : memref<20224x64xf32, #tpu.memory_space<hbm>> -> memref<20224x64xf32, #tpu.memory_space<hbm>>
    tpu.wait_indirect_dma semaphore(%arg18 : memref<!tpu.dma_semaphore, #tpu.memory_space<semaphore_mem>>) src(%dma_wait3A_96 : memref<20224x64xf32, #tpu.memory_space<hbm>>) dst(%arg12 : memref<128x64xf32, #tpu.memory_space<vmem>>)
    %dma_start3A_97 = arith.constant 158 : i32
    %dma_start3A_98 = arith.constant 0 : i32
    %dma_start3A_99 = tpu.memref_slice %arg8[%dma_start3A_97, %dma_start3A_98] : memref<160x128xi32, #tpu.memory_space<vmem>> -> memref<1x128xi32, #tpu.memory_space<vmem>>
    %dma_start3A_100 = tpu.memref_squeeze %dma_start3A_99 : memref<1x128xi32, #tpu.memory_space<vmem>> -> memref<128xi32, #tpu.memory_space<vmem>>
    %dma_start3A_101 = arith.constant 0 : i32
    %dma_start3A_102 = arith.constant 0 : i32
    %dma_start3A_103 = tpu.memref_slice %arg14[%dma_start3A_101, %dma_start3A_102] : memref<10112x64xf32, #tpu.memory_space<vmem_shared>> -> memref<10112x64xf32, #tpu.memory_space<vmem_shared>>
    tpu.enqueue_indirect_dma source(%arg12 : memref<128x64xf32, #tpu.memory_space<vmem>>) target(%dma_start3A_103 : memref<10112x64xf32, #tpu.memory_space<vmem_shared>>) offsets(%dma_start3A_100 : memref<128xi32, #tpu.memory_space<vmem>>) semaphore(%arg23 : memref<!tpu.dma_semaphore, #tpu.memory_space<semaphore_mem>>) {add = true}
    %dma_wait3A_104 = arith.constant 0 : i32
    %dma_wait3A_105 = arith.constant 0 : i32
    %dma_wait3A_106 = tpu.memref_slice %arg7[%dma_wait3A_104, %dma_wait3A_105] : memref<160x128xi32, #tpu.memory_space<vmem>> -> memref<1x128xi32, #tpu.memory_space<vmem>>
    %dma_wait3A_107 = tpu.memref_squeeze %dma_wait3A_106 : memref<1x128xi32, #tpu.memory_space<vmem>> -> memref<128xi32, #tpu.memory_space<vmem>>
    %dma_wait3A_108 = arith.constant 0 : i32
    %dma_wait3A_109 = arith.constant 0 : i32
    %dma_wait3A_110 = tpu.memref_slice %arg2[%dma_wait3A_108, %dma_wait3A_109] : memref<20224x64xf32, #tpu.memory_space<hbm>> -> memref<20224x64xf32, #tpu.memory_space<hbm>>
    tpu.wait_indirect_dma semaphore(%arg19 : memref<!tpu.dma_semaphore, #tpu.memory_space<semaphore_mem>>) src(%dma_wait3A_110 : memref<20224x64xf32, #tpu.memory_space<hbm>>) dst(%arg13 : memref<128x64xf32, #tpu.memory_space<vmem>>)
    %dma_start3A_111 = arith.constant 159 : i32
    %dma_start3A_112 = arith.constant 0 : i32
    %dma_start3A_113 = tpu.memref_slice %arg8[%dma_start3A_111, %dma_start3A_112] : memref<160x128xi32, #tpu.memory_space<vmem>> -> memref<1x128xi32, #tpu.memory_space<vmem>>
    %dma_start3A_114 = tpu.memref_squeeze %dma_start3A_113 : memref<1x128xi32, #tpu.memory_space<vmem>> -> memref<128xi32, #tpu.memory_space<vmem>>
    %dma_start3A_115 = arith.constant 0 : i32
    %dma_start3A_116 = arith.constant 0 : i32
    %dma_start3A_117 = tpu.memref_slice %arg14[%dma_start3A_115, %dma_start3A_116] : memref<10112x64xf32, #tpu.memory_space<vmem_shared>> -> memref<10112x64xf32, #tpu.memory_space<vmem_shared>>
    tpu.enqueue_indirect_dma source(%arg13 : memref<128x64xf32, #tpu.memory_space<vmem>>) target(%dma_start3A_117 : memref<10112x64xf32, #tpu.memory_space<vmem_shared>>) offsets(%dma_start3A_114 : memref<128xi32, #tpu.memory_space<vmem>>) semaphore(%arg24 : memref<!tpu.dma_semaphore, #tpu.memory_space<semaphore_mem>>) {add = true}
    %dma_wait3A_118 = arith.constant 0 : i32
    %dma_wait3A_119 = arith.constant 0 : i32
    %dma_wait3A_120 = tpu.memref_slice %arg8[%dma_wait3A_118, %dma_wait3A_119] : memref<160x128xi32, #tpu.memory_space<vmem>> -> memref<1x128xi32, #tpu.memory_space<vmem>>
    %dma_wait3A_121 = tpu.memref_squeeze %dma_wait3A_120 : memref<1x128xi32, #tpu.memory_space<vmem>> -> memref<128xi32, #tpu.memory_space<vmem>>
    %dma_wait3A_122 = arith.constant 0 : i32
    %dma_wait3A_123 = arith.constant 0 : i32
    %dma_wait3A_124 = tpu.memref_slice %arg14[%dma_wait3A_122, %dma_wait3A_123] : memref<10112x64xf32, #tpu.memory_space<vmem_shared>> -> memref<10112x64xf32, #tpu.memory_space<vmem_shared>>
    tpu.wait_indirect_dma semaphore(%arg20 : memref<!tpu.dma_semaphore, #tpu.memory_space<semaphore_mem>>) src(%arg9 : memref<128x64xf32, #tpu.memory_space<vmem>>) dst(%dma_wait3A_124 : memref<10112x64xf32, #tpu.memory_space<vmem_shared>>)
    %dma_wait3A_125 = arith.constant 0 : i32
    %dma_wait3A_126 = arith.constant 0 : i32
    %dma_wait3A_127 = tpu.memref_slice %arg8[%dma_wait3A_125, %dma_wait3A_126] : memref<160x128xi32, #tpu.memory_space<vmem>> -> memref<1x128xi32, #tpu.memory_space<vmem>>
    %dma_wait3A_128 = tpu.memref_squeeze %dma_wait3A_127 : memref<1x128xi32, #tpu.memory_space<vmem>> -> memref<128xi32, #tpu.memory_space<vmem>>
    %dma_wait3A_129 = arith.constant 0 : i32
    %dma_wait3A_130 = arith.constant 0 : i32
    %dma_wait3A_131 = tpu.memref_slice %arg14[%dma_wait3A_129, %dma_wait3A_130] : memref<10112x64xf32, #tpu.memory_space<vmem_shared>> -> memref<10112x64xf32, #tpu.memory_space<vmem_shared>>
    tpu.wait_indirect_dma semaphore(%arg21 : memref<!tpu.dma_semaphore, #tpu.memory_space<semaphore_mem>>) src(%arg10 : memref<128x64xf32, #tpu.memory_space<vmem>>) dst(%dma_wait3A_131 : memref<10112x64xf32, #tpu.memory_space<vmem_shared>>)
    %dma_wait3A_132 = arith.constant 0 : i32
    %dma_wait3A_133 = arith.constant 0 : i32
    %dma_wait3A_134 = tpu.memref_slice %arg8[%dma_wait3A_132, %dma_wait3A_133] : memref<160x128xi32, #tpu.memory_space<vmem>> -> memref<1x128xi32, #tpu.memory_space<vmem>>
    %dma_wait3A_135 = tpu.memref_squeeze %dma_wait3A_134 : memref<1x128xi32, #tpu.memory_space<vmem>> -> memref<128xi32, #tpu.memory_space<vmem>>
    %dma_wait3A_136 = arith.constant 0 : i32
    %dma_wait3A_137 = arith.constant 0 : i32
    %dma_wait3A_138 = tpu.memref_slice %arg14[%dma_wait3A_136, %dma_wait3A_137] : memref<10112x64xf32, #tpu.memory_space<vmem_shared>> -> memref<10112x64xf32, #tpu.memory_space<vmem_shared>>
    tpu.wait_indirect_dma semaphore(%arg22 : memref<!tpu.dma_semaphore, #tpu.memory_space<semaphore_mem>>) src(%arg11 : memref<128x64xf32, #tpu.memory_space<vmem>>) dst(%dma_wait3A_138 : memref<10112x64xf32, #tpu.memory_space<vmem_shared>>)
    %dma_wait3A_139 = arith.constant 0 : i32
    %dma_wait3A_140 = arith.constant 0 : i32
    %dma_wait3A_141 = tpu.memref_slice %arg8[%dma_wait3A_139, %dma_wait3A_140] : memref<160x128xi32, #tpu.memory_space<vmem>> -> memref<1x128xi32, #tpu.memory_space<vmem>>
    %dma_wait3A_142 = tpu.memref_squeeze %dma_wait3A_141 : memref<1x128xi32, #tpu.memory_space<vmem>> -> memref<128xi32, #tpu.memory_space<vmem>>
    %dma_wait3A_143 = arith.constant 0 : i32
    %dma_wait3A_144 = arith.constant 0 : i32
    %dma_wait3A_145 = tpu.memref_slice %arg14[%dma_wait3A_143, %dma_wait3A_144] : memref<10112x64xf32, #tpu.memory_space<vmem_shared>> -> memref<10112x64xf32, #tpu.memory_space<vmem_shared>>
    tpu.wait_indirect_dma semaphore(%arg23 : memref<!tpu.dma_semaphore, #tpu.memory_space<semaphore_mem>>) src(%arg12 : memref<128x64xf32, #tpu.memory_space<vmem>>) dst(%dma_wait3A_145 : memref<10112x64xf32, #tpu.memory_space<vmem_shared>>)
    %dma_wait3A_146 = arith.constant 0 : i32
    %dma_wait3A_147 = arith.constant 0 : i32
    %dma_wait3A_148 = tpu.memref_slice %arg8[%dma_wait3A_146, %dma_wait3A_147] : memref<160x128xi32, #tpu.memory_space<vmem>> -> memref<1x128xi32, #tpu.memory_space<vmem>>
    %dma_wait3A_149 = tpu.memref_squeeze %dma_wait3A_148 : memref<1x128xi32, #tpu.memory_space<vmem>> -> memref<128xi32, #tpu.memory_space<vmem>>
    %dma_wait3A_150 = arith.constant 0 : i32
    %dma_wait3A_151 = arith.constant 0 : i32
    %dma_wait3A_152 = tpu.memref_slice %arg14[%dma_wait3A_150, %dma_wait3A_151] : memref<10112x64xf32, #tpu.memory_space<vmem_shared>> -> memref<10112x64xf32, #tpu.memory_space<vmem_shared>>
    tpu.wait_indirect_dma semaphore(%arg24 : memref<!tpu.dma_semaphore, #tpu.memory_space<semaphore_mem>>) src(%arg13 : memref<128x64xf32, #tpu.memory_space<vmem>>) dst(%dma_wait3A_152 : memref<10112x64xf32, #tpu.memory_space<vmem_shared>>)
    %barrier3A_153 = arith.constant 0 : index
    tpu.barrier barrier_id(%barrier3A_153)
    %mul3A_154 = arith.constant 632 : i32
    %mul3A_155 = arith.muli %arg1, %mul3A_154 : i32
    %mul3A_156 = arith.constant 10112 : i32
    %mul3A_157 = arith.muli %arg0, %mul3A_156 : i32
    %mul3A_158 = arith.constant 632 : i32
    %mul3A_159 = arith.muli %arg1, %mul3A_158 : i32
    %add3A_160 = arith.addi %mul3A_157, %mul3A_159 : i32
    "tpu.region"() ({
      %run_scoped3A = tpu.sem_alloc : memref<!tpu.dma_semaphore, #tpu.memory_space<semaphore_mem>>
      %dma_start3A_161 = arith.constant 0 : i32
      %dma_start3A_162 = tpu.memref_slice %arg6[%add3A_160, %dma_start3A_161] : memref<20224x64xf32, #tpu.memory_space<hbm>> -> memref<632x64xf32, #tpu.memory_space<hbm>>
      %dma_start3A_163 = arith.constant 0 : i32
      %dma_start3A_164 = tpu.memref_slice %arg14[%mul3A_155, %dma_start3A_163] : memref<10112x64xf32, #tpu.memory_space<vmem_shared>> -> memref<632x64xf32, #tpu.memory_space<vmem_shared>>
      tpu.enqueue_dma source(%dma_start3A_164 : memref<632x64xf32, #tpu.memory_space<vmem_shared>>) target(%dma_start3A_162 : memref<632x64xf32, #tpu.memory_space<hbm>>) target_semaphore(%run_scoped3A : memref<!tpu.dma_semaphore, #tpu.memory_space<semaphore_mem>>)
      %dma_wait3A_165 = arith.constant 0 : i32
      %dma_wait3A_166 = tpu.memref_slice %arg6[%add3A_160, %dma_wait3A_165] : memref<20224x64xf32, #tpu.memory_space<hbm>> -> memref<632x64xf32, #tpu.memory_space<hbm>>
      %dma_wait3A_167 = arith.constant 0 : i32
      %dma_wait3A_168 = tpu.memref_slice %arg14[%mul3A_155, %dma_wait3A_167] : memref<10112x64xf32, #tpu.memory_space<vmem_shared>> -> memref<632x64xf32, #tpu.memory_space<vmem_shared>>
      tpu.wait_dma2 semaphore(%run_scoped3A : memref<!tpu.dma_semaphore, #tpu.memory_space<semaphore_mem>>) src(%dma_wait3A_168 : memref<632x64xf32, #tpu.memory_space<vmem_shared>>) dst(%dma_wait3A_166 : memref<632x64xf32, #tpu.memory_space<hbm>>)
      tpu.yield
    }) : () -> ()
    return
  }
}

module attributes {stable_mosaic.version = 14 : i64} {
  func.func @_tc_pre_body(%arg0: i32, %arg1: memref<1000x128xf32, #tpu.memory_space<vmem>>, %arg2: memref<128x128xf32, #tpu.memory_space<vmem>>, %arg3: memref<128x128xf32, #tpu.memory_space<vmem>>, %arg4: memref<1x128xf32, #tpu.memory_space<vmem>>, %arg5: memref<2x1000x64xf32, #tpu.memory_space<vmem>>, %arg6: memref<1000x128xf32, #tpu.memory_space<vmem>>) attributes {dimension_semantics = [#tpu.dimension_semantics<arbitrary>], iteration_bounds = array<i64: 10>, scalar_prefetch = 0 : i64, scratch_operands = 0 : i64, tpu.core_type = #tpu.core_type<tc>, window_params = [{transform_indices = @transform_0, window_bounds = array<i64: 1000, 128>}, {pipeline_mode = #tpu.pipeline_mode<synchronous>, transform_indices = @transform_1, window_bounds = array<i64: 128, 128>}, {pipeline_mode = #tpu.pipeline_mode<synchronous>, transform_indices = @transform_2, window_bounds = array<i64: 128, 128>}, {pipeline_mode = #tpu.pipeline_mode<synchronous>, transform_indices = @transform_3, window_bounds = array<i64: 1, 128>}, {transform_indices = @transform_4, window_bounds = array<i64: 2, 1000, 64>}, {transform_indices = @transform_5, window_bounds = array<i64: 1000, 128>}]} {
    %get3A = arith.constant 0 : index
    %get3A_0 = arith.constant 0 : index
    %get3A_1 = vector.load %arg1[%get3A, %get3A_0] : memref<1000x128xf32, #tpu.memory_space<vmem>>, vector<1000x128xf32>
    %get3A_2 = arith.constant 0 : index
    %get3A_3 = arith.constant 0 : index
    %get3A_4 = vector.load %arg2[%get3A_2, %get3A_3] : memref<128x128xf32, #tpu.memory_space<vmem>>, vector<128x128xf32>
    %dot_general3A = arith.constant dense<0.000000e+00> : vector<1000x128xf32>
    %dot_general3A_5 = tpu.matmul %get3A_1, %get3A_4, %dot_general3A {dimension_numbers = #tpu.dot_dimension_numbers<[1], [1], [0], [0], [0, 0, 1, 0], [], []>, transpose_lhs_hint = false} : vector<1000x128xf32>, vector<128x128xf32>, vector<1000x128xf32> -> vector<1000x128xf32>
    %slice3A = vector.extract_strided_slice %dot_general3A_5 {offsets = [0, 0], sizes = [1000, 64], strides = [1, 1]} : vector<1000x128xf32> to vector<1000x64xf32>
    %swap3A = arith.constant 0 : index
    %swap3A_6 = arith.constant 0 : index
    %swap3A_7 = arith.constant 0 : index
    %swap3A_8 = vector.load %arg5[%swap3A, %swap3A_6, %swap3A_7] : memref<2x1000x64xf32, #tpu.memory_space<vmem>>, vector<1x1000x64xf32>
    %swap3A_9 = vector.shape_cast %swap3A_8 : vector<1x1000x64xf32> to vector<1000x64xf32>
    %swap3A_10 = vector.shape_cast %slice3A : vector<1000x64xf32> to vector<1x1000x64xf32>
    tpu.vector_store %arg5[%swap3A, %swap3A_6, %swap3A_7], %swap3A_10 {strides = array<i32>} : memref<2x1000x64xf32, #tpu.memory_space<vmem>>, vector<1x1000x64xf32>,
    %slice3A_11 = vector.extract_strided_slice %dot_general3A_5 {offsets = [0, 64], sizes = [1000, 64], strides = [1, 1]} : vector<1000x128xf32> to vector<1000x64xf32>
    %swap3A_12 = arith.constant 1 : index
    %swap3A_13 = arith.constant 0 : index
    %swap3A_14 = arith.constant 0 : index
    %swap3A_15 = vector.load %arg5[%swap3A_12, %swap3A_13, %swap3A_14] : memref<2x1000x64xf32, #tpu.memory_space<vmem>>, vector<1x1000x64xf32>
    %swap3A_16 = vector.shape_cast %swap3A_15 : vector<1x1000x64xf32> to vector<1000x64xf32>
    %swap3A_17 = vector.shape_cast %slice3A_11 : vector<1000x64xf32> to vector<1x1000x64xf32>
    tpu.vector_store %arg5[%swap3A_12, %swap3A_13, %swap3A_14], %swap3A_17 {strides = array<i32>} : memref<2x1000x64xf32, #tpu.memory_space<vmem>>, vector<1x1000x64xf32>,
    %get3A_18 = arith.constant 0 : index
    %get3A_19 = arith.constant 0 : index
    %get3A_20 = vector.load %arg3[%get3A_18, %get3A_19] : memref<128x128xf32, #tpu.memory_space<vmem>>, vector<128x128xf32>
    %dot_general3A_21 = arith.constant dense<0.000000e+00> : vector<1000x128xf32>
    %dot_general3A_22 = tpu.matmul %get3A_1, %get3A_20, %dot_general3A_21 {dimension_numbers = #tpu.dot_dimension_numbers<[1], [1], [0], [0], [0, 0, 1, 0], [], []>, transpose_lhs_hint = false} : vector<1000x128xf32>, vector<128x128xf32>, vector<1000x128xf32> -> vector<1000x128xf32>
    %get3A_23 = arith.constant 0 : index
    %get3A_24 = arith.constant 0 : index
    %get3A_25 = vector.load %arg4[%get3A_23, %get3A_24] : memref<1x128xf32, #tpu.memory_space<vmem>>, vector<1x128xf32>
    %add3A = vector.broadcast %get3A_25 : vector<1x128xf32> to vector<1000x128xf32>
    %add3A_26 = arith.addf %dot_general3A_22, %add3A : vector<1000x128xf32>
    %swap3A_27 = arith.constant 0 : index
    %swap3A_28 = arith.constant 0 : index
    %swap3A_29 = vector.load %arg6[%swap3A_27, %swap3A_28] : memref<1000x128xf32, #tpu.memory_space<vmem>>, vector<1000x128xf32>
    tpu.vector_store %arg6[%swap3A_27, %swap3A_28], %add3A_26 {strides = array<i32>} : memref<1000x128xf32, #tpu.memory_space<vmem>>, vector<1000x128xf32>,
    return
  }
  func.func @transform_0(%arg0: i32) -> (i32, i32) {
    %c0_i32 = arith.constant 0 : i32
    %c0_i32_0 = arith.constant 0 : i32
    return %arg0, %c0_i32 : i32, i32
  }
  func.func @transform_1(%arg0: i32) -> (i32, i32) {
    %c0_i32 = arith.constant 0 : i32
    %c0_i32_0 = arith.constant 0 : i32
    %c0_i32_1 = arith.constant 0 : i32
    return %c0_i32, %c0_i32_0 : i32, i32
  }
  func.func @transform_2(%arg0: i32) -> (i32, i32) {
    %c0_i32 = arith.constant 0 : i32
    %c0_i32_0 = arith.constant 0 : i32
    %c0_i32_1 = arith.constant 0 : i32
    return %c0_i32, %c0_i32_0 : i32, i32
  }
  func.func @transform_3(%arg0: i32) -> (i32, i32) {
    %c0_i32 = arith.constant 0 : i32
    %c0_i32_0 = arith.constant 0 : i32
    %c0_i32_1 = arith.constant 0 : i32
    return %c0_i32, %c0_i32_0 : i32, i32
  }
  func.func @transform_4(%arg0: i32) -> (i32, i32, i32) {
    %c0_i32 = arith.constant 0 : i32
    %c0_i32_0 = arith.constant 0 : i32
    %c0_i32_1 = arith.constant 0 : i32
    return %c0_i32, %arg0, %c0_i32_0 : i32, i32, i32
  }
  func.func @transform_5(%arg0: i32) -> (i32, i32) {
    %c0_i32 = arith.constant 0 : i32
    %c0_i32_0 = arith.constant 0 : i32
    return %arg0, %c0_i32 : i32, i32
  }
}

module attributes {stable_mosaic.version = 14 : i64} {
  func.func @_tc_mid_body(%arg0: i32, %arg1: memref<2x1000x64xf32, #tpu.memory_space<vmem>>, %arg2: memref<1000x32xf32, #tpu.memory_space<vmem>>, %arg3: memref<1000x128xf32, #tpu.memory_space<vmem>>, %arg4: memref<128x128xf32, #tpu.memory_space<vmem>>, %arg5: memref<128x128xf32, #tpu.memory_space<vmem>>, %arg6: memref<1x128xf32, #tpu.memory_space<vmem>>, %arg7: memref<2x1000x64xf32, #tpu.memory_space<vmem>>, %arg8: memref<1000x128xf32, #tpu.memory_space<vmem>>) attributes {dimension_semantics = [#tpu.dimension_semantics<arbitrary>], iteration_bounds = array<i64: 10>, scalar_prefetch = 0 : i64, scratch_operands = 0 : i64, tpu.core_type = #tpu.core_type<tc>, window_params = [{transform_indices = @transform_0, window_bounds = array<i64: 2, 1000, 64>}, {transform_indices = @transform_1, window_bounds = array<i64: 1000, 32>}, {transform_indices = @transform_2, window_bounds = array<i64: 1000, 128>}, {pipeline_mode = #tpu.pipeline_mode<synchronous>, transform_indices = @transform_3, window_bounds = array<i64: 128, 128>}, {pipeline_mode = #tpu.pipeline_mode<synchronous>, transform_indices = @transform_4, window_bounds = array<i64: 128, 128>}, {pipeline_mode = #tpu.pipeline_mode<synchronous>, transform_indices = @transform_5, window_bounds = array<i64: 1, 128>}, {transform_indices = @transform_6, window_bounds = array<i64: 2, 1000, 64>}, {transform_indices = @transform_7, window_bounds = array<i64: 1000, 128>}]} {
    %get3A = arith.constant 0 : index
    %get3A_0 = arith.constant 0 : index
    %get3A_1 = arith.constant 0 : index
    %get3A_2 = vector.load %arg1[%get3A, %get3A_0, %get3A_1] : memref<2x1000x64xf32, #tpu.memory_space<vmem>>, vector<1x1000x64xf32>
    %get3A_3 = vector.shape_cast %get3A_2 : vector<1x1000x64xf32> to vector<1000x64xf32>
    %get3A_4 = arith.constant 1 : index
    %get3A_5 = arith.constant 0 : index
    %get3A_6 = arith.constant 0 : index
    %get3A_7 = vector.load %arg1[%get3A_4, %get3A_5, %get3A_6] : memref<2x1000x64xf32, #tpu.memory_space<vmem>>, vector<1x1000x64xf32>
    %get3A_8 = vector.shape_cast %get3A_7 : vector<1x1000x64xf32> to vector<1000x64xf32>
    %concatenate3A = tpu.concatenate %get3A_3, %get3A_8 in 1 : vector<1000x64xf32>, vector<1000x64xf32> -> vector<1000x128xf32>
    %get3A_9 = arith.constant 0 : index
    %get3A_10 = arith.constant 0 : index
    %get3A_11 = vector.load %arg2[%get3A_9, %get3A_10] : memref<1000x32xf32, #tpu.memory_space<vmem>>, vector<1000x32xf32>
    %reduce_sum3A = arith.constant dense<0.000000e+00> : vector<1000xf32>
    %reduce_sum3A_12 = vector.multi_reduction <add>, %get3A_11, %reduce_sum3A [1] : vector<1000x32xf32> to vector<1000xf32>
    %broadcast_in_dim3A = vector.shape_cast %reduce_sum3A_12 : vector<1000xf32> to vector<1000x1xf32>
    %max3A = arith.constant 1.000000e+00 : f32
    %max3A_13 = vector.broadcast %max3A : f32 to vector<1000x1xf32>
    %max3A_14 = arith.maximumf %broadcast_in_dim3A, %max3A_13 : vector<1000x1xf32>
    %div3A = vector.broadcast %max3A_14 : vector<1000x1xf32> to vector<1000x128xf32>
    %div3A_15 = arith.divf %concatenate3A, %div3A : vector<1000x128xf32>
    %get3A_16 = arith.constant 0 : index
    %get3A_17 = arith.constant 0 : index
    %get3A_18 = vector.load %arg3[%get3A_16, %get3A_17] : memref<1000x128xf32, #tpu.memory_space<vmem>>, vector<1000x128xf32>
    %add3A = arith.addf %div3A_15, %get3A_18 : vector<1000x128xf32>
    %max3A_19 = arith.constant 0.000000e+00 : f32
    %max3A_20 = vector.broadcast %max3A_19 : f32 to vector<1000x128xf32>
    %max3A_21 = arith.maximumf %add3A, %max3A_20 : vector<1000x128xf32>
    %get3A_22 = arith.constant 0 : index
    %get3A_23 = arith.constant 0 : index
    %get3A_24 = vector.load %arg4[%get3A_22, %get3A_23] : memref<128x128xf32, #tpu.memory_space<vmem>>, vector<128x128xf32>
    %dot_general3A = arith.constant dense<0.000000e+00> : vector<1000x128xf32>
    %dot_general3A_25 = tpu.matmul %max3A_21, %get3A_24, %dot_general3A {dimension_numbers = #tpu.dot_dimension_numbers<[1], [1], [0], [0], [0, 0, 1, 0], [], []>, transpose_lhs_hint = false} : vector<1000x128xf32>, vector<128x128xf32>, vector<1000x128xf32> -> vector<1000x128xf32>
    %slice3A = vector.extract_strided_slice %dot_general3A_25 {offsets = [0, 0], sizes = [1000, 64], strides = [1, 1]} : vector<1000x128xf32> to vector<1000x64xf32>
    %swap3A = arith.constant 0 : index
    %swap3A_26 = arith.constant 0 : index
    %swap3A_27 = arith.constant 0 : index
    %swap3A_28 = vector.load %arg7[%swap3A, %swap3A_26, %swap3A_27] : memref<2x1000x64xf32, #tpu.memory_space<vmem>>, vector<1x1000x64xf32>
    %swap3A_29 = vector.shape_cast %swap3A_28 : vector<1x1000x64xf32> to vector<1000x64xf32>
    %swap3A_30 = vector.shape_cast %slice3A : vector<1000x64xf32> to vector<1x1000x64xf32>
    tpu.vector_store %arg7[%swap3A, %swap3A_26, %swap3A_27], %swap3A_30 {strides = array<i32>} : memref<2x1000x64xf32, #tpu.memory_space<vmem>>, vector<1x1000x64xf32>,
    %slice3A_31 = vector.extract_strided_slice %dot_general3A_25 {offsets = [0, 64], sizes = [1000, 64], strides = [1, 1]} : vector<1000x128xf32> to vector<1000x64xf32>
    %swap3A_32 = arith.constant 1 : index
    %swap3A_33 = arith.constant 0 : index
    %swap3A_34 = arith.constant 0 : index
    %swap3A_35 = vector.load %arg7[%swap3A_32, %swap3A_33, %swap3A_34] : memref<2x1000x64xf32, #tpu.memory_space<vmem>>, vector<1x1000x64xf32>
    %swap3A_36 = vector.shape_cast %swap3A_35 : vector<1x1000x64xf32> to vector<1000x64xf32>
    %swap3A_37 = vector.shape_cast %slice3A_31 : vector<1000x64xf32> to vector<1x1000x64xf32>
    tpu.vector_store %arg7[%swap3A_32, %swap3A_33, %swap3A_34], %swap3A_37 {strides = array<i32>} : memref<2x1000x64xf32, #tpu.memory_space<vmem>>, vector<1x1000x64xf32>,
    %get3A_38 = arith.constant 0 : index
    %get3A_39 = arith.constant 0 : index
    %get3A_40 = vector.load %arg5[%get3A_38, %get3A_39] : memref<128x128xf32, #tpu.memory_space<vmem>>, vector<128x128xf32>
    %dot_general3A_41 = arith.constant dense<0.000000e+00> : vector<1000x128xf32>
    %dot_general3A_42 = tpu.matmul %max3A_21, %get3A_40, %dot_general3A_41 {dimension_numbers = #tpu.dot_dimension_numbers<[1], [1], [0], [0], [0, 0, 1, 0], [], []>, transpose_lhs_hint = false} : vector<1000x128xf32>, vector<128x128xf32>, vector<1000x128xf32> -> vector<1000x128xf32>
    %get3A_43 = arith.constant 0 : index
    %get3A_44 = arith.constant 0 : index
    %get3A_45 = vector.load %arg6[%get3A_43, %get3A_44] : memref<1x128xf32, #tpu.memory_space<vmem>>, vector<1x128xf32>
    %add3A_46 = vector.broadcast %get3A_45 : vector<1x128xf32> to vector<1000x128xf32>
    %add3A_47 = arith.addf %dot_general3A_42, %add3A_46 : vector<1000x128xf32>
    %swap3A_48 = arith.constant 0 : index
    %swap3A_49 = arith.constant 0 : index
    %swap3A_50 = vector.load %arg8[%swap3A_48, %swap3A_49] : memref<1000x128xf32, #tpu.memory_space<vmem>>, vector<1000x128xf32>
    tpu.vector_store %arg8[%swap3A_48, %swap3A_49], %add3A_47 {strides = array<i32>} : memref<1000x128xf32, #tpu.memory_space<vmem>>, vector<1000x128xf32>,
    return
  }
  func.func @transform_0(%arg0: i32) -> (i32, i32, i32) {
    %c0_i32 = arith.constant 0 : i32
    %c0_i32_0 = arith.constant 0 : i32
    %c0_i32_1 = arith.constant 0 : i32
    return %c0_i32, %arg0, %c0_i32_0 : i32, i32, i32
  }
  func.func @transform_1(%arg0: i32) -> (i32, i32) {
    %c0_i32 = arith.constant 0 : i32
    %c0_i32_0 = arith.constant 0 : i32
    return %arg0, %c0_i32 : i32, i32
  }
  func.func @transform_2(%arg0: i32) -> (i32, i32) {
    %c0_i32 = arith.constant 0 : i32
    %c0_i32_0 = arith.constant 0 : i32
    return %arg0, %c0_i32 : i32, i32
  }
  func.func @transform_3(%arg0: i32) -> (i32, i32) {
    %c0_i32 = arith.constant 0 : i32
    %c0_i32_0 = arith.constant 0 : i32
    %c0_i32_1 = arith.constant 0 : i32
    return %c0_i32, %c0_i32_0 : i32, i32
  }
  func.func @transform_4(%arg0: i32) -> (i32, i32) {
    %c0_i32 = arith.constant 0 : i32
    %c0_i32_0 = arith.constant 0 : i32
    %c0_i32_1 = arith.constant 0 : i32
    return %c0_i32, %c0_i32_0 : i32, i32
  }
  func.func @transform_5(%arg0: i32) -> (i32, i32) {
    %c0_i32 = arith.constant 0 : i32
    %c0_i32_0 = arith.constant 0 : i32
    %c0_i32_1 = arith.constant 0 : i32
    return %c0_i32, %c0_i32_0 : i32, i32
  }
  func.func @transform_6(%arg0: i32) -> (i32, i32, i32) {
    %c0_i32 = arith.constant 0 : i32
    %c0_i32_0 = arith.constant 0 : i32
    %c0_i32_1 = arith.constant 0 : i32
    return %c0_i32, %arg0, %c0_i32_0 : i32, i32, i32
  }
  func.func @transform_7(%arg0: i32) -> (i32, i32) {
    %c0_i32 = arith.constant 0 : i32
    %c0_i32_0 = arith.constant 0 : i32
    return %arg0, %c0_i32 : i32, i32
  }
}

module attributes {stable_mosaic.version = 14 : i64} {
  func.func @_tc_post_body(%arg0: i32, %arg1: memref<2x1000x64xf32, #tpu.memory_space<vmem>>, %arg2: memref<1000x32xf32, #tpu.memory_space<vmem>>, %arg3: memref<1000x128xf32, #tpu.memory_space<vmem>>, %arg4: memref<1000x128xf32, #tpu.memory_space<vmem>>) attributes {dimension_semantics = [#tpu.dimension_semantics<arbitrary>], iteration_bounds = array<i64: 10>, scalar_prefetch = 0 : i64, scratch_operands = 0 : i64, tpu.core_type = #tpu.core_type<tc>, window_params = [{transform_indices = @transform_0, window_bounds = array<i64: 2, 1000, 64>}, {transform_indices = @transform_1, window_bounds = array<i64: 1000, 32>}, {transform_indices = @transform_2, window_bounds = array<i64: 1000, 128>}, {transform_indices = @transform_3, window_bounds = array<i64: 1000, 128>}]} {
    %get3A = arith.constant 0 : index
    %get3A_0 = arith.constant 0 : index
    %get3A_1 = arith.constant 0 : index
    %get3A_2 = vector.load %arg1[%get3A, %get3A_0, %get3A_1] : memref<2x1000x64xf32, #tpu.memory_space<vmem>>, vector<1x1000x64xf32>
    %get3A_3 = vector.shape_cast %get3A_2 : vector<1x1000x64xf32> to vector<1000x64xf32>
    %get3A_4 = arith.constant 1 : index
    %get3A_5 = arith.constant 0 : index
    %get3A_6 = arith.constant 0 : index
    %get3A_7 = vector.load %arg1[%get3A_4, %get3A_5, %get3A_6] : memref<2x1000x64xf32, #tpu.memory_space<vmem>>, vector<1x1000x64xf32>
    %get3A_8 = vector.shape_cast %get3A_7 : vector<1x1000x64xf32> to vector<1000x64xf32>
    %concatenate3A = tpu.concatenate %get3A_3, %get3A_8 in 1 : vector<1000x64xf32>, vector<1000x64xf32> -> vector<1000x128xf32>
    %get3A_9 = arith.constant 0 : index
    %get3A_10 = arith.constant 0 : index
    %get3A_11 = vector.load %arg2[%get3A_9, %get3A_10] : memref<1000x32xf32, #tpu.memory_space<vmem>>, vector<1000x32xf32>
    %reduce_sum3A = arith.constant dense<0.000000e+00> : vector<1000xf32>
    %reduce_sum3A_12 = vector.multi_reduction <add>, %get3A_11, %reduce_sum3A [1] : vector<1000x32xf32> to vector<1000xf32>
    %broadcast_in_dim3A = vector.shape_cast %reduce_sum3A_12 : vector<1000xf32> to vector<1000x1xf32>
    %max3A = arith.constant 1.000000e+00 : f32
    %max3A_13 = vector.broadcast %max3A : f32 to vector<1000x1xf32>
    %max3A_14 = arith.maximumf %broadcast_in_dim3A, %max3A_13 : vector<1000x1xf32>
    %div3A = vector.broadcast %max3A_14 : vector<1000x1xf32> to vector<1000x128xf32>
    %div3A_15 = arith.divf %concatenate3A, %div3A : vector<1000x128xf32>
    %get3A_16 = arith.constant 0 : index
    %get3A_17 = arith.constant 0 : index
    %get3A_18 = vector.load %arg3[%get3A_16, %get3A_17] : memref<1000x128xf32, #tpu.memory_space<vmem>>, vector<1000x128xf32>
    %add3A = arith.addf %div3A_15, %get3A_18 : vector<1000x128xf32>
    %mul3A = arith.mulf %add3A, %add3A : vector<1000x128xf32>
    %reduce_sum3A_19 = arith.constant dense<0.000000e+00> : vector<1000xf32>
    %reduce_sum3A_20 = vector.multi_reduction <add>, %mul3A, %reduce_sum3A_19 [1] : vector<1000x128xf32> to vector<1000xf32>
    %broadcast_in_dim3A_21 = vector.shape_cast %reduce_sum3A_20 : vector<1000xf32> to vector<1000x1xf32>
    %sqrt3A = math.sqrt %broadcast_in_dim3A_21 : vector<1000x1xf32>
    %max3A_22 = arith.constant 9.99999996E-13 : f32
    %max3A_23 = vector.broadcast %max3A_22 : f32 to vector<1000x1xf32>
    %max3A_24 = arith.maximumf %sqrt3A, %max3A_23 : vector<1000x1xf32>
    %div3A_25 = vector.broadcast %max3A_24 : vector<1000x1xf32> to vector<1000x128xf32>
    %div3A_26 = arith.divf %add3A, %div3A_25 : vector<1000x128xf32>
    %swap3A = arith.constant 0 : index
    %swap3A_27 = arith.constant 0 : index
    %swap3A_28 = vector.load %arg4[%swap3A, %swap3A_27] : memref<1000x128xf32, #tpu.memory_space<vmem>>, vector<1000x128xf32>
    tpu.vector_store %arg4[%swap3A, %swap3A_27], %div3A_26 {strides = array<i32>} : memref<1000x128xf32, #tpu.memory_space<vmem>>, vector<1000x128xf32>,
    return
  }
  func.func @transform_0(%arg0: i32) -> (i32, i32, i32) {
    %c0_i32 = arith.constant 0 : i32
    %c0_i32_0 = arith.constant 0 : i32
    %c0_i32_1 = arith.constant 0 : i32
    return %c0_i32, %arg0, %c0_i32_0 : i32, i32, i32
  }
  func.func @transform_1(%arg0: i32) -> (i32, i32) {
    %c0_i32 = arith.constant 0 : i32
    %c0_i32_0 = arith.constant 0 : i32
    return %arg0, %c0_i32 : i32, i32
  }
  func.func @transform_2(%arg0: i32) -> (i32, i32) {
    %c0_i32 = arith.constant 0 : i32
    %c0_i32_0 = arith.constant 0 : i32
    return %arg0, %c0_i32 : i32, i32
  }
  func.func @transform_3(%arg0: i32) -> (i32, i32) {
    %c0_i32 = arith.constant 0 : i32
    %c0_i32_0 = arith.constant 0 : i32
    return %arg0, %c0_i32 : i32, i32
  }
}

</mosaic_0001>

<sc_bundles>
// kernel: kernel.10.cloned.1.call-start
scs
__scs_entry_jumppad:
0x0: {  	(pc) =	sbr.rel $0x88, $3  }
0x1: {  	(tag) =	ssettag $0x0;
	lr =	simm.s32 $0x1  }
0x2: {  	[smem:$0x3F99] =	sst lr;
	_ =	strace $0xD0000000  }
0x3: {  	_ = 	snop  }
0x4: {  	_ = 	snop  }
0x5: {  	_ = 	snop  }
0x6: {  	_ = 	snop  }
0x7: {  	_ = 	snop  }
__scs_overlays_trampoline_lowered:
0x8: {  	[smem:$0x3FA8] =	sst s0  }
0x9: {  	[smem:$0x3FA9] =	sst s1  }
0xa: {  	[smem:$0x3FAA] =	sst s2  }
0xb: {  	[smem:$0x3FAB] =	sst s3  }
0xc: {  	[smem:$0x3FAC] =	sst s4  }
0xd: {  	[smem:$0x3FAD] =	sst s5  }
0xe: {  	[smem:$0x3FAE] =	sst s6  }
0xf: {  	[smem:$0x3FAF] =	sst s7  }
0x10: {  	[smem:$0x3FB0] =	sst s8  }
0x11: {  	[smem:$0x3FB1] =	sst s9;
	s0 =	simm.s32 @!p0 $0x0  }
0x12: {  	s1 =	sld [smem:$0x3F97];
	s0 =	simm.s32 @p0 $0x1  }
0x13: {  	[smem:$0x3FB2] =	sst s0;
	s0 =	simm.s32 @!p1 $0x0  }
0x14: {  	s2 =	sld [smem:$0x3F96];
	s0 =	simm.s32 @p1 $0x1  }
0x15: {  	[smem:$0x3FB3] =	sst s0;
	s0 =	simm.s32 @!p2 $0x0  }
0x16: {  	s3 =	sld [smem:$0x3FDB];
	s0 =	simm.s32 @p2 $0x1  }
0x17: {  	s4 =	simm.s32 $0x1BF5;
	[smem:$0x3FB5] =	sst s0  }
0x18: {  	s0 =	sld [smem:$0x3F98];
	_ =	swait.ge [sflag:s4], $0x0  }
0x19: {  	s7 =	sld [smem:$0x3F99]  }
0x1a: {  	s8 =	sadd.s32 $0xFFFFE003, lr  }
0x1b: {  	s9 =	sadd.s32 $0xFFFFFEF7, lr;
	s5 =	simm.s32 $0xFFFFFFFF;
	p2 =	slt.u32 s8, $0xFFFFF086  }
0x1c: {  	p1 =	slt.u32 s9, $0xF7A;
	s5 =	simm.s32 @!p2 $0x0  }
0x1d: {  	s5 =	simm.s32 @p1 $0x1;
	p0 =	seq.s32 s7, s2  }
0x1e: {  	s7 =	smul.u32 @!p0 $0xF7A, s2;
	p2 =	seq.s32 @!p0 s5, $0x0  }
0x1f: {  	s9 =	smul.u32 $0xF7A, s1;
	s8 =	simm.s32 @!p0 $0x1BF5;
	p2 =	por !p2, p0  }
0x20: {  	[sflag:s8] =	ssyncset.s32 @!p0 $0xFFFFF086;
	s6 =	sadd.s32 @!p0 s3, s7;
	s7 =	simm.s32 @!p0 $0x108  }
0x21: {  	s3 =	sadd.s32 s3, s9;
	s6 =	sadd.s32 @!p0 $0x88, s6;
	s7 =	simm.s32 @p2 $0x1082  }
0x22: {  	[simem:s7], [sflag:s8] =	dma.local @!p0 [hbm:s6], $0xF7A  }
0x23: {  	s9 =	sor.u32 $0xD0000000, s2;
	s6 =	simm.s32 $0x108;
	_ =	swait.ge @!p0 [sflag:s8], $0x0  }
0x24: {  	s3 =	sadd.s32 $0x88, s3;
	s6 =	simm.s32 @!p1 $0x1082;
	[sflag:s4] =	ssyncset.s32 $0xFFFFF086  }
0x25: {  	[simem:s6], [sflag:s4] =	dma.local [hbm:s3], $0xF7A  }
0x26: {  	[smem:$0x3F99] =	sst s1;
	(tag) =	ssettag s2;
	_ =	strace s9  }
0x27: {  	s1 =	sld [smem:$0x3FA9]  }
0x28: {  	s2 =	sld [smem:$0x3FAA]  }
0x29: {  	s4 =	sld [smem:$0x3FAC]  }
0x2a: {  	p0 =	seq.s32 s5, $0x0;
	s5 =	sld [smem:$0x3FAD]  }
0x2b: {  	s6 =	sld [smem:$0x3FAE]  }
0x2c: {  	s7 =	sld [smem:$0x3FAF]  }
0x2d: {  	s3 =	simm.s32 $0x108;
	s8 =	sld [smem:$0x3FB0]  }
0x2e: {  	s3 =	simm.s32 @!p0 $0x1082;
	s9 =	sld [smem:$0x3FB1]  }
0x2f: {  	lr =	sadd.s32 s0, s3;
	s0 =	sld [smem:$0x3FA8]  }
0x30: {  	s3 =	sld [smem:$0x3FAB]  }
0x31: {  	[smem:$0x3FB4] =	sst s10  }
0x32: {  	s10 =	sld [smem:$0x3FB2];
	_ =	sdelay $0x3  }
0x33: {  	p0 =	seq.s32 s10, $0x1;
	s10 =	sld [smem:$0x3FB4];
	_ =	sdelay $0x3  }
0x34: {  	[smem:$0x3FB4] =	sst s10  }
0x35: {  	s10 =	sld [smem:$0x3FB3];
	_ =	sdelay $0x3  }
0x36: {  	p1 =	seq.s32 s10, $0x1;
	s10 =	sld [smem:$0x3FB4];
	_ =	sdelay $0x3  }
0x37: {  	[smem:$0x3FB4] =	sst s10  }
0x38: {  	s10 =	sld [smem:$0x3FB5]  }
0x39: {  	_ = 	snop;
	(pc) =	sbr.ind lr, $3  }
0x3a: {  	_ = 	snop  }
0x3b: {  	_ = 	snop  }
0x3c: {  	p2 =	seq.s32 s10, $0x1;
	s10 =	sld [smem:$0x3FB4]  }
0x3d: {  	_ =	shalt  }
0x3e: {  	_ =	shalt  }
0x3f: {  	_ =	shalt  }
0x40: {  	_ =	shalt  }
0x41: {  	_ =	shalt  }
0x42: {  	_ =	shalt  }
0x43: {  	_ =	shalt  }
0x44: {  	_ =	shalt  }
0x45: {  	_ =	shalt  }
0x46: {  	_ =	shalt  }
0x47: {  	_ =	shalt  }
0x48: {  	_ =	shalt  }
0x49: {  	_ =	shalt  }
0x4a: {  	_ =	shalt  }
0x4b: {  	_ =	shalt  }
0x4c: {  	_ =	shalt  }
0x4d: {  	_ =	shalt  }
0x4e: {  	_ =	shalt  }
0x4f: {  	_ =	shalt  }
0x50: {  	_ =	shalt  }
0x51: {  	_ =	shalt  }
0x52: {  	_ =	shalt  }
0x53: {  	_ =	shalt  }
0x54: {  	_ =	shalt  }
0x55: {  	_ =	shalt  }
0x56: {  	_ =	shalt  }
0x57: {  	_ =	shalt  }
0x58: {  	_ =	shalt  }
0x59: {  	_ =	shalt  }
0x5a: {  	_ =	shalt  }
0x5b: {  	_ =	shalt  }
0x5c: {  	_ =	shalt  }
0x5d: {  	_ =	shalt  }
0x5e: {  	_ =	shalt  }
0x5f: {  	_ =	shalt  }
0x60: {  	_ =	shalt  }
0x61: {  	_ =	shalt  }
0x62: {  	_ =	shalt  }
0x63: {  	_ =	shalt  }
0x64: {  	_ =	shalt  }
0x65: {  	_ =	shalt  }
0x66: {  	_ =	shalt  }
0x67: {  	_ =	shalt  }
0x68: {  	_ =	shalt  }
0x69: {  	_ =	shalt  }
0x6a: {  	_ =	shalt  }
0x6b: {  	_ =	shalt  }
0x6c: {  	_ =	shalt  }
0x6d: {  	_ =	shalt  }
0x6e: {  	_ =	shalt  }
0x6f: {  	_ =	shalt  }
0x70: {  	_ =	shalt  }
0x71: {  	_ =	shalt  }
0x72: {  	_ =	shalt  }
0x73: {  	_ =	shalt  }
0x74: {  	_ =	shalt  }
0x75: {  	_ =	shalt  }
0x76: {  	_ =	shalt  }
0x77: {  	_ =	shalt  }
0x78: {  	_ =	shalt  }
0x79: {  	_ =	shalt  }
0x7a: {  	_ =	shalt  }
0x7b: {  	_ =	shalt  }
0x7c: {  	_ =	shalt  }
0x7d: {  	_ =	shalt  }
0x7e: {  	_ =	shalt  }
0x7f: {  	_ =	shalt  }
0x80: {  	_ =	shalt  }
0x81: {  	_ =	shalt  }
0x82: {  	_ =	shalt  }
0x83: {  	_ =	shalt  }
0x84: {  	_ =	shalt  }
0x85: {  	_ =	shalt  }
0x86: {  	_ =	shalt  }
0x87: {  	_ =	shalt  }
.Lfunc_end0:
.L_simem_size_0:
called_computation.1_lowered:
.L_overlay_start_0:
0x88: {  	s2 =	sld [smem:$0x3FD9]  }
0x89: {  	s3 =	sld [smem:$0x3FFE];
	_ =	sdelay $0x1  }
0x8a: {  	s1 =	srdreg.scid  }
0x8b: {  	s0 =	sand.u32 $0x1, s1  }
0x8c: {  	s17 =	sshll.u32 s0, $0xA;
	s2 =	sadd.s32 s3, s2  }
0x8d: {  	s2 =	sadd.s32 s2, s17  }
0x8e: {  	[smem:$0x3FC0] =	sst s2  }
0x8f: {  	_ = 	snop  }
0x90: {  	s2 =	sld [smem:$0x3FD0];
	(tm) =	ssettm $0x1  }
0x91: {  	s18 =	sld [smem:$0x3FFB];
	_ =	sdelay $0x3  }
0x92: {  	_ =	strace s18  }
0x93: {  	s3 =	sld [smem:$0x3FFC];
	_ =	sdelay $0x3  }
0x94: {  	_ =	strace s3  }
0x95: {  	s3 =	sld [smem:$0x3FFD];
	_ =	sdelay $0x3  }
0x96: {  	_ =	strace s3  }
0x97: {  	_ =	strace $0x8FFFFFFF  }
0x98: {  	s19 =	sld [smem:$0x3FDB];
	_ =	sdelay $0x1  }
0x99: {  	s4 =	simm.s32 $_scs_section_size  }
0x9a: {  	s5 =	simm.s32 $_size__tile_overlayer_lowered;
	s6 =	simm.s32 $_tile_overlayer_lowered  }
0x9b: {  	s22 =	simm.s32 $0x1BFF;
	s21 =	sshll.u32 s6, $0x1;
	s3 =	sadd.s32 s4, s19  }
0x9c: {  	s7 =	simm.s32 $0x0;
	s20 =	sshll.u32 s5, $0x1;
	s5 =	sadd.s32 s21, s3  }
0x9d: {  	[timem:s7], [sflag:s22] =	dma.local [hbm:s5], s20  }
0x9e: {  	_ =	swait.ge [sflag:s22], s20  }
0x9f: {  	s4 =	ssub.s32 $0x0, s20;
	[sflag:s22] =	ssyncset.done $0x0  }
0xa0: {  	[sflag:s22] =	ssyncadd.s32 s4;
	_ =	sdelay $0x1  }
0xa1: {  	s23 =	simm.s32 $0x1B8B  }
0xa2: {  	_ =	swait.ge [sflag:s23], $0x1  }
0xa3: {  	[sflag:s23] =	ssyncset.done $0x0  }
0xa4: {  	s25 =	simm.s32 $0x1B8E;
	s24 =	sld [smem:$0x3FFE];
	[sflag:s23] =	ssyncadd.s32 $0xFFFFFFFF  }
0xa5: {  	s26 =	simm.s32 $execute0_lowered;
	[smem:$0x3FD2] =	sst s25  }
0xa6: {  	s5 =	sshll.u32 s26, $0x1;
	_ =	strace $0x80000049;
	[dreg:$0x1] =	wrdreg $0xFFFFFFFF  }
0xa7: {  	s28 =	simm.s32 $_size_execute0_lowered;
	s3 =	sadd.s32 s3, s5;
	[dreg:$0x0] =	wrdreg $0x0  }
0xa8: {  	s5 =	sshll.u32 s28, $0x1;
	[dreg:$0x2] =	wrdreg s3  }
0xa9: {  	[dreg:$0x3] =	wrdreg s5  }
0xaa: {  	[dreg:$0x4] =	wrdreg $0xC0  }
0xab: {  	_ =	task [dreg:s7], $0x5FFFF  }
0xac: {  	[dreg:$0x1] =	wrdreg $0xFFFFFFFF  }
0xad: {  	[dreg:$0x0] =	wrdreg $0x60  }
0xae: {  	[dreg:$0x2] =	wrdreg s24  }
0xaf: {  	[dreg:$0x3] =	wrdreg s2  }
0xb0: {  	[dreg:$0x4] =	wrdreg $0x140000  }
0xb1: {  	[dreg:$0x5] =	wrdreg $0x9  }
0xb2: {  	_ =	task.clear_ibuf [dreg:s7], $0x6FFFF;
	_ =	strace $0x90000049  }
0xb3: {  	s29 =	simm.s32 $0x9;
	_ =	strace $0x8000004B  }
0xb4: {  	_ =	swait.ge [sflag:s29], $0x1  }
0xb5: {  	[sflag:s29] =	ssyncadd.s32 $0xFFFFFFFF  }
0xb6: {  	_ =	strace $0x9000004B  }
0xb7: {  	_ =	sfence  }
0xb8: {  	s30 =	sld [smem:$0x0];
	_ =	sdelay $0x2  }
0xb9: {  	s31 =	sshll.u32 s1, $0xD;
	s1 =	sshrl.u32 s1, $0x2  }
0xba: {  	s3 =	sand.u32 $0x4000, s31;
	s1 =	sadd.s32 s1, s30  }
0xbb: {  	s0 =	sor.u32 s3, s0;
	s1 =	sshll.u32 s1, $0x11  }
0xbc: {  	s0 =	sor.u32 s1, s0  }
0xbd: {  	s0 =	sadd.s32 $0x8F2B, s0  }
0xbe: {  	[sflag:s0] =	ssyncadd.remote.s32 $0x1  }
0xbf: {  	_ =	sfence.sel $0xFFFF  }
0xc0: {  	[dreg:$0x0] =	wrdreg $0xFFFFFFFF;
	(pc) =	sbr.abs _section_cstart, $3  }
0xc1: {  	[dreg:$0x1] =	wrdreg $0xFFFFFFFF  }
0xc2: {  	_ =	task.clear_ibuf [dreg:s7], $0x2FFFF;
	_ =	strace $0x9FFFFFFF  }
0xc3: {  	(tm) =	ssettm $0x7FFFFFFF  }
tec
execute0_lowered:
.L_overlay_start_1:
0x0: {  	(tag) =	ssettag $0x1  }
0x1: {  	s0 =	rddreg [dreg:$0x0]  }
0x2: {  	s1 =	rddreg [dreg:$0x1]  }
0x3: {  	s2 =	rddreg [dreg:$0x2]  }
0x4: {  	s3 =	simm.s32 $0x0;
	s13 =	stileid.u32;
	s4 =	srdreg.scid  }
0x5: {  	s14 =	simm.s32 $0x80;
	s15 =	simm.s32 $0xA000;
	s16 =	simm.s32 $0xC000  }
0x6: {  	s18 =	simm.s32 $0xE000;
	s20 =	simm.s32 $0x10000;
	s22 =	simm.s32 $0x12000  }
0x7: {  	s23 =	simm.s32 $0x1;
	s28 =	simm.s32 $0x5;
	s29 =	simm.s32 $0x6  }
0x8: {  	s30 =	simm.s32 $0x7;
	s31 =	simm.s32 $0x8;
	s6 =	smul.u32 $0xA00, s13  }
0x9: {  	s17 =	simm.s32 $0x0;
	[smem:$0x7FF] =	sst s3;
	s5 =	smul.u32 $0x9E00, s13  }
0xa: {  	s7 =	sand.u32 $0x1, s4;
	s8 =	smul.u32 $0x13C0, s13;
	s4 =	sadd.s32 $0x1800, s0  }
0xb: {  	s26 =	sshll.u32 s13, $0x6;
	_ =	strace $0x8000004A;
	s10 =	smul.u32 $0x13C00, s7  }
0xc: {  	s12 =	ssub.s32 $0x2, s7;
	s7 =	smul.u32 $0xA000, s7;
	s9 =	sshrl.u32 s5, $0x3  }
0xd: {  	s11 =	sadd.s32 s6, s0;
	s24 =	sshrl.u32 s12, $0x1;
	s25 =	sadd.s32 s5, s2  }
0xe: {  	s9 =	sadd.s32 s9, s0;
	s8 =	sadd.s32 s8, s10;
	s10 =	ssub.s32 s12, s24  }
0xf: {  	s7 =	sadd.s32 s6, s7;
	s6 =	sor.u32 $0x1C0B, s26;
	s12 =	simm.s32 $0xB  }
0x10: {  	s24 =	simm.s32 $0x2;
	s26 =	simm.s32 $0x4;
	s0 =	sadd.s32 s8, s0  }
0x11: {  	s5 =	sadd.s32 $0x33000, s9;
	s7 =	sadd.s32 s1, s7;
	s8 =	sadd.s32 $0x29000, s11  }
0x12: {  	s10 =	smax.u32 s10, $0x1;
	s11 =	sshrl.u32 s25, $0x3;
	s25 =	simm.s32 $0x3  }
0x13: {  	s1 =	simm.s32 $0xA;
	s9 =	sadd.s32 $0x46C00, s0;
	s0 =	simm.s32 $0x9  }
.LBB2_1:
0x14: {  	[spmem:s11], [sflag:s6] =	dma.local [hbm:s5], $0x13C0  }
0x15: {  	_ =	swait.ge [sflag:s12], $0x13C0  }
0x16: {  	[sflag:s12] =	ssyncset.done $0x0  }
0x17: {  	[sflag:s12] =	ssyncadd.s32 $0xFFFFEC40  }
0x18: {  	[bflag:$0x0] =	sbarrier.arrive $0xFFFF  }
0x19: {  	[tilespmem:s3], [sflag:$0xB] =	stream.linear.gather [hbm4b:s7+s3], $0x5000, $0x38;
	[tilespmem:$0x1DE00] =	vst v63  }
0x1a: {  	_ =	swait.ge [sflag:s12], $0x5000  }
0x1b: {  	[sflag:s12] =	ssyncset.done $0x0  }
0x1c: {  	s13 =	simm.s32 $0x5000;
	[sflag:s12] =	ssyncadd.s32 $0xFFFFB000  }
0x1d: {  	[tilespmem:s13], [sflag:$0xB] =	stream.linear.gather [hbm4b:s8+s3], $0x5000, $0x38;
	[tilespmem:$0x1DE00] =	vst v63  }
0x1e: {  	_ =	swait.ge [sflag:s12], $0x5000  }
0x1f: {  	[sflag:s12] =	ssyncset.done $0x0  }
0x20: {  	[sflag:s12] =	ssyncadd.s32 $0xFFFFB000  }
0x21: {  	[tilespmem:s15], [sflag:$0x1] =	stream.indirect.gather [hbm4b:s4+s14], $0x40, s3, s14, $0xb8;
	[tilespmem:$0x1DE00] =	vst v63  }
0x22: {  	_ = 	snop  }
0x23: {  	[tilespmem:s16], [sflag:$0x2] =	stream.indirect.gather [hbm4b:s4+s14], $0x40, s14, s14, $0xb8;
	[tilespmem:$0x1DE00] =	vst v63  }
0x24: {  	s21 =	simm.s32 $0x100  }
0x25: {  	[tilespmem:s18], [sflag:$0x3] =	stream.indirect.gather [hbm4b:s4+s14], $0x40, s21, s14, $0xb8;
	[tilespmem:$0x1DE00] =	vst v63  }
0x26: {  	s19 =	simm.s32 $0x180  }
0x27: {  	[tilespmem:s20], [sflag:$0x4] =	stream.indirect.gather [hbm4b:s4+s14], $0x40, s19, s14, $0xb8;
	[tilespmem:$0x1DE00] =	vst v63  }
0x28: {  	s21 =	simm.s32 $0x200  }
0x29: {  	[tilespmem:s22], [sflag:$0x5] =	stream.indirect.gather [hbm4b:s4+s14], $0x40, s21, s14, $0xb8;
	[tilespmem:$0x1DE00] =	vst v63  }
0x2a: {  	_ =	swait.ge [sflag:s23], $0x2000  }
0x2b: {  	[sflag:s23] =	ssyncset.done $0x0  }
0x2c: {  	s19 =	simm.s32 $0x5000;
	[sflag:s23] =	ssyncadd.s32 $0xFFFFE000  }
0x2d: {  	[spmem:s2] =	stream.indirect.scatter.add.f32 [tilespmem:s15], [sflag:$0x6], $0x40, s19, s14, $0xb8;
	[tilespmem:$0x1DE00] =	vst v63  }
0x2e: {  	_ =	swait.ge [sflag:s24], $0x2000  }
0x2f: {  	[sflag:s24] =	ssyncset.done $0x0  }
0x30: {  	s13 =	simm.s32 $0x5080;
	[sflag:s24] =	ssyncadd.s32 $0xFFFFE000  }
0x31: {  	[spmem:s2] =	stream.indirect.scatter.add.f32 [tilespmem:s16], [sflag:$0x7], $0x40, s13, s14, $0xb8;
	[tilespmem:$0x1DE00] =	vst v63  }
0x32: {  	_ =	swait.ge [sflag:s25], $0x2000  }
0x33: {  	[sflag:s25] =	ssyncset.done $0x0  }
0x34: {  	s21 =	simm.s32 $0x5100;
	[sflag:s25] =	ssyncadd.s32 $0xFFFFE000  }
0x35: {  	[spmem:s2] =	stream.indirect.scatter.add.f32 [tilespmem:s18], [sflag:$0x8], $0x40, s21, s14, $0xb8;
	[tilespmem:$0x1DE00] =	vst v63  }
0x36: {  	_ =	swait.ge [sflag:s26], $0x2000  }
0x37: {  	[sflag:s26] =	ssyncset.done $0x0  }
0x38: {  	s13 =	simm.s32 $0x5180;
	[sflag:s26] =	ssyncadd.s32 $0xFFFFE000  }
0x39: {  	[spmem:s2] =	stream.indirect.scatter.add.f32 [tilespmem:s20], [sflag:$0x9], $0x40, s13, s14, $0xb8;
	[tilespmem:$0x1DE00] =	vst v63  }
0x3a: {  	_ =	swait.ge [sflag:s28], $0x2000  }
0x3b: {  	[sflag:s28] =	ssyncset.done $0x0  }
0x3c: {  	s21 =	simm.s32 $0x5200;
	[sflag:s28] =	ssyncadd.s32 $0xFFFFE000  }
0x3d: {  	[spmem:s2] =	stream.indirect.scatter.add.f32 [tilespmem:s22], [sflag:$0xA], $0x40, s21, s14, $0xb8;
	[tilespmem:$0x1DE00] =	vst v63  }
0x3e: {  	_ =	swait.ge [sflag:s29], $0x2000  }
0x3f: {  	[sflag:s29] =	ssyncset.done $0x0  }
0x40: {  	s13 =	simm.s32 $0x280;
	[sflag:s29] =	ssyncadd.s32 $0xFFFFE000  }
0x41: {  	[tilespmem:s15], [sflag:$0x1] =	stream.indirect.gather [hbm4b:s4+s14], $0x40, s13, s14, $0xb8;
	[tilespmem:$0x1DE00] =	vst v63  }
0x42: {  	_ =	swait.ge [sflag:s30], $0x2000  }
0x43: {  	[sflag:s30] =	ssyncset.done $0x0  }
0x44: {  	s21 =	simm.s32 $0x300;
	[sflag:s30] =	ssyncadd.s32 $0xFFFFE000  }
0x45: {  	[tilespmem:s16], [sflag:$0x2] =	stream.indirect.gather [hbm4b:s4+s14], $0x40, s21, s14, $0xb8;
	[tilespmem:$0x1DE00] =	vst v63  }
0x46: {  	_ =	swait.ge [sflag:s31], $0x2000  }
0x47: {  	[sflag:s31] =	ssyncset.done $0x0  }
0x48: {  	s13 =	simm.s32 $0x380;
	[sflag:s31] =	ssyncadd.s32 $0xFFFFE000  }
0x49: {  	[tilespmem:s18], [sflag:$0x3] =	stream.indirect.gather [hbm4b:s4+s14], $0x40, s13, s14, $0xb8;
	[tilespmem:$0x1DE00] =	vst v63  }
0x4a: {  	_ =	swait.ge [sflag:s0], $0x2000  }
0x4b: {  	[sflag:s0] =	ssyncset.done $0x0  }
0x4c: {  	s21 =	simm.s32 $0x400;
	[sflag:s0] =	ssyncadd.s32 $0xFFFFE000  }
0x4d: {  	[tilespmem:s20], [sflag:$0x4] =	stream.indirect.gather [hbm4b:s4+s14], $0x40, s21, s14, $0xb8;
	[tilespmem:$0x1DE00] =	vst v63  }
0x4e: {  	_ =	swait.ge [sflag:s1], $0x2000  }
0x4f: {  	[sflag:s1] =	ssyncset.done $0x0  }
0x50: {  	s19 =	simm.s32 $0xA00;
	s21 =	simm.s32 $0x480;
	[sflag:s1] =	ssyncadd.s32 $0xFFFFE000  }
.LBB2_2:
0x51: {  	[tilespmem:s22], [sflag:$0x5] =	stream.indirect.gather [hbm4b:s4+s14], $0x40, s21, s14, $0xb8;
	[tilespmem:$0x1DE00] =	vst v63  }
0x52: {  	s21 =	smov.u32 s19  }
0x53: {  	p0 =	sne.s32 s19, $0x12C00;
	s19 =	sadd.s32 $0xA00, s19;
	_ =	swait.ge [sflag:s23], $0x2000  }
0x54: {  	s21 =	sshra.s32 s21, $0x2;
	[sflag:s23] =	ssyncset.done $0x0  }
0x55: {  	s13 =	sadd.s32 $0x5000, s21;
	[sflag:s23] =	ssyncadd.s32 $0xFFFFE000  }
0x56: {  	[spmem:s2] =	stream.indirect.scatter.add.f32 [tilespmem:s15], [sflag:$0x6], $0x40, s13, s14, $0xb8;
	[tilespmem:$0x1DE00] =	vst v63  }
0x57: {  	_ =	swait.ge [sflag:s24], $0x2000  }
0x58: {  	[sflag:s24] =	ssyncset.done $0x0  }
0x59: {  	s13 =	sadd.s32 $0x5080, s21;
	[sflag:s24] =	ssyncadd.s32 $0xFFFFE000  }
0x5a: {  	[spmem:s2] =	stream.indirect.scatter.add.f32 [tilespmem:s16], [sflag:$0x7], $0x40, s13, s14, $0xb8;
	[tilespmem:$0x1DE00] =	vst v63  }
0x5b: {  	_ =	swait.ge [sflag:s25], $0x2000  }
0x5c: {  	[sflag:s25] =	ssyncset.done $0x0  }
0x5d: {  	s13 =	sadd.s32 $0x5100, s21;
	[sflag:s25] =	ssyncadd.s32 $0xFFFFE000  }
0x5e: {  	[spmem:s2] =	stream.indirect.scatter.add.f32 [tilespmem:s18], [sflag:$0x8], $0x40, s13, s14, $0xb8;
	[tilespmem:$0x1DE00] =	vst v63  }
0x5f: {  	_ =	swait.ge [sflag:s26], $0x2000  }
0x60: {  	[sflag:s26] =	ssyncset.done $0x0  }
0x61: {  	s13 =	sadd.s32 $0x5180, s21;
	[sflag:s26] =	ssyncadd.s32 $0xFFFFE000  }
0x62: {  	[spmem:s2] =	stream.indirect.scatter.add.f32 [tilespmem:s20], [sflag:$0x9], $0x40, s13, s14, $0xb8;
	[tilespmem:$0x1DE00] =	vst v63  }
0x63: {  	_ =	swait.ge [sflag:s28], $0x2000  }
0x64: {  	[sflag:s28] =	ssyncset.done $0x0  }
0x65: {  	s13 =	sadd.s32 $0x5200, s21;
	[sflag:s28] =	ssyncadd.s32 $0xFFFFE000  }
0x66: {  	[spmem:s2] =	stream.indirect.scatter.add.f32 [tilespmem:s22], [sflag:$0xA], $0x40, s13, s14, $0xb8;
	[tilespmem:$0x1DE00] =	vst v63  }
0x67: {  	_ =	swait.ge [sflag:s29], $0x2000  }
0x68: {  	[sflag:s29] =	ssyncset.done $0x0  }
0x69: {  	s13 =	sadd.s32 $0x280, s21;
	[sflag:s29] =	ssyncadd.s32 $0xFFFFE000  }
0x6a: {  	[tilespmem:s15], [sflag:$0x1] =	stream.indirect.gather [hbm4b:s4+s14], $0x40, s13, s14, $0xb8;
	[tilespmem:$0x1DE00] =	vst v63  }
0x6b: {  	_ =	swait.ge [sflag:s30], $0x2000  }
0x6c: {  	[sflag:s30] =	ssyncset.done $0x0  }
0x6d: {  	s13 =	sadd.s32 $0x300, s21;
	[sflag:s30] =	ssyncadd.s32 $0xFFFFE000  }
0x6e: {  	[tilespmem:s16], [sflag:$0x2] =	stream.indirect.gather [hbm4b:s4+s14], $0x40, s13, s14, $0xb8;
	[tilespmem:$0x1DE00] =	vst v63  }
0x6f: {  	_ =	swait.ge [sflag:s31], $0x2000  }
0x70: {  	[sflag:s31] =	ssyncset.done $0x0  }
0x71: {  	s13 =	sadd.s32 $0x380, s21;
	[sflag:s31] =	ssyncadd.s32 $0xFFFFE000  }
0x72: {  	[tilespmem:s18], [sflag:$0x3] =	stream.indirect.gather [hbm4b:s4+s14], $0x40, s13, s14, $0xb8;
	[tilespmem:$0x1DE00] =	vst v63  }
0x73: {  	_ =	swait.ge [sflag:s0], $0x2000  }
0x74: {  	[sflag:s0] =	ssyncset.done $0x0  }
.Ltmp0:
0x75: {  	s13 =	sadd.s32 $0x400, s21;
	[sflag:s0] =	ssyncadd.s32 $0xFFFFE000;
	(pc) =	sbr.rel @p0 .LBB2_2-.Ltmp0, $4  }
0x76: {  	[tilespmem:s20], [sflag:$0x4] =	stream.indirect.gather [hbm4b:s4+s14], $0x40, s13, s14, $0xb8;
	[tilespmem:$0x1DE00] =	vst v63  }
0x77: {  	_ =	swait.ge [sflag:s1], $0x2000  }
0x78: {  	[sflag:s1] =	ssyncset.done $0x0  }
0x79: {  	s21 =	sadd.s32 $0x480, s21;
	[sflag:s1] =	ssyncadd.s32 $0xFFFFE000  }
0x7a: {  	[tilespmem:s22], [sflag:$0x5] =	stream.indirect.gather [hbm4b:s4+s14], $0x40, s21, s14, $0xb8;
	[tilespmem:$0x1DE00] =	vst v63  }
0x7b: {  	_ =	swait.ge [sflag:s23], $0x2000  }
0x7c: {  	[sflag:s23] =	ssyncset.done $0x0  }
0x7d: {  	s13 =	simm.s32 $0x9D80;
	[sflag:s23] =	ssyncadd.s32 $0xFFFFE000  }
0x7e: {  	[spmem:s2] =	stream.indirect.scatter.add.f32 [tilespmem:s15], [sflag:$0x6], $0x40, s13, s14, $0xb8;
	[tilespmem:$0x1DE00] =	vst v63  }
0x7f: {  	_ =	swait.ge [sflag:s24], $0x2000  }
0x80: {  	[sflag:s24] =	ssyncset.done $0x0  }
0x81: {  	s19 =	simm.s32 $0x9E00;
	[sflag:s24] =	ssyncadd.s32 $0xFFFFE000  }
0x82: {  	[spmem:s2] =	stream.indirect.scatter.add.f32 [tilespmem:s16], [sflag:$0x7], $0x40, s19, s14, $0xb8;
	[tilespmem:$0x1DE00] =	vst v63  }
0x83: {  	_ =	swait.ge [sflag:s25], $0x2000  }
0x84: {  	[sflag:s25] =	ssyncset.done $0x0  }
0x85: {  	s21 =	simm.s32 $0x9E80;
	[sflag:s25] =	ssyncadd.s32 $0xFFFFE000  }
0x86: {  	[spmem:s2] =	stream.indirect.scatter.add.f32 [tilespmem:s18], [sflag:$0x8], $0x40, s21, s14, $0xb8;
	[tilespmem:$0x1DE00] =	vst v63  }
0x87: {  	_ =	swait.ge [sflag:s26], $0x2000  }
0x88: {  	[sflag:s26] =	ssyncset.done $0x0  }
0x89: {  	s19 =	simm.s32 $0x9F00;
	[sflag:s26] =	ssyncadd.s32 $0xFFFFE000  }
0x8a: {  	[spmem:s2] =	stream.indirect.scatter.add.f32 [tilespmem:s20], [sflag:$0x9], $0x40, s19, s14, $0xb8;
	[tilespmem:$0x1DE00] =	vst v63  }
0x8b: {  	_ =	swait.ge [sflag:s28], $0x2000  }
0x8c: {  	[sflag:s28] =	ssyncset.done $0x0  }
0x8d: {  	s21 =	simm.s32 $0x9F80;
	[sflag:s28] =	ssyncadd.s32 $0xFFFFE000  }
0x8e: {  	[spmem:s2] =	stream.indirect.scatter.add.f32 [tilespmem:s22], [sflag:$0xA], $0x40, s21, s14, $0xb8;
	[tilespmem:$0x1DE00] =	vst v63  }
0x8f: {  	_ =	swait.ge [sflag:s29], $0x2000  }
0x90: {  	[sflag:s29] =	ssyncset.done $0x0  }
0x91: {  	[sflag:s29] =	ssyncadd.s32 $0xFFFFE000  }
0x92: {  	_ =	swait.ge [sflag:s30], $0x2000  }
0x93: {  	[sflag:s30] =	ssyncset.done $0x0  }
0x94: {  	[sflag:s30] =	ssyncadd.s32 $0xFFFFE000  }
0x95: {  	_ =	swait.ge [sflag:s31], $0x2000  }
0x96: {  	[sflag:s31] =	ssyncset.done $0x0  }
0x97: {  	[sflag:s31] =	ssyncadd.s32 $0xFFFFE000  }
0x98: {  	_ =	swait.ge [sflag:s0], $0x2000  }
0x99: {  	[sflag:s0] =	ssyncset.done $0x0  }
0x9a: {  	[sflag:s0] =	ssyncadd.s32 $0xFFFFE000  }
0x9b: {  	_ =	swait.ge [sflag:s1], $0x2000  }
0x9c: {  	s17 =	sadd.s32 $0x1, s17;
	[sflag:s1] =	ssyncset.done $0x0  }
0x9d: {  	p0 =	sne.s32 s17, s10;
	[sflag:s1] =	ssyncadd.s32 $0xFFFFE000  }
.Ltmp1:
0x9e: {  	[bflag:$0x0] =	sbarrier.arrive $0xFFFF;
	(pc) =	sbr.rel @p0 .LBB2_1-.Ltmp1, $4  }
0x9f: {  	[hbm:s9], [sflag:s6] =	dma.local [spmem:s11], $0x13C0  }
0xa0: {  	_ =	swait.ge [sflag:s12], $0x13C0  }
0xa1: {  	[sflag:s12] =	ssyncset.done $0x0  }
0xa2: {  	[sflag:s12] =	ssyncadd.s32 $0xFFFFEC40  }
0xa3: {  	_ =	sfence.sel $0x180000  }
0xa4: {  	[bflag:$0x0] =	sbarrier.arrive $0xFFFF  }
0xa5: {  	_ =	strace $0x9000004A  }
0xa6: {  	s0 =	stileid.u32;
	[bflag:$0x2] =	sbarrier.arrive $0xFFFF  }
0xa7: {  	p0 =	sne.s32 s0, $0x0;
	s0 =	rddreg [dreg:$0x3]  }
0xa8: {  	s0 =	sadd.s32 @!p0 $0x100000, s0  }
0xa9: {  	[sflag:s0] =	ssyncadd.tile.s32 @!p0 $0x1;
	_ =	shalt  }
.Lfunc_end2:
_tile_overlayer_lowered:
.L_overlay_start_2:
0xaa: {  	(tag) =	ssettag $0x2  }
0xab: {  	s0 =	rddreg [dreg:$0x0];
	s2 =	stileid.u32  }
0xac: {  	s1 =	rddreg [dreg:$0x1];
	p0 =	sne.s32 s2, $0x0  }
0xad: {  	s3 =	rddreg [dreg:$0x2];
	[bflag:$0x3] =	sbarrier.arrive $0xFFFF;
	s2 =	simm.s32 @!p0 $0x1C0B  }
0xae: {  	[timem:s3], [sflag:s2] =	dma.local @!p0 [hbm:s0], s1  }
0xaf: {  	s0 =	simm.s32 @!p0 $0xB  }
0xb0: {  	_ =	swait.ge @!p0 [sflag:s0], s1  }
0xb1: {  	s1 =	ssub.s32 @!p0 $0x0, s1;
	[sflag:s0] =	ssyncset.done @!p0 $0x0  }
0xb2: {  	[sflag:s0] =	ssyncadd.s32 @!p0 s1  }
0xb3: {  	[bflag:$0x3] =	sbarrier.arrive $0xFFFF  }
0xb4: {  	_ =	shalt  }

// kernel: kernel.7.cloned.1.call-start
scs
__scs_entry_jumppad:
0x0: {  	(pc) =	sbr.rel $0x88, $3  }
0x1: {  	(tag) =	ssettag $0x0;
	lr =	simm.s32 $0x1  }
0x2: {  	[smem:$0x3F99] =	sst lr;
	_ =	strace $0xD0000000  }
0x3: {  	_ = 	snop  }
0x4: {  	_ = 	snop  }
0x5: {  	_ = 	snop  }
0x6: {  	_ = 	snop  }
0x7: {  	_ = 	snop  }
__scs_overlays_trampoline_lowered:
0x8: {  	[smem:$0x3FA8] =	sst s0  }
0x9: {  	[smem:$0x3FA9] =	sst s1  }
0xa: {  	[smem:$0x3FAA] =	sst s2  }
0xb: {  	[smem:$0x3FAB] =	sst s3  }
0xc: {  	[smem:$0x3FAC] =	sst s4  }
0xd: {  	[smem:$0x3FAD] =	sst s5  }
0xe: {  	[smem:$0x3FAE] =	sst s6  }
0xf: {  	[smem:$0x3FAF] =	sst s7  }
0x10: {  	[smem:$0x3FB0] =	sst s8  }
0x11: {  	[smem:$0x3FB1] =	sst s9;
	s0 =	simm.s32 @!p0 $0x0  }
0x12: {  	s1 =	sld [smem:$0x3F97];
	s0 =	simm.s32 @p0 $0x1  }
0x13: {  	[smem:$0x3FB2] =	sst s0;
	s0 =	simm.s32 @!p1 $0x0  }
0x14: {  	s2 =	sld [smem:$0x3F96];
	s0 =	simm.s32 @p1 $0x1  }
0x15: {  	[smem:$0x3FB3] =	sst s0;
	s0 =	simm.s32 @!p2 $0x0  }
0x16: {  	s3 =	sld [smem:$0x3FDB];
	s0 =	simm.s32 @p2 $0x1  }
0x17: {  	s4 =	simm.s32 $0x1BF5;
	[smem:$0x3FB5] =	sst s0  }
0x18: {  	s0 =	sld [smem:$0x3F98];
	_ =	swait.ge [sflag:s4], $0x0  }
0x19: {  	s7 =	sld [smem:$0x3F99]  }
0x1a: {  	s8 =	sadd.s32 $0xFFFFE003, lr  }
0x1b: {  	s9 =	sadd.s32 $0xFFFFFEF7, lr;
	s5 =	simm.s32 $0xFFFFFFFF;
	p2 =	slt.u32 s8, $0xFFFFF086  }
0x1c: {  	p1 =	slt.u32 s9, $0xF7A;
	s5 =	simm.s32 @!p2 $0x0  }
0x1d: {  	s5 =	simm.s32 @p1 $0x1;
	p0 =	seq.s32 s7, s2  }
0x1e: {  	s7 =	smul.u32 @!p0 $0xF7A, s2;
	p2 =	seq.s32 @!p0 s5, $0x0  }
0x1f: {  	s9 =	smul.u32 $0xF7A, s1;
	s8 =	simm.s32 @!p0 $0x1BF5;
	p2 =	por !p2, p0  }
0x20: {  	[sflag:s8] =	ssyncset.s32 @!p0 $0xFFFFF086;
	s6 =	sadd.s32 @!p0 s3, s7;
	s7 =	simm.s32 @!p0 $0x108  }
0x21: {  	s3 =	sadd.s32 s3, s9;
	s6 =	sadd.s32 @!p0 $0x88, s6;
	s7 =	simm.s32 @p2 $0x1082  }
0x22: {  	[simem:s7], [sflag:s8] =	dma.local @!p0 [hbm:s6], $0xF7A  }
0x23: {  	s9 =	sor.u32 $0xD0000000, s2;
	s6 =	simm.s32 $0x108;
	_ =	swait.ge @!p0 [sflag:s8], $0x0  }
0x24: {  	s3 =	sadd.s32 $0x88, s3;
	s6 =	simm.s32 @!p1 $0x1082;
	[sflag:s4] =	ssyncset.s32 $0xFFFFF086  }
0x25: {  	[simem:s6], [sflag:s4] =	dma.local [hbm:s3], $0xF7A  }
0x26: {  	[smem:$0x3F99] =	sst s1;
	(tag) =	ssettag s2;
	_ =	strace s9  }
0x27: {  	s1 =	sld [smem:$0x3FA9]  }
0x28: {  	s2 =	sld [smem:$0x3FAA]  }
0x29: {  	s4 =	sld [smem:$0x3FAC]  }
0x2a: {  	p0 =	seq.s32 s5, $0x0;
	s5 =	sld [smem:$0x3FAD]  }
0x2b: {  	s6 =	sld [smem:$0x3FAE]  }
0x2c: {  	s7 =	sld [smem:$0x3FAF]  }
0x2d: {  	s3 =	simm.s32 $0x108;
	s8 =	sld [smem:$0x3FB0]  }
0x2e: {  	s3 =	simm.s32 @!p0 $0x1082;
	s9 =	sld [smem:$0x3FB1]  }
0x2f: {  	lr =	sadd.s32 s0, s3;
	s0 =	sld [smem:$0x3FA8]  }
0x30: {  	s3 =	sld [smem:$0x3FAB]  }
0x31: {  	[smem:$0x3FB4] =	sst s10  }
0x32: {  	s10 =	sld [smem:$0x3FB2];
	_ =	sdelay $0x3  }
0x33: {  	p0 =	seq.s32 s10, $0x1;
	s10 =	sld [smem:$0x3FB4];
	_ =	sdelay $0x3  }
0x34: {  	[smem:$0x3FB4] =	sst s10  }
0x35: {  	s10 =	sld [smem:$0x3FB3];
	_ =	sdelay $0x3  }
0x36: {  	p1 =	seq.s32 s10, $0x1;
	s10 =	sld [smem:$0x3FB4];
	_ =	sdelay $0x3  }
0x37: {  	[smem:$0x3FB4] =	sst s10  }
0x38: {  	s10 =	sld [smem:$0x3FB5]  }
0x39: {  	_ = 	snop;
	(pc) =	sbr.ind lr, $3  }
0x3a: {  	_ = 	snop  }
0x3b: {  	_ = 	snop  }
0x3c: {  	p2 =	seq.s32 s10, $0x1;
	s10 =	sld [smem:$0x3FB4]  }
0x3d: {  	_ =	shalt  }
0x3e: {  	_ =	shalt  }
0x3f: {  	_ =	shalt  }
0x40: {  	_ =	shalt  }
0x41: {  	_ =	shalt  }
0x42: {  	_ =	shalt  }
0x43: {  	_ =	shalt  }
0x44: {  	_ =	shalt  }
0x45: {  	_ =	shalt  }
0x46: {  	_ =	shalt  }
0x47: {  	_ =	shalt  }
0x48: {  	_ =	shalt  }
0x49: {  	_ =	shalt  }
0x4a: {  	_ =	shalt  }
0x4b: {  	_ =	shalt  }
0x4c: {  	_ =	shalt  }
0x4d: {  	_ =	shalt  }
0x4e: {  	_ =	shalt  }
0x4f: {  	_ =	shalt  }
0x50: {  	_ =	shalt  }
0x51: {  	_ =	shalt  }
0x52: {  	_ =	shalt  }
0x53: {  	_ =	shalt  }
0x54: {  	_ =	shalt  }
0x55: {  	_ =	shalt  }
0x56: {  	_ =	shalt  }
0x57: {  	_ =	shalt  }
0x58: {  	_ =	shalt  }
0x59: {  	_ =	shalt  }
0x5a: {  	_ =	shalt  }
0x5b: {  	_ =	shalt  }
0x5c: {  	_ =	shalt  }
0x5d: {  	_ =	shalt  }
0x5e: {  	_ =	shalt  }
0x5f: {  	_ =	shalt  }
0x60: {  	_ =	shalt  }
0x61: {  	_ =	shalt  }
0x62: {  	_ =	shalt  }
0x63: {  	_ =	shalt  }
0x64: {  	_ =	shalt  }
0x65: {  	_ =	shalt  }
0x66: {  	_ =	shalt  }
0x67: {  	_ =	shalt  }
0x68: {  	_ =	shalt  }
0x69: {  	_ =	shalt  }
0x6a: {  	_ =	shalt  }
0x6b: {  	_ =	shalt  }
0x6c: {  	_ =	shalt  }
0x6d: {  	_ =	shalt  }
0x6e: {  	_ =	shalt  }
0x6f: {  	_ =	shalt  }
0x70: {  	_ =	shalt  }
0x71: {  	_ =	shalt  }
0x72: {  	_ =	shalt  }
0x73: {  	_ =	shalt  }
0x74: {  	_ =	shalt  }
0x75: {  	_ =	shalt  }
0x76: {  	_ =	shalt  }
0x77: {  	_ =	shalt  }
0x78: {  	_ =	shalt  }
0x79: {  	_ =	shalt  }
0x7a: {  	_ =	shalt  }
0x7b: {  	_ =	shalt  }
0x7c: {  	_ =	shalt  }
0x7d: {  	_ =	shalt  }
0x7e: {  	_ =	shalt  }
0x7f: {  	_ =	shalt  }
0x80: {  	_ =	shalt  }
0x81: {  	_ =	shalt  }
0x82: {  	_ =	shalt  }
0x83: {  	_ =	shalt  }
0x84: {  	_ =	shalt  }
0x85: {  	_ =	shalt  }
0x86: {  	_ =	shalt  }
0x87: {  	_ =	shalt  }
.Lfunc_end0:
.L_simem_size_0:
called_computation_lowered:
.L_overlay_start_0:
0x88: {  	s2 =	sld [smem:$0x3FD9]  }
0x89: {  	s3 =	sld [smem:$0x3FFE];
	_ =	sdelay $0x1  }
0x8a: {  	s1 =	srdreg.scid  }
0x8b: {  	s0 =	sand.u32 $0x1, s1  }
0x8c: {  	s17 =	sshll.u32 s0, $0xA;
	s2 =	sadd.s32 s3, s2  }
0x8d: {  	s2 =	sadd.s32 s2, s17  }
0x8e: {  	[smem:$0x3FC0] =	sst s2  }
0x8f: {  	_ = 	snop  }
0x90: {  	s2 =	sld [smem:$0x3FD0];
	(tm) =	ssettm $0x1  }
0x91: {  	s18 =	sld [smem:$0x3FFB];
	_ =	sdelay $0x3  }
0x92: {  	_ =	strace s18  }
0x93: {  	s3 =	sld [smem:$0x3FFC];
	_ =	sdelay $0x3  }
0x94: {  	_ =	strace s3  }
0x95: {  	s3 =	sld [smem:$0x3FFD];
	_ =	sdelay $0x3  }
0x96: {  	_ =	strace s3  }
0x97: {  	_ =	strace $0x8FFFFFFF  }
0x98: {  	s19 =	sld [smem:$0x3FDB];
	_ =	sdelay $0x1  }
0x99: {  	s4 =	simm.s32 $_scs_section_size  }
0x9a: {  	s5 =	simm.s32 $_size__tile_overlayer_lowered;
	s6 =	simm.s32 $_tile_overlayer_lowered  }
0x9b: {  	s22 =	simm.s32 $0x1BFF;
	s21 =	sshll.u32 s6, $0x1;
	s3 =	sadd.s32 s4, s19  }
0x9c: {  	s7 =	simm.s32 $0x0;
	s20 =	sshll.u32 s5, $0x1;
	s5 =	sadd.s32 s21, s3  }
0x9d: {  	[timem:s7], [sflag:s22] =	dma.local [hbm:s5], s20  }
0x9e: {  	_ =	swait.ge [sflag:s22], s20  }
0x9f: {  	s4 =	ssub.s32 $0x0, s20;
	[sflag:s22] =	ssyncset.done $0x0  }
0xa0: {  	[sflag:s22] =	ssyncadd.s32 s4;
	_ =	sdelay $0x1  }
0xa1: {  	s23 =	simm.s32 $0x1B8B  }
0xa2: {  	_ =	swait.ge [sflag:s23], $0x1  }
0xa3: {  	[sflag:s23] =	ssyncset.done $0x0  }
0xa4: {  	s25 =	simm.s32 $0x1B8E;
	s24 =	sld [smem:$0x3FFE];
	[sflag:s23] =	ssyncadd.s32 $0xFFFFFFFF  }
0xa5: {  	s26 =	simm.s32 $execute0_lowered;
	[smem:$0x3FD2] =	sst s25  }
0xa6: {  	s5 =	sshll.u32 s26, $0x1;
	_ =	strace $0x80000046;
	[dreg:$0x1] =	wrdreg $0xFFFFFFFF  }
0xa7: {  	s28 =	simm.s32 $_size_execute0_lowered;
	s3 =	sadd.s32 s3, s5;
	[dreg:$0x0] =	wrdreg $0x0  }
0xa8: {  	s5 =	sshll.u32 s28, $0x1;
	[dreg:$0x2] =	wrdreg s3  }
0xa9: {  	[dreg:$0x3] =	wrdreg s5  }
0xaa: {  	[dreg:$0x4] =	wrdreg $0xC0  }
0xab: {  	_ =	task [dreg:s7], $0x5FFFF  }
0xac: {  	[dreg:$0x1] =	wrdreg $0xFFFFFFFF  }
0xad: {  	[dreg:$0x0] =	wrdreg $0x60  }
0xae: {  	[dreg:$0x2] =	wrdreg s24  }
0xaf: {  	[dreg:$0x3] =	wrdreg s2  }
0xb0: {  	[dreg:$0x4] =	wrdreg $0x147800  }
0xb1: {  	[dreg:$0x5] =	wrdreg $0x9  }
0xb2: {  	_ =	task.clear_ibuf [dreg:s7], $0x6FFFF;
	_ =	strace $0x90000046  }
0xb3: {  	s29 =	simm.s32 $0x9;
	_ =	strace $0x80000048  }
0xb4: {  	_ =	swait.ge [sflag:s29], $0x1  }
0xb5: {  	[sflag:s29] =	ssyncadd.s32 $0xFFFFFFFF  }
0xb6: {  	_ =	strace $0x90000048  }
0xb7: {  	_ =	sfence  }
0xb8: {  	s30 =	sld [smem:$0x0];
	_ =	sdelay $0x2  }
0xb9: {  	s31 =	sshll.u32 s1, $0xD;
	s1 =	sshrl.u32 s1, $0x2  }
0xba: {  	s3 =	sand.u32 $0x4000, s31;
	s1 =	sadd.s32 s1, s30  }
0xbb: {  	s0 =	sor.u32 s3, s0;
	s1 =	sshll.u32 s1, $0x11  }
0xbc: {  	s0 =	sor.u32 s1, s0  }
0xbd: {  	s0 =	sadd.s32 $0x8F2B, s0  }
0xbe: {  	[sflag:s0] =	ssyncadd.remote.s32 $0x1  }
0xbf: {  	_ =	sfence.sel $0xFFFF  }
0xc0: {  	[dreg:$0x0] =	wrdreg $0xFFFFFFFF;
	(pc) =	sbr.abs _section_cstart, $3  }
0xc1: {  	[dreg:$0x1] =	wrdreg $0xFFFFFFFF  }
0xc2: {  	_ =	task.clear_ibuf [dreg:s7], $0x2FFFF;
	_ =	strace $0x9FFFFFFF  }
0xc3: {  	(tm) =	ssettm $0x7FFFFFFF  }
tec
execute0_lowered:
.L_overlay_start_1:
0x0: {  	(tag) =	ssettag $0x1  }
0x1: {  	s0 =	rddreg [dreg:$0x0]  }
0x2: {  	s1 =	rddreg [dreg:$0x1]  }
0x3: {  	s2 =	rddreg [dreg:$0x2]  }
0x4: {  	s3 =	simm.s32 $0x0;
	s16 =	stileid.u32;
	s5 =	srdreg.scid  }
0x5: {  	s17 =	simm.s32 $0xC000;
	s19 =	simm.s32 $0xE000;
	s21 =	simm.s32 $0x10000  }
0x6: {  	s22 =	simm.s32 $0x1;
	s28 =	simm.s32 $0x6;
	s29 =	simm.s32 $0x7  }
0x7: {  	s30 =	simm.s32 $0x8;
	s31 =	simm.s32 $0x12000;
	s23 =	smul.u32 $0xA00, s16  }
0x8: {  	s18 =	simm.s32 $0x0;
	[smem:$0x7FF] =	sst s3;
	s6 =	smul.u32 $0x9E00, s16  }
0x9: {  	s4 =	sadd.s32 $0x1800, s0;
	s14 =	sand.u32 $0x1, s5;
	s24 =	smul.u32 $0x13C0, s16  }
0xa: {  	s26 =	sshll.u32 s16, $0x6;
	_ =	strace $0x80000047;
	s10 =	smul.u32 $0x13C00, s14  }
0xb: {  	s7 =	sshll.u32 s14, $0x4;
	s11 =	ssub.s32 $0x2, s14;
	s12 =	smul.u32 $0xA000, s14  }
0xc: {  	p0 =	seq.s32 s14, $0x1;
	p1 =	seq.s32 s14, $0x0;
	s8 =	sadd.s32 s23, s0  }
0xd: {  	s9 =	sshrl.u32 s6, $0x3;
	s7 =	sor.u32 s16, s7;
	s25 =	sshrl.u32 s11, $0x1  }
0xe: {  	s15 =	sadd.s32 s6, s2;
	s6 =	sor.u32 $0x1C09, s26;
	s16 =	simm.s32 $0xA000  }
0xf: {  	s26 =	simm.s32 $0x5;
	s9 =	sadd.s32 s9, s0;
	s7 =	smul.u32 $0x4F0, s7  }
0x10: {  	s5 =	sadd.s32 s24, s10;
	s11 =	ssub.s32 s11, s25;
	s3 =	sadd.s32 s23, s12  }
.Ltmp0:
0x11: {  	s8 =	sadd.s32 $0x29000, s8;
	s12 =	sshrl.u32 s15, $0x3;
	(pc) =	sbr.rel .LBB2_1-.Ltmp0, $4  }
0x12: {  	s15 =	simm.s32 $0x80;
	s23 =	simm.s32 $0x2;
	s24 =	simm.s32 $0x3  }
0x13: {  	s25 =	simm.s32 $0x4;
	s13 =	sadd.s32 s5, s0;
	s5 =	sadd.s32 $0x33000, s9  }
0x14: {  	s11 =	smax.u32 s11, $0x1;
	s0 =	sadd.s32 s7, s0;
	s7 =	sadd.s32 s1, s3  }
0x15: {  	v0 =	vimm.f32 $0.0e+00;
	v1 =	vimm.f32 $1.000000000e+00;
	s10 =	sadd.s32 $0x50A00, s13;
	s13 =	simm.s32 $0x9;
	s9 =	sadd.s32 $0x46C00, s0  }
.LBB2_9:
0x16: {  	_ =	swait.ge [sflag:s26], $0x2000  }
0x17: {  	[sflag:s26] =	ssyncset.done $0x0  }
0x18: {  	[sflag:s26] =	ssyncadd.s32 $0xFFFFE000  }
0x19: {  	_ =	swait.ge [sflag:s28], $0x2000  }
0x1a: {  	[sflag:s28] =	ssyncset.done $0x0  }
0x1b: {  	[sflag:s28] =	ssyncadd.s32 $0xFFFFE000  }
0x1c: {  	_ =	swait.ge [sflag:s29], $0x2000  }
0x1d: {  	[sflag:s29] =	ssyncset.done $0x0  }
0x1e: {  	[sflag:s29] =	ssyncadd.s32 $0xFFFFE000  }
.LBB2_10:
0x1f: {  	_ =	swait.ge [sflag:s30], $0x2000  }
0x20: {  	[sflag:s30] =	ssyncset.done $0x0  }
0x21: {  	s0 =	simm.s32 $0x0;
	[sflag:s30] =	ssyncadd.s32 $0xFFFFE000  }
0x22: {  	[hbm4b:s9+s0] =	stream.linear.scatter [tilespmem:s31], [sflag:$0x9], $0x2780, $0x38;
	[tilespmem:$0x1E580] =	vst v63  }
0x23: {  	_ =	swait.ge [sflag:s13], $0x2780  }
0x24: {  	s18 =	sadd.s32 $0x1, s18;
	[sflag:s13] =	ssyncset.done $0x0  }
0x25: {  	p2 =	sne.s32 s18, s11;
	[sflag:s13] =	ssyncadd.s32 $0xFFFFD880  }
.Ltmp1:
0x26: {  	[bflag:$0x0] =	sbarrier.arrive $0xFFFF;
	(pc) =	sbr.rel @!p2 .LBB2_11-.Ltmp1, $4  }
0x27: {  	[hbm:s10], [sflag:s6] =	dma.local [spmem:s12], $0x13C0  }
0x28: {  	_ =	swait.ge [sflag:s13], $0x13C0  }
0x29: {  	[sflag:s13] =	ssyncset.done $0x0  }
0x2a: {  	[sflag:s13] =	ssyncadd.s32 $0xFFFFEC40  }
.LBB2_1:
0x2b: {  	[spmem:s12], [sflag:s6] =	dma.local [hbm:s5], $0x13C0  }
0x2c: {  	_ =	swait.ge [sflag:s13], $0x13C0  }
0x2d: {  	[sflag:s13] =	ssyncset.done $0x0  }
0x2e: {  	s0 =	simm.s32 $0x40;
	s1 =	simm.s32 $0x0;
	[sflag:s13] =	ssyncadd.s32 $0xFFFFEC40  }
.LBB2_2:
0x2f: {  	p2 =	sne.s32 s0, $0x9DC0;
	[tilespmem:s1+$0x12000] =	vst v0;
	s1 =	smov.u32 s0;
	s0 =	sadd.s32 $0x40, s0  }
.Ltmp2:
0x30: {  	(pc) =	sbr.rel @p2 .LBB2_2-.Ltmp2, $2  }
0x31: {  	_ =	sdelay $0x2  }
0x32: {  	s1 =	sshra.s32 s1, $0x2  }
0x33: {  	[tilespmem:s1+$0x12000] =	vst v0  }
0x34: {  	s20 =	simm.s32 $0x0;
	[bflag:$0x0] =	sbarrier.arrive $0xFFFF  }
0x35: {  	[tilespmem:s20], [sflag:$0x9] =	stream.linear.gather [hbm4b:s7+s20], $0x5000, $0x38;
	[tilespmem:$0x1E580] =	vst v63  }
0x36: {  	_ =	swait.ge [sflag:s13], $0x5000  }
0x37: {  	[sflag:s13] =	ssyncset.done $0x0  }
0x38: {  	s0 =	simm.s32 $0x5000;
	[sflag:s13] =	ssyncadd.s32 $0xFFFFB000  }
0x39: {  	[tilespmem:s0], [sflag:$0x9] =	stream.linear.gather [hbm4b:s8+s20], $0x5000, $0x38;
	[tilespmem:$0x1E580] =	vst v63  }
0x3a: {  	_ =	swait.ge [sflag:s13], $0x5000  }
0x3b: {  	[sflag:s13] =	ssyncset.done $0x0  }
0x3c: {  	[sflag:s13] =	ssyncadd.s32 $0xFFFFB000  }
0x3d: {  	[tilespmem:s16], [sflag:$0x1] =	stream.indirect.gather [hbm4b:s4+s15], $0x40, s20, s15, $0xb8;
	[tilespmem:$0x1E580] =	vst v63  }
0x3e: {  	_ = 	snop  }
0x3f: {  	[tilespmem:s17], [sflag:$0x2] =	stream.indirect.gather [hbm4b:s4+s15], $0x40, s15, s15, $0xb8;
	[tilespmem:$0x1E580] =	vst v63  }
.Ltmp3:
0x40: {  	_ = 	snop;
	(pc) =	sbr.rel .LBB2_4-.Ltmp3, $4  }
0x41: {  	s3 =	simm.s32 $0x100  }
0x42: {  	[tilespmem:s19], [sflag:$0x3] =	stream.indirect.gather [hbm4b:s4+s15], $0x40, s3, s15, $0xb8;
	[tilespmem:$0x1E580] =	vst v63  }
0x43: {  	s14 =	simm.s32 $0x180;
	s0 =	simm.s32 $0x0  }
0x44: {  	[tilespmem:s21], [sflag:$0x4] =	stream.indirect.gather [hbm4b:s4+s15], $0x40, s14, s15, $0xb8;
	[tilespmem:$0x1E580] =	vst v63  }
.LBB2_6:
0x45: {  	s20 =	sadd.s32 $0x800, s20  }
0x46: {  	p2 =	sne.s32 s20, $0x13800  }
.Ltmp4:
0x47: {  	_ = 	snop;
	(pc) =	sbr.rel @!p2 .LBB2_7-.Ltmp4, $2  }
0x48: {  	_ =	sdelay $0x2  }
0x49: {  	s0 =	sadd.s32 $0x1, s0  }
.LBB2_4:
0x4a: {  	_ =	swait.ge [sflag:s22], $0x2000  }
0x4b: {  	s1 =	sshra.s32 s20, $0x2;
	[sflag:s22] =	ssyncset.done $0x0  }
0x4c: {  	s3 =	sadd.s32 $0x5000, s1;
	[sflag:s22] =	ssyncadd.s32 $0xFFFFE000  }
0x4d: {  	[spmem:s2] =	stream.indirect.scatter.add.f32 [tilespmem:s16], [sflag:$0x5], $0x40, s3, s15, $0xb8;
	[tilespmem:$0x1E580] =	vst v63  }
0x4e: {  	_ =	swait.ge [sflag:s23], $0x2000  }
0x4f: {  	[sflag:s23] =	ssyncset.done $0x0  }
0x50: {  	s14 =	sadd.s32 $0x5080, s1;
	[sflag:s23] =	ssyncadd.s32 $0xFFFFE000  }
0x51: {  	[spmem:s2] =	stream.indirect.scatter.add.f32 [tilespmem:s17], [sflag:$0x6], $0x40, s14, s15, $0xb8;
	[tilespmem:$0x1E580] =	vst v63  }
0x52: {  	_ =	swait.ge [sflag:s24], $0x2000  }
0x53: {  	[sflag:s24] =	ssyncset.done $0x0  }
0x54: {  	s14 =	sadd.s32 $0x5100, s1;
	[sflag:s24] =	ssyncadd.s32 $0xFFFFE000  }
0x55: {  	[spmem:s2] =	stream.indirect.scatter.add.f32 [tilespmem:s19], [sflag:$0x7], $0x40, s14, s15, $0xb8;
	[tilespmem:$0x1E580] =	vst v63  }
0x56: {  	_ =	swait.ge [sflag:s25], $0x2000  }
0x57: {  	[sflag:s25] =	ssyncset.done $0x0  }
0x58: {  	s14 =	sadd.s32 $0x5180, s1;
	[sflag:s25] =	ssyncadd.s32 $0xFFFFE000  }
0x59: {  	[spmem:s2] =	stream.indirect.scatter.add.f32 [tilespmem:s21], [sflag:$0x8], $0x40, s14, s15, $0xb8;
	[tilespmem:$0x1E580] =	vst v63  }
0x5a: {  	_ =	swait.ge [sflag:s26], $0x2000  }
0x5b: {  	[sflag:s26] =	ssyncset.done $0x0  }
0x5c: {  	s14 =	sadd.s32 $0x200, s1;
	[sflag:s26] =	ssyncadd.s32 $0xFFFFE000  }
0x5d: {  	[tilespmem:s16], [sflag:$0x1] =	stream.indirect.gather [hbm4b:s4+s15], $0x40, s14, s15, $0xb8;
	[tilespmem:$0x1E580] =	vst v63  }
0x5e: {  	_ =	swait.ge [sflag:s28], $0x2000  }
0x5f: {  	[sflag:s28] =	ssyncset.done $0x0  }
0x60: {  	s14 =	sadd.s32 $0x280, s1;
	[sflag:s28] =	ssyncadd.s32 $0xFFFFE000  }
0x61: {  	[tilespmem:s17], [sflag:$0x2] =	stream.indirect.gather [hbm4b:s4+s15], $0x40, s14, s15, $0xb8;
	[tilespmem:$0x1E580] =	vst v63  }
0x62: {  	_ =	swait.ge [sflag:s29], $0x2000  }
0x63: {  	[sflag:s29] =	ssyncset.done $0x0  }
0x64: {  	s14 =	sadd.s32 $0x300, s1;
	[sflag:s29] =	ssyncadd.s32 $0xFFFFE000  }
0x65: {  	[tilespmem:s19], [sflag:$0x3] =	stream.indirect.gather [hbm4b:s4+s15], $0x40, s14, s15, $0xb8;
	[tilespmem:$0x1E580] =	vst v63  }
0x66: {  	_ =	swait.ge [sflag:s30], $0x2000  }
0x67: {  	[sflag:s30] =	ssyncset.done $0x0  }
0x68: {  	s14 =	sadd.s32 $0x380, s1;
	[sflag:s30] =	ssyncadd.s32 $0xFFFFE000  }
0x69: {  	[tilespmem:s21], [sflag:$0x4] =	stream.indirect.gather [hbm4b:s4+s15], $0x40, s14, s15, $0xb8;
	[tilespmem:$0x1E580] =	vst v63  }
0x6a: {  	p2 =	slt.u32 s0, $0x14;
	s3 =	simm.s32 $0x1;
	s14 =	simm.s32 $0x1  }
0x6b: {  	s3 =	simm.s32 @!p0 $0x0;
	s14 =	simm.s32 @!p2 $0x0  }
0x6c: {  	p2 =	seq.s32 s14, s3  }
.Ltmp5:
0x6d: {  	_ = 	snop;
	(pc) =	sbr.rel @p2 .LBB2_6-.Ltmp5, $1  }
0x6e: {  	_ =	sdelay $0x3  }
0x6f: {  	v2 =	vld [tilespmem:s1+$0x5000];
	_ =	sdelay $0x7  }
0x70: {  	[tilespmem:v2+s31+$0x0] =	vst.idx.add.f32.msk $0xffff, v1  }
0x71: {  	v2 =	vld [tilespmem:s1+$0x5010];
	_ =	sdelay $0x7  }
0x72: {  	[tilespmem:v2+s31+$0x0] =	vst.idx.add.f32.msk $0xffff, v1  }
0x73: {  	v2 =	vld [tilespmem:s1+$0x5020];
	_ =	sdelay $0x7  }
0x74: {  	[tilespmem:v2+s31+$0x0] =	vst.idx.add.f32.msk $0xffff, v1  }
0x75: {  	v2 =	vld [tilespmem:s1+$0x5030];
	_ =	sdelay $0x7  }
0x76: {  	[tilespmem:v2+s31+$0x0] =	vst.idx.add.f32.msk $0xffff, v1  }
0x77: {  	v2 =	vld [tilespmem:s1+$0x5040];
	_ =	sdelay $0x7  }
0x78: {  	[tilespmem:v2+s31+$0x0] =	vst.idx.add.f32.msk $0xffff, v1  }
0x79: {  	v2 =	vld [tilespmem:s1+$0x5050];
	_ =	sdelay $0x7  }
0x7a: {  	[tilespmem:v2+s31+$0x0] =	vst.idx.add.f32.msk $0xffff, v1  }
0x7b: {  	v2 =	vld [tilespmem:s1+$0x5060];
	_ =	sdelay $0x7  }
0x7c: {  	[tilespmem:v2+s31+$0x0] =	vst.idx.add.f32.msk $0xffff, v1  }
0x7d: {  	v2 =	vld [tilespmem:s1+$0x5070];
	_ =	sdelay $0x7  }
0x7e: {  	[tilespmem:v2+s31+$0x0] =	vst.idx.add.f32.msk $0xffff, v1  }
0x7f: {  	v2 =	vld [tilespmem:s1+$0x5080];
	_ =	sdelay $0x7  }
0x80: {  	[tilespmem:v2+s31+$0x0] =	vst.idx.add.f32.msk $0xffff, v1  }
0x81: {  	v2 =	vld [tilespmem:s1+$0x5090];
	_ =	sdelay $0x7  }
0x82: {  	[tilespmem:v2+s31+$0x0] =	vst.idx.add.f32.msk $0xffff, v1  }
0x83: {  	v2 =	vld [tilespmem:s1+$0x50A0];
	_ =	sdelay $0x7  }
0x84: {  	[tilespmem:v2+s31+$0x0] =	vst.idx.add.f32.msk $0xffff, v1  }
0x85: {  	v2 =	vld [tilespmem:s1+$0x50B0];
	_ =	sdelay $0x7  }
0x86: {  	[tilespmem:v2+s31+$0x0] =	vst.idx.add.f32.msk $0xffff, v1  }
0x87: {  	v2 =	vld [tilespmem:s1+$0x50C0];
	_ =	sdelay $0x7  }
0x88: {  	[tilespmem:v2+s31+$0x0] =	vst.idx.add.f32.msk $0xffff, v1  }
0x89: {  	v2 =	vld [tilespmem:s1+$0x50D0];
	_ =	sdelay $0x7  }
0x8a: {  	[tilespmem:v2+s31+$0x0] =	vst.idx.add.f32.msk $0xffff, v1  }
0x8b: {  	v2 =	vld [tilespmem:s1+$0x50E0];
	_ =	sdelay $0x7  }
0x8c: {  	[tilespmem:v2+s31+$0x0] =	vst.idx.add.f32.msk $0xffff, v1  }
0x8d: {  	v2 =	vld [tilespmem:s1+$0x50F0];
	_ =	sdelay $0x7  }
0x8e: {  	[tilespmem:v2+s31+$0x0] =	vst.idx.add.f32.msk $0xffff, v1  }
0x8f: {  	v2 =	vld [tilespmem:s1+$0x5100];
	_ =	sdelay $0x7  }
0x90: {  	[tilespmem:v2+s31+$0x0] =	vst.idx.add.f32.msk $0xffff, v1  }
0x91: {  	v2 =	vld [tilespmem:s1+$0x5110];
	_ =	sdelay $0x7  }
0x92: {  	[tilespmem:v2+s31+$0x0] =	vst.idx.add.f32.msk $0xffff, v1  }
0x93: {  	v2 =	vld [tilespmem:s1+$0x5120];
	_ =	sdelay $0x7  }
0x94: {  	[tilespmem:v2+s31+$0x0] =	vst.idx.add.f32.msk $0xffff, v1  }
0x95: {  	v2 =	vld [tilespmem:s1+$0x5130];
	_ =	sdelay $0x7  }
0x96: {  	[tilespmem:v2+s31+$0x0] =	vst.idx.add.f32.msk $0xffff, v1  }
0x97: {  	v2 =	vld [tilespmem:s1+$0x5140];
	_ =	sdelay $0x7  }
0x98: {  	[tilespmem:v2+s31+$0x0] =	vst.idx.add.f32.msk $0xffff, v1  }
0x99: {  	v2 =	vld [tilespmem:s1+$0x5150];
	_ =	sdelay $0x7  }
0x9a: {  	[tilespmem:v2+s31+$0x0] =	vst.idx.add.f32.msk $0xffff, v1  }
0x9b: {  	v2 =	vld [tilespmem:s1+$0x5160];
	_ =	sdelay $0x7  }
0x9c: {  	[tilespmem:v2+s31+$0x0] =	vst.idx.add.f32.msk $0xffff, v1  }
0x9d: {  	v2 =	vld [tilespmem:s1+$0x5170];
	_ =	sdelay $0x7  }
0x9e: {  	[tilespmem:v2+s31+$0x0] =	vst.idx.add.f32.msk $0xffff, v1  }
0x9f: {  	v2 =	vld [tilespmem:s1+$0x5180];
	_ =	sdelay $0x7  }
0xa0: {  	[tilespmem:v2+s31+$0x0] =	vst.idx.add.f32.msk $0xffff, v1  }
0xa1: {  	v2 =	vld [tilespmem:s1+$0x5190];
	_ =	sdelay $0x7  }
0xa2: {  	[tilespmem:v2+s31+$0x0] =	vst.idx.add.f32.msk $0xffff, v1  }
0xa3: {  	v2 =	vld [tilespmem:s1+$0x51A0];
	_ =	sdelay $0x7  }
0xa4: {  	[tilespmem:v2+s31+$0x0] =	vst.idx.add.f32.msk $0xffff, v1  }
0xa5: {  	v2 =	vld [tilespmem:s1+$0x51B0];
	_ =	sdelay $0x7  }
0xa6: {  	[tilespmem:v2+s31+$0x0] =	vst.idx.add.f32.msk $0xffff, v1  }
0xa7: {  	v2 =	vld [tilespmem:s1+$0x51C0];
	_ =	sdelay $0x7  }
0xa8: {  	[tilespmem:v2+s31+$0x0] =	vst.idx.add.f32.msk $0xffff, v1  }
0xa9: {  	v2 =	vld [tilespmem:s1+$0x51D0];
	_ =	sdelay $0x7  }
0xaa: {  	[tilespmem:v2+s31+$0x0] =	vst.idx.add.f32.msk $0xffff, v1  }
0xab: {  	v2 =	vld [tilespmem:s1+$0x51E0];
	_ =	sdelay $0x7  }
0xac: {  	[tilespmem:v2+s31+$0x0] =	vst.idx.add.f32.msk $0xffff, v1  }
0xad: {  	v2 =	vld [tilespmem:s1+$0x51F0];
	_ =	sdelay $0x3  }
.Ltmp6:
0xae: {  	_ = 	snop;
	(pc) =	sbr.rel .LBB2_6-.Ltmp6, $2  }
0xaf: {  	_ =	sdelay $0x2  }
0xb0: {  	[tilespmem:v2+s31+$0x0] =	vst.idx.add.f32.msk $0xffff, v1  }
.LBB2_7:
0xb1: {  	_ =	swait.ge [sflag:s22], $0x2000  }
0xb2: {  	[sflag:s22] =	ssyncset.done $0x0  }
0xb3: {  	s0 =	simm.s32 $0x9E00;
	[sflag:s22] =	ssyncadd.s32 $0xFFFFE000  }
0xb4: {  	[spmem:s2] =	stream.indirect.scatter.add.f32 [tilespmem:s16], [sflag:$0x5], $0x40, s0, s15, $0xb8;
	[tilespmem:$0x1E580] =	vst v63  }
0xb5: {  	_ =	swait.ge [sflag:s23], $0x2000  }
0xb6: {  	[sflag:s23] =	ssyncset.done $0x0  }
0xb7: {  	s3 =	simm.s32 $0x9E80;
	[sflag:s23] =	ssyncadd.s32 $0xFFFFE000  }
0xb8: {  	[spmem:s2] =	stream.indirect.scatter.add.f32 [tilespmem:s17], [sflag:$0x6], $0x40, s3, s15, $0xb8;
	[tilespmem:$0x1E580] =	vst v63  }
0xb9: {  	_ =	swait.ge [sflag:s24], $0x2000  }
0xba: {  	[sflag:s24] =	ssyncset.done $0x0  }
0xbb: {  	s14 =	simm.s32 $0x9F00;
	[sflag:s24] =	ssyncadd.s32 $0xFFFFE000  }
0xbc: {  	[spmem:s2] =	stream.indirect.scatter.add.f32 [tilespmem:s19], [sflag:$0x7], $0x40, s14, s15, $0xb8;
	[tilespmem:$0x1E580] =	vst v63  }
.Ltmp7:
0xbd: {  	_ = 	snop;
	(pc) =	sbr.rel @p1 .LBB2_9-.Ltmp7, $4  }
0xbe: {  	_ =	swait.ge [sflag:s25], $0x2000  }
0xbf: {  	[sflag:s25] =	ssyncset.done $0x0  }
0xc0: {  	s20 =	simm.s32 $0x9F80;
	[sflag:s25] =	ssyncadd.s32 $0xFFFFE000  }
0xc1: {  	[spmem:s2] =	stream.indirect.scatter.add.f32 [tilespmem:s21], [sflag:$0x8], $0x40, s20, s15, $0xb8;
	[tilespmem:$0x1E580] =	vst v63  }
0xc2: {  	v2 =	vld [tilespmem:$0x9E00];
	_ =	sdelay $0x7  }
0xc3: {  	[tilespmem:v2+s31+$0x0] =	vst.idx.add.f32.msk $0xffff, v1  }
0xc4: {  	v2 =	vld [tilespmem:$0x9E10];
	_ =	sdelay $0x7  }
0xc5: {  	[tilespmem:v2+s31+$0x0] =	vst.idx.add.f32.msk $0xffff, v1  }
0xc6: {  	v2 =	vld [tilespmem:$0x9E20];
	_ =	sdelay $0x7  }
0xc7: {  	[tilespmem:v2+s31+$0x0] =	vst.idx.add.f32.msk $0xffff, v1  }
0xc8: {  	v2 =	vld [tilespmem:$0x9E30];
	_ =	sdelay $0x7  }
0xc9: {  	[tilespmem:v2+s31+$0x0] =	vst.idx.add.f32.msk $0xffff, v1  }
0xca: {  	v2 =	vld [tilespmem:$0x9E40];
	_ =	sdelay $0x7  }
0xcb: {  	[tilespmem:v2+s31+$0x0] =	vst.idx.add.f32.msk $0xffff, v1  }
0xcc: {  	v2 =	vld [tilespmem:$0x9E50];
	_ =	sdelay $0x7  }
0xcd: {  	[tilespmem:v2+s31+$0x0] =	vst.idx.add.f32.msk $0xffff, v1  }
0xce: {  	v2 =	vld [tilespmem:$0x9E60];
	_ =	sdelay $0x7  }
0xcf: {  	[tilespmem:v2+s31+$0x0] =	vst.idx.add.f32.msk $0xffff, v1  }
0xd0: {  	v2 =	vld [tilespmem:$0x9E70];
	_ =	sdelay $0x7  }
0xd1: {  	[tilespmem:v2+s31+$0x0] =	vst.idx.add.f32.msk $0xffff, v1  }
0xd2: {  	_ =	swait.ge [sflag:s26], $0x2000  }
0xd3: {  	[sflag:s26] =	ssyncset.done $0x0  }
0xd4: {  	[sflag:s26] =	ssyncadd.s32 $0xFFFFE000  }
0xd5: {  	v2 =	vld [tilespmem:$0x9E80];
	_ =	sdelay $0x7  }
0xd6: {  	[tilespmem:v2+s31+$0x0] =	vst.idx.add.f32.msk $0xffff, v1  }
0xd7: {  	v2 =	vld [tilespmem:$0x9E90];
	_ =	sdelay $0x7  }
0xd8: {  	[tilespmem:v2+s31+$0x0] =	vst.idx.add.f32.msk $0xffff, v1  }
0xd9: {  	v2 =	vld [tilespmem:$0x9EA0];
	_ =	sdelay $0x7  }
0xda: {  	[tilespmem:v2+s31+$0x0] =	vst.idx.add.f32.msk $0xffff, v1  }
0xdb: {  	v2 =	vld [tilespmem:$0x9EB0];
	_ =	sdelay $0x7  }
0xdc: {  	[tilespmem:v2+s31+$0x0] =	vst.idx.add.f32.msk $0xffff, v1  }
0xdd: {  	v2 =	vld [tilespmem:$0x9EC0];
	_ =	sdelay $0x7  }
0xde: {  	[tilespmem:v2+s31+$0x0] =	vst.idx.add.f32.msk $0xffff, v1  }
0xdf: {  	v2 =	vld [tilespmem:$0x9ED0];
	_ =	sdelay $0x7  }
0xe0: {  	[tilespmem:v2+s31+$0x0] =	vst.idx.add.f32.msk $0xffff, v1  }
0xe1: {  	v2 =	vld [tilespmem:$0x9EE0];
	_ =	sdelay $0x7  }
0xe2: {  	[tilespmem:v2+s31+$0x0] =	vst.idx.add.f32.msk $0xffff, v1  }
0xe3: {  	v2 =	vld [tilespmem:$0x9EF0];
	_ =	sdelay $0x7  }
0xe4: {  	[tilespmem:v2+s31+$0x0] =	vst.idx.add.f32.msk $0xffff, v1  }
0xe5: {  	_ =	swait.ge [sflag:s28], $0x2000  }
0xe6: {  	[sflag:s28] =	ssyncset.done $0x0  }
0xe7: {  	[sflag:s28] =	ssyncadd.s32 $0xFFFFE000  }
0xe8: {  	v2 =	vld [tilespmem:$0x9F00];
	_ =	sdelay $0x7  }
0xe9: {  	[tilespmem:v2+s31+$0x0] =	vst.idx.add.f32.msk $0xffff, v1  }
0xea: {  	v2 =	vld [tilespmem:$0x9F10];
	_ =	sdelay $0x7  }
0xeb: {  	[tilespmem:v2+s31+$0x0] =	vst.idx.add.f32.msk $0xffff, v1  }
0xec: {  	v2 =	vld [tilespmem:$0x9F20];
	_ =	sdelay $0x7  }
0xed: {  	[tilespmem:v2+s31+$0x0] =	vst.idx.add.f32.msk $0xffff, v1  }
0xee: {  	v2 =	vld [tilespmem:$0x9F30];
	_ =	sdelay $0x7  }
0xef: {  	[tilespmem:v2+s31+$0x0] =	vst.idx.add.f32.msk $0xffff, v1  }
0xf0: {  	v2 =	vld [tilespmem:$0x9F40];
	_ =	sdelay $0x7  }
0xf1: {  	[tilespmem:v2+s31+$0x0] =	vst.idx.add.f32.msk $0xffff, v1  }
0xf2: {  	v2 =	vld [tilespmem:$0x9F50];
	_ =	sdelay $0x7  }
0xf3: {  	[tilespmem:v2+s31+$0x0] =	vst.idx.add.f32.msk $0xffff, v1  }
0xf4: {  	v2 =	vld [tilespmem:$0x9F60];
	_ =	sdelay $0x7  }
0xf5: {  	[tilespmem:v2+s31+$0x0] =	vst.idx.add.f32.msk $0xffff, v1  }
0xf6: {  	v2 =	vld [tilespmem:$0x9F70];
	_ =	sdelay $0x7  }
0xf7: {  	[tilespmem:v2+s31+$0x0] =	vst.idx.add.f32.msk $0xffff, v1  }
0xf8: {  	_ =	swait.ge [sflag:s29], $0x2000  }
0xf9: {  	[sflag:s29] =	ssyncset.done $0x0  }
0xfa: {  	[sflag:s29] =	ssyncadd.s32 $0xFFFFE000  }
0xfb: {  	v2 =	vld [tilespmem:$0x9F80];
	_ =	sdelay $0x7  }
0xfc: {  	[tilespmem:v2+s31+$0x0] =	vst.idx.add.f32.msk $0xffff, v1  }
0xfd: {  	v2 =	vld [tilespmem:$0x9F90];
	_ =	sdelay $0x7  }
0xfe: {  	[tilespmem:v2+s31+$0x0] =	vst.idx.add.f32.msk $0xffff, v1  }
0xff: {  	v2 =	vld [tilespmem:$0x9FA0];
	_ =	sdelay $0x7  }
0x100: {  	[tilespmem:v2+s31+$0x0] =	vst.idx.add.f32.msk $0xffff, v1  }
0x101: {  	v2 =	vld [tilespmem:$0x9FB0];
	_ =	sdelay $0x7  }
0x102: {  	[tilespmem:v2+s31+$0x0] =	vst.idx.add.f32.msk $0xffff, v1  }
0x103: {  	v2 =	vld [tilespmem:$0x9FC0];
	_ =	sdelay $0x7  }
0x104: {  	[tilespmem:v2+s31+$0x0] =	vst.idx.add.f32.msk $0xffff, v1  }
0x105: {  	v2 =	vld [tilespmem:$0x9FD0];
	_ =	sdelay $0x7  }
0x106: {  	[tilespmem:v2+s31+$0x0] =	vst.idx.add.f32.msk $0xffff, v1  }
0x107: {  	v2 =	vld [tilespmem:$0x9FE0];
	_ =	sdelay $0x7  }
0x108: {  	[tilespmem:v2+s31+$0x0] =	vst.idx.add.f32.msk $0xffff, v1  }
0x109: {  	v2 =	vld [tilespmem:$0x9FF0];
	_ =	sdelay $0x3  }
.Ltmp8:
0x10a: {  	_ = 	snop;
	(pc) =	sbr.rel .LBB2_10-.Ltmp8, $2  }
0x10b: {  	_ =	sdelay $0x2  }
0x10c: {  	[tilespmem:v2+s31+$0x0] =	vst.idx.add.f32.msk $0xffff, v1  }
.LBB2_11:
0x10d: {  	_ =	sfence.sel $0x180000  }
0x10e: {  	[bflag:$0x0] =	sbarrier.arrive $0xFFFF  }
0x10f: {  	_ =	strace $0x90000047  }
0x110: {  	s0 =	stileid.u32;
	[bflag:$0x2] =	sbarrier.arrive $0xFFFF  }
0x111: {  	p0 =	sne.s32 s0, $0x0;
	s0 =	rddreg [dreg:$0x3]  }
0x112: {  	s0 =	sadd.s32 @!p0 $0x100000, s0  }
0x113: {  	[sflag:s0] =	ssyncadd.tile.s32 @!p0 $0x1;
	_ =	shalt  }
.Lfunc_end2:
_tile_overlayer_lowered:
.L_overlay_start_2:
0x114: {  	(tag) =	ssettag $0x2  }
0x115: {  	s0 =	rddreg [dreg:$0x0];
	s2 =	stileid.u32  }
0x116: {  	s1 =	rddreg [dreg:$0x1];
	p0 =	sne.s32 s2, $0x0  }
0x117: {  	s3 =	rddreg [dreg:$0x2];
	[bflag:$0x3] =	sbarrier.arrive $0xFFFF;
	s2 =	simm.s32 @!p0 $0x1C09  }
0x118: {  	[timem:s3], [sflag:s2] =	dma.local @!p0 [hbm:s0], s1  }
0x119: {  	s0 =	simm.s32 @!p0 $0x9  }
0x11a: {  	_ =	swait.ge @!p0 [sflag:s0], s1  }
0x11b: {  	s1 =	ssub.s32 @!p0 $0x0, s1;
	[sflag:s0] =	ssyncset.done @!p0 $0x0  }
0x11c: {  	[sflag:s0] =	ssyncadd.s32 @!p0 s1  }
0x11d: {  	[bflag:$0x3] =	sbarrier.arrive $0xFFFF  }
0x11e: {  	_ =	shalt  }

</sc_bundles>
